<compile_context>
chip_gen: v7x
topology: tpu7x:2x2x1
jax: 0.10.2.dev20260603
libtpu: 0.0.44.dev20260713+nightly
codegen_flags: <defaults>
</compile_context>

<pallas_src>
import functools

import jax
import jax.numpy as jnp
from jax import lax
from jax.experimental import pallas as pl
from jax.experimental.pallas import tpu as pltpu
from jax.experimental.pallas import tpu_sc as plsc

f32 = jnp.float32

N = 10000
NPAD = 10240
RPT = NPAD // 16
ALPHA = 0.2
NFEAT = 128
F1 = 256
FH = 128
NCLASS = 40
FP = 128
E = 320000
CW = 64
CH1 = 320
IB1 = 32
CHD = 80
CH2 = 160
IB2 = 32
NB = 4
E1 = 16 * CH1 * CW
E2 = 32 * CH2 * CW
BLK = 512

_mesh = plsc.VectorSubcoreMesh(core_axis_name="c", subcore_axis_name="s")


def _fill(ref, rows, cols, value):

    @pl.loop(0, rows)
    def _(r):
        @pl.loop(0, cols // 16)
        def _(q):
            ref[r, pl.ds(q * 16, 16)] = jnp.full((16,), value, f32)


def _zero_acc_slice(zbuf, acc, base):

    @pl.loop(0, RPT // 128)
    def _(k):
        pltpu.sync_copy(zbuf, acc.at[pl.ds(base + k * 128, 128)])


def _zero_acc2(zb0, acc, base):

    @pl.loop(0, RPT // CW)
    def _(k):
        pltpu.sync_copy(zb0, acc.at[pl.ds(base + k * CW, CW)])


@functools.partial(
    pl.kernel,
    out_type=(jax.ShapeDtypeStruct((NPAD, 16), f32),
              jax.ShapeDtypeStruct((NPAD, 16), f32)),
    mesh=_mesh,
    scratch_types=[pltpu.VMEM((CHD, 128), jnp.int32),
                   pltpu.VMEM((128, 16), f32),
                   pltpu.VMEM_SHARED((NPAD, 16), f32)],
)
def _deg_kernel(dst_hbm, o0_hbm, o1_hbm, idx_v, buf_v, acc_s):
    c = lax.axis_index("c")
    s = lax.axis_index("s")
    wid = c * 16 + s
    base = s * RPT

    _fill(buf_v, 128, 16, 0.0)
    _zero_acc_slice(buf_v, acc_s, base)
    pltpu.sync_copy(dst_hbm.at[wid], idx_v)
    _fill(buf_v, 128, 16, 1.0)
    plsc.subcore_barrier()

    @pl.loop(0, CHD)
    def _(j):
        pltpu.sync_copy(buf_v, acc_s.at[idx_v.at[j]], add=True)

    plsc.subcore_barrier()

    @pl.when(c == 0)
    def _():
        pltpu.sync_copy(acc_s.at[pl.ds(base, RPT)], o0_hbm.at[pl.ds(base, RPT)])

    @pl.when(c == 1)
    def _():
        pltpu.sync_copy(acc_s.at[pl.ds(base, RPT)], o1_hbm.at[pl.ds(base, RPT)])


@functools.partial(
    pl.kernel,
    out_type=(jax.ShapeDtypeStruct((NPAD, FH), f32),
              jax.ShapeDtypeStruct((NPAD, FH), f32)),
    mesh=_mesh,
    scratch_types=[pltpu.VMEM((IB1, CW), jnp.int32),
                   pltpu.VMEM((IB1, CW), jnp.int32)]
                  + [pltpu.VMEM((CW, FH), f32)] * NB
                  + [pltpu.VMEM_SHARED((NPAD, FH), f32)]
                  + [pltpu.SemaphoreType.DMA] * (2 * NB),
)
def _agg1_kernel(hsa_hbm, hsb_hbm, src_hbm, dst_hbm, oa_hbm, ob_hbm,
                 src_v, dst_v, *rest):
    gbufs = rest[:NB]
    acc_s = rest[NB]
    gsems = rest[NB + 1:2 * NB + 1]
    ssems = rest[2 * NB + 1:]
    c = lax.axis_index("c")
    s = lax.axis_index("s")
    base = s * RPT

    _fill(gbufs[0], CW, FH, 0.0)
    _zero_acc2(gbufs[0], acc_s, base)
    plsc.subcore_barrier()

    def edge_loop(tbl):
        def swait(b):
            pltpu.make_async_copy(tbl.at[pl.ds(0, CW)],
                                  acc_s.at[pl.ds(0, CW)], ssems[b]).wait()

        @pl.loop(0, CH1 // IB1)
        def _(r):
            pltpu.sync_copy(src_hbm.at[s, pl.ds(r * IB1, IB1)], src_v)
            pltpu.sync_copy(dst_hbm.at[s, pl.ds(r * IB1, IB1)], dst_v)
            for b in range(NB):
                @pl.when(r > 0)
                def _():
                    swait(b)
                pltpu.async_copy(tbl.at[src_v.at[b]], gbufs[b], gsems[b])

            @pl.loop(0, IB1 // NB)
            def _(t):
                for b in range(NB):
                    j = NB * t + b
                    pltpu.make_async_copy(tbl.at[pl.ds(0, CW)], gbufs[b],
                                          gsems[b]).wait()
                    pltpu.async_copy(gbufs[b], acc_s.at[dst_v.at[j]],
                                     ssems[b], add=True)
                    bp = (b + NB - 1) % NB
                    k = j + NB - 1

                    @pl.when((j >= 1) & (k < IB1))
                    def _():
                        swait(bp)
                        pltpu.async_copy(tbl.at[src_v.at[k]], gbufs[bp],
                                         gsems[bp])

        for b in range(NB):
            swait(b)

    @pl.when(c == 0)
    def _():
        edge_loop(hsa_hbm)

    @pl.when(c == 1)
    def _():
        edge_loop(hsb_hbm)

    plsc.subcore_barrier()

    @pl.when(c == 0)
    def _():
        pltpu.sync_copy(acc_s.at[pl.ds(base, RPT)], oa_hbm.at[pl.ds(base, RPT)])

    @pl.when(c == 1)
    def _():
        pltpu.sync_copy(acc_s.at[pl.ds(base, RPT)], ob_hbm.at[pl.ds(base, RPT)])


@functools.partial(
    pl.kernel,
    out_type=(jax.ShapeDtypeStruct((NPAD, FP), f32),
              jax.ShapeDtypeStruct((NPAD, FP), f32)),
    mesh=_mesh,
    scratch_types=[pltpu.VMEM((IB2, CW), jnp.int32),
                   pltpu.VMEM((IB2, CW), jnp.int32)]
                  + [pltpu.VMEM((CW, FP), f32)] * NB
                  + [pltpu.VMEM_SHARED((NPAD, FP), f32)]
                  + [pltpu.SemaphoreType.DMA] * (2 * NB),
)
def _agg2_kernel(hs2a_hbm, hs2b_hbm, src_hbm, dst_hbm, o0_hbm, o1_hbm,
                 src_v, dst_v, *rest):
    gbufs = rest[:NB]
    acc_s = rest[NB]
    gsems = rest[NB + 1:2 * NB + 1]
    ssems = rest[2 * NB + 1:]
    c = lax.axis_index("c")
    s = lax.axis_index("s")
    wid = c * 16 + s
    base = s * RPT

    _fill(gbufs[0], CW, FP, 0.0)
    _zero_acc2(gbufs[0], acc_s, base)
    plsc.subcore_barrier()

    def edge_loop(tbl):
        def swait(b):
            pltpu.make_async_copy(tbl.at[pl.ds(0, CW)],
                                  acc_s.at[pl.ds(0, CW)], ssems[b]).wait()

        @pl.loop(0, CH2 // IB2)
        def _(r):
            pltpu.sync_copy(src_hbm.at[wid, pl.ds(r * IB2, IB2)], src_v)
            pltpu.sync_copy(dst_hbm.at[wid, pl.ds(r * IB2, IB2)], dst_v)
            for b in range(NB):
                @pl.when(r > 0)
                def _():
                    swait(b)
                pltpu.async_copy(tbl.at[src_v.at[b]], gbufs[b], gsems[b])

            @pl.loop(0, IB2 // NB)
            def _(t):
                for b in range(NB):
                    j = NB * t + b
                    pltpu.make_async_copy(tbl.at[pl.ds(0, CW)], gbufs[b],
                                          gsems[b]).wait()
                    pltpu.async_copy(gbufs[b], acc_s.at[dst_v.at[j]],
                                     ssems[b], add=True)
                    bp = (b + NB - 1) % NB
                    k = j + NB - 1

                    @pl.when((j >= 1) & (k < IB2))
                    def _():
                        swait(bp)
                        pltpu.async_copy(tbl.at[src_v.at[k]], gbufs[bp],
                                         gsems[bp])

        for b in range(NB):
            swait(b)

    @pl.when(c == 0)
    def _():
        edge_loop(hs2a_hbm)

    @pl.when(c == 1)
    def _():
        edge_loop(hs2b_hbm)

    plsc.subcore_barrier()

    @pl.when(c == 0)
    def _():
        pltpu.sync_copy(acc_s.at[pl.ds(base, RPT)], o0_hbm.at[pl.ds(base, RPT)])

    @pl.when(c == 1)
    def _():
        pltpu.sync_copy(acc_s.at[pl.ds(base, RPT)], o1_hbm.at[pl.ds(base, RPT)])


def _dinv(d0_ref, d1_ref):
    deg = d0_ref[:, 0:1] + d1_ref[:, 0:1] + 1.0
    return lax.rsqrt(deg)


def _dense1_body(x_ref, wl_ref, bl_ref, w1_ref, o_ref):
    h0 = jnp.dot(x_ref[...], wl_ref[...], preferred_element_type=f32) + bl_ref[...]
    h0 = jnp.maximum(h0, ALPHA * h0)
    o_ref[...] = jnp.dot(h0, w1_ref[...], preferred_element_type=f32)


def _scale_body(h2_ref, d0_ref, d1_ref, oa_ref, ob_ref):
    hs = h2_ref[...] * _dinv(d0_ref, d1_ref)
    oa_ref[...] = hs[:, :FH]
    ob_ref[...] = hs[:, FH:]


def _dense2_body(ga_ref, gb_ref, ha_ref, hb_ref, d0_ref, d1_ref, b1_ref,
                 w2_ref, oa_ref, ob_ref):
    dinv = _dinv(d0_ref, d1_ref)
    t = jnp.concatenate([ga_ref[...] + ha_ref[...], gb_ref[...] + hb_ref[...]],
                        axis=1)
    t = t * dinv + b1_ref[...]
    h1 = jnp.maximum(t, ALPHA * t)
    hs2 = jnp.dot(h1, w2_ref[...], preferred_element_type=f32) * dinv
    oa_ref[...] = hs2
    ob_ref[...] = hs2


def _final_body(p0_ref, p1_ref, hs2_ref, d0_ref, d1_ref, b2_ref, o_ref):
    z = (p0_ref[...] + p1_ref[...] + hs2_ref[...]) * _dinv(d0_ref, d1_ref)
    z = z + b2_ref[...]
    col = lax.broadcasted_iota(jnp.int32, z.shape, 1)
    valid = col < NCLASS
    zm = jnp.where(valid, z, -jnp.inf)
    m = jnp.max(zm, axis=1, keepdims=True)
    e = jnp.where(valid, jnp.exp(z - m), 0.0)
    lse = jnp.log(jnp.sum(e, axis=1, keepdims=True)) + m
    o_ref[...] = z - lse


def _row_spec(width):
    return pl.BlockSpec((BLK, width), lambda i: (i, 0))


def _full_spec(shape):
    return pl.BlockSpec(shape, lambda i: (0, 0))


_GRID = (NPAD // BLK,)


def _dense1(x_p, Wl, bl2, W1):
    return pl.pallas_call(
        _dense1_body,
        grid=_GRID,
        in_specs=[_row_spec(NFEAT), _full_spec((NFEAT, F1)),
                  _full_spec((1, F1)), _full_spec((F1, F1))],
        out_specs=_row_spec(F1),
        out_shape=jax.ShapeDtypeStruct((NPAD, F1), f32),
    )(x_p, Wl, bl2, W1)


def _scale_split(h2, d0, d1):
    return pl.pallas_call(
        _scale_body,
        grid=_GRID,
        in_specs=[_row_spec(F1), _row_spec(16), _row_spec(16)],
        out_specs=[_row_spec(FH)] * 2,
        out_shape=[jax.ShapeDtypeStruct((NPAD, FH), f32)] * 2,
    )(h2, d0, d1)


def _dense2(ga, gb, ha, hb, d0, d1, b12, W2p):
    return pl.pallas_call(
        _dense2_body,
        grid=_GRID,
        in_specs=[_row_spec(FH), _row_spec(FH), _row_spec(FH), _row_spec(FH),
                  _row_spec(16), _row_spec(16), _full_spec((1, F1)),
                  _full_spec((F1, FP))],
        out_specs=[_row_spec(FP)] * 2,
        out_shape=[jax.ShapeDtypeStruct((NPAD, FP), f32)] * 2,
    )(ga, gb, ha, hb, d0, d1, b12, W2p)


def _final(p0, p1, hs2, d0, d1, b22):
    return pl.pallas_call(
        _final_body,
        grid=_GRID,
        in_specs=[_row_spec(FP), _row_spec(FP), _row_spec(FP),
                  _row_spec(16), _row_spec(16), _full_spec((1, FP))],
        out_specs=_row_spec(FP),
        out_shape=jax.ShapeDtypeStruct((NPAD, FP), f32),
    )(p0, p1, hs2, d0, d1, b22)


def kernel(x, adj, edge_index, Wl, bl, W1, b1, W2, b2):
    del adj
    x_p = jnp.pad(x, ((0, NPAD - N), (0, 0)))
    src = edge_index[0]
    dst = edge_index[1]
    fill1 = jnp.full((E1 - E,), N, jnp.int32)
    fill2 = jnp.full((E2 - E,), N, jnp.int32)
    src1 = jnp.concatenate([src, fill1]).reshape(16, CH1, CW)
    dst1 = jnp.concatenate([dst, fill1]).reshape(16, CH1, CW)
    src2 = jnp.concatenate([src, fill2]).reshape(32, CH2, CW)
    dst2 = jnp.concatenate([dst, fill2]).reshape(32, CH2, CW)
    dstd = jnp.concatenate([dst, fill2]).reshape(32, CHD, 128)
    bl2 = bl.reshape(1, F1)
    b12 = b1.reshape(1, F1)
    b22 = jnp.pad(b2, (0, FP - NCLASS)).reshape(1, FP)
    W2p = jnp.pad(W2, ((0, 0), (0, FP - NCLASS)))

    d0, d1 = _deg_kernel(dstd)
    h2 = _dense1(x_p, Wl, bl2, W1)
    hsa, hsb = _scale_split(h2, d0, d1)
    ga, gb = _agg1_kernel(hsa, hsb, src1, dst1)
    hs2a, hs2b = _dense2(ga, gb, hsa, hsb, d0, d1, b12, W2p)
    p0, p1 = _agg2_kernel(hs2a, hs2b, src2, dst2)
    out = _final(p0, p1, hs2a, d0, d1, b22)
    return out[:N, :NCLASS]

# --- scband reference (transcript-rebuilt; emitter-appended) ---
"""Pipeline reference for scband-gcn-87282325390044 (READ-ONLY COPY).

The authoritative reference and input builder live on the scoring server;
editing this copy changes nothing except your own understanding.
"""

import jax, jax.numpy as jnp
import numpy as np

N = 10000
E = 320000
NFEAT = 128
OUTFEAT = 256
OUTD1 = 256
NCLASS = 40
ALPHA = 0.2


def gcn_conv(x, edge_index, W, b, num_nodes):
    # PyG GCNConv: add self-loops, symmetric normalization, linear, scatter-add, bias
    src = edge_index[0]
    dst = edge_index[1]
    loop = jnp.arange(num_nodes, dtype=src.dtype)
    src = jnp.concatenate([src, loop])
    dst = jnp.concatenate([dst, loop])
    deg = jnp.zeros((num_nodes,), dtype=x.dtype).at[dst].add(1.0)
    deg_inv_sqrt = jnp.where(deg > 0, deg ** -0.5, 0.0)
    norm = deg_inv_sqrt[src] * deg_inv_sqrt[dst]
    h = x @ W
    msg = h[src] * norm[:, None]
    out = jnp.zeros((num_nodes, h.shape[1]), dtype=x.dtype).at[dst].add(msg)
    return out + b


def setup_inputs(seed: int = 0) -> dict:
    key = jax.random.key(seed)
    ks = jax.random.split(key, 10)
    x = jax.random.normal(ks[0], (N, NFEAT), dtype=jnp.float32)
    adj = jnp.zeros((1,), dtype=jnp.float32)  # unused by forward, kept for signature parity
    edge_index = jax.random.randint(ks[1], (2, E), 0, N, dtype=jnp.int32)
    Wl = jax.random.normal(ks[2], (NFEAT, OUTFEAT), dtype=jnp.float32) * (1.0 / np.sqrt(NFEAT))
    bl = jax.random.normal(ks[3], (OUTFEAT,), dtype=jnp.float32) * 0.02
    W1 = jax.random.normal(ks[4], (OUTFEAT, OUTD1), dtype=jnp.float32) * (1.0 / np.sqrt(OUTFEAT))
    b1 = jax.random.normal(ks[5], (OUTD1,), dtype=jnp.float32) * 0.02
    W2 = jax.random.normal(ks[6], (OUTD1, NCLASS), dtype=jnp.float32) * (1.0 / np.sqrt(OUTD1))
    b2 = jax.random.normal(ks[7], (NCLASS,), dtype=jnp.float32) * 0.02
    return {"x": x, "adj": adj, "edge_index": edge_index, "Wl": Wl, "bl": bl, "W1": W1, "b1": b1, "W2": W2, "b2": b2}


def reference(x, adj, edge_index, Wl, bl, W1, b1, W2, b2):
    # adj is accepted by the torch forward but never used
    h = jax.nn.leaky_relu(x @ Wl + bl, negative_slope=ALPHA)
    # dropout is a no-op in eval mode
    h = jax.nn.leaky_relu(gcn_conv(h, edge_index, W1, b1, N), negative_slope=ALPHA)
    h = gcn_conv(h, edge_index, W2, b2, N)
    return jax.nn.log_softmax(h, axis=1)

if __name__ == "__main__":
    import jax
    _d = setup_inputs()
    print(jax.jit(kernel)(*tuple(_d.values())))

</pallas_src>

<mosaic_0001>
#map = affine_map<(d0, d1) -> (0, 0, 0)>
#map1 = affine_map<(d0, d1) -> (0, 0)>
module attributes {stable_mosaic.version = 14 : i64} {
  func.func @_deg_kernel(%arg0: i32, %arg1: i32, %arg2: memref<32x80x128xi32, #tpu.memory_space<hbm>>, %arg3: memref<10240x16xf32, #tpu.memory_space<hbm>>, %arg4: memref<10240x16xf32, #tpu.memory_space<hbm>>, %arg5: memref<80x128xi32, #tpu.memory_space<vmem>>, %arg6: memref<128x16xf32, #tpu.memory_space<vmem>>, %arg7: memref<10240x16xf32, #tpu.memory_space<vmem_shared>>) attributes {dimension_semantics = [#tpu.dimension_semantics<core_parallel>, #tpu.dimension_semantics<subcore_parallel>], iteration_bounds = array<i64: 2, 16>, scalar_prefetch = 0 : i64, scratch_operands = 3 : i64, tpu.core_type = #tpu.core_type<sc_vector_subcore>, window_params = [{transform_indices = #map}, {transform_indices = #map1}, {transform_indices = #map1}]} {
    %mul3A = arith.constant 16 : i32
    %mul3A_0 = arith.muli %arg0, %mul3A : i32
    %add3A = arith.addi %mul3A_0, %arg1 : i32
    %mul3A_1 = arith.constant 640 : i32
    %mul3A_2 = arith.muli %arg1, %mul3A_1 : i32
    %scan3A = arith.constant 0 : i32
    %scan3A_3 = arith.constant 128 : i32
    %scan3A_4 = arith.addi %scan3A, %scan3A_3 : i32
    %scan3A_5 = arith.constant 1 : i32
    scf.for %scan3A_30 = %scan3A to %scan3A_4 step %scan3A_5  : i32 {
      %mul3A_31 = arith.constant 1 : i32
      %mul3A_32 = arith.muli %scan3A_30, %mul3A_31 : i32
      %add3A_33 = arith.constant 0 : i32
      %add3A_34 = arith.addi %add3A_33, %mul3A_32 : i32
      %scan3A_35 = arith.constant 0 : i32
      %mul3A_36 = arith.constant 1 : i32
      %mul3A_37 = arith.muli %scan3A_35, %mul3A_36 : i32
      %add3A_38 = arith.constant 0 : i32
      %add3A_39 = arith.addi %add3A_38, %mul3A_37 : i32
      %broadcast_in_dim3A = arith.constant 0.000000e+00 : f32
      %broadcast_in_dim3A_40 = vector.broadcast %broadcast_in_dim3A : f32 to vector<16xf32>
      %mul3A_41 = arith.constant 16 : i32
      %mul3A_42 = arith.muli %add3A_39, %mul3A_41 : i32
      %swap3A = arith.index_cast %add3A_34 : i32 to index
      %swap3A_43 = arith.index_cast %mul3A_42 : i32 to index
      %swap3A_44 = tpu.vector_load %arg6[%swap3A, %swap3A_43] {strides = array<i32>} : memref<128x16xf32, #tpu.memory_space<vmem>>, vector<1x16xf32>,
      %swap3A_45 = vector.shape_cast %swap3A_44 : vector<1x16xf32> to vector<16xf32>
      %swap3A_46 = vector.shape_cast %broadcast_in_dim3A_40 : vector<16xf32> to vector<1x16xf32>
      tpu.vector_store %arg6[%swap3A, %swap3A_43], %swap3A_46 {strides = array<i32>} : memref<128x16xf32, #tpu.memory_space<vmem>>, vector<1x16xf32>,
      %scan3A_47 = arith.constant 1 : i32
    }
    %scan3A_6 = arith.constant 128 : i32
    %scan3A_7 = arith.constant 0 : i32
    %scan3A_8 = arith.constant 5 : i32
    %scan3A_9 = arith.addi %scan3A_7, %scan3A_8 : i32
    %scan3A_10 = arith.constant 1 : i32
    scf.for %scan3A_30 = %scan3A_7 to %scan3A_9 step %scan3A_10  : i32 {
      %mul3A_31 = arith.constant 1 : i32
      %mul3A_32 = arith.muli %scan3A_30, %mul3A_31 : i32
      %add3A_33 = arith.constant 0 : i32
      %add3A_34 = arith.addi %add3A_33, %mul3A_32 : i32
      %mul3A_35 = arith.constant 128 : i32
      %mul3A_36 = arith.muli %add3A_34, %mul3A_35 : i32
      %add3A_37 = arith.addi %mul3A_2, %mul3A_36 : i32
      "tpu.region"() ({
        %run_scoped3A = tpu.sem_alloc : memref<!tpu.dma_semaphore, #tpu.memory_space<semaphore_mem>>
        %dma_start3A = arith.constant 0 : i32
        %dma_start3A_38 = tpu.memref_slice %arg7[%add3A_37, %dma_start3A] : memref<10240x16xf32, #tpu.memory_space<vmem_shared>> -> memref<128x16xf32, #tpu.memory_space<vmem_shared>>
        %dma_start3A_39 = arith.constant 0 : i32
        %dma_start3A_40 = tpu.memref_slice %arg7[%add3A_37, %dma_start3A_39] : memref<10240x16xf32, #tpu.memory_space<vmem_shared>> -> memref<128x16xf32, #tpu.memory_space<vmem_shared>>
        tpu.enqueue_dma source(%arg6 : memref<128x16xf32, #tpu.memory_space<vmem>>) target(%dma_start3A_40 : memref<128x16xf32, #tpu.memory_space<vmem_shared>>) target_semaphore(%run_scoped3A : memref<!tpu.dma_semaphore, #tpu.memory_space<semaphore_mem>>)
        %dma_wait3A = arith.constant 0 : i32
        %dma_wait3A_41 = tpu.memref_slice %arg7[%add3A_37, %dma_wait3A] : memref<10240x16xf32, #tpu.memory_space<vmem_shared>> -> memref<128x16xf32, #tpu.memory_space<vmem_shared>>
        %dma_wait3A_42 = arith.constant 0 : i32
        %dma_wait3A_43 = tpu.memref_slice %arg7[%add3A_37, %dma_wait3A_42] : memref<10240x16xf32, #tpu.memory_space<vmem_shared>> -> memref<128x16xf32, #tpu.memory_space<vmem_shared>>
        tpu.wait_dma2 semaphore(%run_scoped3A : memref<!tpu.dma_semaphore, #tpu.memory_space<semaphore_mem>>) src(%arg6 : memref<128x16xf32, #tpu.memory_space<vmem>>) dst(%dma_wait3A_43 : memref<128x16xf32, #tpu.memory_space<vmem_shared>>)
        tpu.yield
      }) : () -> ()
    }
    %scan3A_11 = arith.constant 5 : i32
    "tpu.region"() ({
      %run_scoped3A = tpu.sem_alloc : memref<!tpu.dma_semaphore, #tpu.memory_space<semaphore_mem>>
      %dma_start3A = arith.constant 0 : i32
      %dma_start3A_30 = arith.constant 0 : i32
      %dma_start3A_31 = tpu.memref_slice %arg2[%add3A, %dma_start3A, %dma_start3A_30] : memref<32x80x128xi32, #tpu.memory_space<hbm>> -> memref<1x80x128xi32, #tpu.memory_space<hbm>>
      %dma_start3A_32 = tpu.memref_squeeze %dma_start3A_31 : memref<1x80x128xi32, #tpu.memory_space<hbm>> -> memref<80x128xi32, #tpu.memory_space<hbm>>
      %dma_start3A_33 = arith.constant 0 : i32
      %dma_start3A_34 = arith.constant 0 : i32
      %dma_start3A_35 = tpu.memref_slice %arg2[%add3A, %dma_start3A_33, %dma_start3A_34] : memref<32x80x128xi32, #tpu.memory_space<hbm>> -> memref<1x80x128xi32, #tpu.memory_space<hbm>>
      %dma_start3A_36 = tpu.memref_squeeze %dma_start3A_35 : memref<1x80x128xi32, #tpu.memory_space<hbm>> -> memref<80x128xi32, #tpu.memory_space<hbm>>
      tpu.enqueue_dma source(%dma_start3A_36 : memref<80x128xi32, #tpu.memory_space<hbm>>) target(%arg5 : memref<80x128xi32, #tpu.memory_space<vmem>>) target_semaphore(%run_scoped3A : memref<!tpu.dma_semaphore, #tpu.memory_space<semaphore_mem>>)
      %dma_wait3A = arith.constant 0 : i32
      %dma_wait3A_37 = arith.constant 0 : i32
      %dma_wait3A_38 = tpu.memref_slice %arg2[%add3A, %dma_wait3A, %dma_wait3A_37] : memref<32x80x128xi32, #tpu.memory_space<hbm>> -> memref<1x80x128xi32, #tpu.memory_space<hbm>>
      %dma_wait3A_39 = tpu.memref_squeeze %dma_wait3A_38 : memref<1x80x128xi32, #tpu.memory_space<hbm>> -> memref<80x128xi32, #tpu.memory_space<hbm>>
      %dma_wait3A_40 = arith.constant 0 : i32
      %dma_wait3A_41 = arith.constant 0 : i32
      %dma_wait3A_42 = tpu.memref_slice %arg2[%add3A, %dma_wait3A_40, %dma_wait3A_41] : memref<32x80x128xi32, #tpu.memory_space<hbm>> -> memref<1x80x128xi32, #tpu.memory_space<hbm>>
      %dma_wait3A_43 = tpu.memref_squeeze %dma_wait3A_42 : memref<1x80x128xi32, #tpu.memory_space<hbm>> -> memref<80x128xi32, #tpu.memory_space<hbm>>
      tpu.wait_dma2 semaphore(%run_scoped3A : memref<!tpu.dma_semaphore, #tpu.memory_space<semaphore_mem>>) src(%dma_wait3A_43 : memref<80x128xi32, #tpu.memory_space<hbm>>) dst(%arg5 : memref<80x128xi32, #tpu.memory_space<vmem>>)
      tpu.yield
    }) : () -> ()
    %scan3A_12 = arith.constant 0 : i32
    %scan3A_13 = arith.constant 128 : i32
    %scan3A_14 = arith.addi %scan3A_12, %scan3A_13 : i32
    %scan3A_15 = arith.constant 1 : i32
    scf.for %scan3A_30 = %scan3A_12 to %scan3A_14 step %scan3A_15  : i32 {
      %mul3A_31 = arith.constant 1 : i32
      %mul3A_32 = arith.muli %scan3A_30, %mul3A_31 : i32
      %add3A_33 = arith.constant 0 : i32
      %add3A_34 = arith.addi %add3A_33, %mul3A_32 : i32
      %scan3A_35 = arith.constant 0 : i32
      %mul3A_36 = arith.constant 1 : i32
      %mul3A_37 = arith.muli %scan3A_35, %mul3A_36 : i32
      %add3A_38 = arith.constant 0 : i32
      %add3A_39 = arith.addi %add3A_38, %mul3A_37 : i32
      %broadcast_in_dim3A = arith.constant 1.000000e+00 : f32
      %broadcast_in_dim3A_40 = vector.broadcast %broadcast_in_dim3A : f32 to vector<16xf32>
      %mul3A_41 = arith.constant 16 : i32
      %mul3A_42 = arith.muli %add3A_39, %mul3A_41 : i32
      %swap3A = arith.index_cast %add3A_34 : i32 to index
      %swap3A_43 = arith.index_cast %mul3A_42 : i32 to index
      %swap3A_44 = tpu.vector_load %arg6[%swap3A, %swap3A_43] {strides = array<i32>} : memref<128x16xf32, #tpu.memory_space<vmem>>, vector<1x16xf32>,
      %swap3A_45 = vector.shape_cast %swap3A_44 : vector<1x16xf32> to vector<16xf32>
      %swap3A_46 = vector.shape_cast %broadcast_in_dim3A_40 : vector<16xf32> to vector<1x16xf32>
      tpu.vector_store %arg6[%swap3A, %swap3A_43], %swap3A_46 {strides = array<i32>} : memref<128x16xf32, #tpu.memory_space<vmem>>, vector<1x16xf32>,
      %scan3A_47 = arith.constant 1 : i32
    }
    %scan3A_16 = arith.constant 128 : i32
    %barrier3A = arith.constant 0 : index
    tpu.barrier barrier_id(%barrier3A)
    %scan3A_17 = arith.constant 0 : i32
    %scan3A_18 = arith.constant 80 : i32
    %scan3A_19 = arith.addi %scan3A_17, %scan3A_18 : i32
    %scan3A_20 = arith.constant 1 : i32
    scf.for %scan3A_30 = %scan3A_17 to %scan3A_19 step %scan3A_20  : i32 {
      %mul3A_31 = arith.constant 1 : i32
      %mul3A_32 = arith.muli %scan3A_30, %mul3A_31 : i32
      %add3A_33 = arith.constant 0 : i32
      %add3A_34 = arith.addi %add3A_33, %mul3A_32 : i32
      "tpu.region"() ({
        %run_scoped3A = tpu.sem_alloc : memref<!tpu.dma_semaphore, #tpu.memory_space<semaphore_mem>>
        %dma_start3A = arith.constant 0 : i32
        %dma_start3A_35 = tpu.memref_slice %arg5[%add3A_34, %dma_start3A] : memref<80x128xi32, #tpu.memory_space<vmem>> -> memref<1x128xi32, #tpu.memory_space<vmem>>
        %dma_start3A_36 = tpu.memref_squeeze %dma_start3A_35 : memref<1x128xi32, #tpu.memory_space<vmem>> -> memref<128xi32, #tpu.memory_space<vmem>>
        %dma_start3A_37 = arith.constant 0 : i32
        %dma_start3A_38 = arith.constant 0 : i32
        %dma_start3A_39 = tpu.memref_slice %arg7[%dma_start3A_37, %dma_start3A_38] : memref<10240x16xf32, #tpu.memory_space<vmem_shared>> -> memref<10240x16xf32, #tpu.memory_space<vmem_shared>>
        tpu.enqueue_indirect_dma source(%arg6 : memref<128x16xf32, #tpu.memory_space<vmem>>) target(%dma_start3A_39 : memref<10240x16xf32, #tpu.memory_space<vmem_shared>>) offsets(%dma_start3A_36 : memref<128xi32, #tpu.memory_space<vmem>>) semaphore(%run_scoped3A : memref<!tpu.dma_semaphore, #tpu.memory_space<semaphore_mem>>) {add = true}
        %dma_wait3A = arith.constant 0 : i32
        %dma_wait3A_40 = tpu.memref_slice %arg5[%add3A_34, %dma_wait3A] : memref<80x128xi32, #tpu.memory_space<vmem>> -> memref<1x128xi32, #tpu.memory_space<vmem>>
        %dma_wait3A_41 = tpu.memref_squeeze %dma_wait3A_40 : memref<1x128xi32, #tpu.memory_space<vmem>> -> memref<128xi32, #tpu.memory_space<vmem>>
        %dma_wait3A_42 = arith.constant 0 : i32
        %dma_wait3A_43 = arith.constant 0 : i32
        %dma_wait3A_44 = tpu.memref_slice %arg7[%dma_wait3A_42, %dma_wait3A_43] : memref<10240x16xf32, #tpu.memory_space<vmem_shared>> -> memref<10240x16xf32, #tpu.memory_space<vmem_shared>>
        tpu.wait_indirect_dma semaphore(%run_scoped3A : memref<!tpu.dma_semaphore, #tpu.memory_space<semaphore_mem>>) src(%arg6 : memref<128x16xf32, #tpu.memory_space<vmem>>) dst(%dma_wait3A_44 : memref<10240x16xf32, #tpu.memory_space<vmem_shared>>)
        tpu.yield
      }) : () -> ()
    }
    %scan3A_21 = arith.constant 80 : i32
    %barrier3A_22 = arith.constant 0 : index
    tpu.barrier barrier_id(%barrier3A_22)
    %eq3A = arith.constant 0 : i32
    %eq3A_23 = arith.cmpi eq, %arg0, %eq3A : i32
    %convert_element_type3A = arith.extui %eq3A_23 : i1 to i32
    %cond3A = arith.constant 0 : i32
    %cond3A_24 = arith.cmpi ne, %convert_element_type3A, %cond3A : i32
    scf.if %cond3A_24 {
      "tpu.region"() ({
        %run_scoped3A = tpu.sem_alloc : memref<!tpu.dma_semaphore, #tpu.memory_space<semaphore_mem>>
        %dma_start3A = arith.constant 0 : i32
        %dma_start3A_30 = tpu.memref_slice %arg3[%mul3A_2, %dma_start3A] : memref<10240x16xf32, #tpu.memory_space<hbm>> -> memref<640x16xf32, #tpu.memory_space<hbm>>
        %dma_start3A_31 = arith.constant 0 : i32
        %dma_start3A_32 = tpu.memref_slice %arg7[%mul3A_2, %dma_start3A_31] : memref<10240x16xf32, #tpu.memory_space<vmem_shared>> -> memref<640x16xf32, #tpu.memory_space<vmem_shared>>
        tpu.enqueue_dma source(%dma_start3A_32 : memref<640x16xf32, #tpu.memory_space<vmem_shared>>) target(%dma_start3A_30 : memref<640x16xf32, #tpu.memory_space<hbm>>) target_semaphore(%run_scoped3A : memref<!tpu.dma_semaphore, #tpu.memory_space<semaphore_mem>>)
        %dma_wait3A = arith.constant 0 : i32
        %dma_wait3A_33 = tpu.memref_slice %arg3[%mul3A_2, %dma_wait3A] : memref<10240x16xf32, #tpu.memory_space<hbm>> -> memref<640x16xf32, #tpu.memory_space<hbm>>
        %dma_wait3A_34 = arith.constant 0 : i32
        %dma_wait3A_35 = tpu.memref_slice %arg7[%mul3A_2, %dma_wait3A_34] : memref<10240x16xf32, #tpu.memory_space<vmem_shared>> -> memref<640x16xf32, #tpu.memory_space<vmem_shared>>
        tpu.wait_dma2 semaphore(%run_scoped3A : memref<!tpu.dma_semaphore, #tpu.memory_space<semaphore_mem>>) src(%dma_wait3A_35 : memref<640x16xf32, #tpu.memory_space<vmem_shared>>) dst(%dma_wait3A_33 : memref<640x16xf32, #tpu.memory_space<hbm>>)
        tpu.yield
      }) : () -> ()
    } else {
    }
    %eq3A_25 = arith.constant 1 : i32
    %eq3A_26 = arith.cmpi eq, %arg0, %eq3A_25 : i32
    %convert_element_type3A_27 = arith.extui %eq3A_26 : i1 to i32
    %cond3A_28 = arith.constant 0 : i32
    %cond3A_29 = arith.cmpi ne, %convert_element_type3A_27, %cond3A_28 : i32
    scf.if %cond3A_29 {
      "tpu.region"() ({
        %run_scoped3A = tpu.sem_alloc : memref<!tpu.dma_semaphore, #tpu.memory_space<semaphore_mem>>
        %dma_start3A = arith.constant 0 : i32
        %dma_start3A_30 = tpu.memref_slice %arg4[%mul3A_2, %dma_start3A] : memref<10240x16xf32, #tpu.memory_space<hbm>> -> memref<640x16xf32, #tpu.memory_space<hbm>>
        %dma_start3A_31 = arith.constant 0 : i32
        %dma_start3A_32 = tpu.memref_slice %arg7[%mul3A_2, %dma_start3A_31] : memref<10240x16xf32, #tpu.memory_space<vmem_shared>> -> memref<640x16xf32, #tpu.memory_space<vmem_shared>>
        tpu.enqueue_dma source(%dma_start3A_32 : memref<640x16xf32, #tpu.memory_space<vmem_shared>>) target(%dma_start3A_30 : memref<640x16xf32, #tpu.memory_space<hbm>>) target_semaphore(%run_scoped3A : memref<!tpu.dma_semaphore, #tpu.memory_space<semaphore_mem>>)
        %dma_wait3A = arith.constant 0 : i32
        %dma_wait3A_33 = tpu.memref_slice %arg4[%mul3A_2, %dma_wait3A] : memref<10240x16xf32, #tpu.memory_space<hbm>> -> memref<640x16xf32, #tpu.memory_space<hbm>>
        %dma_wait3A_34 = arith.constant 0 : i32
        %dma_wait3A_35 = tpu.memref_slice %arg7[%mul3A_2, %dma_wait3A_34] : memref<10240x16xf32, #tpu.memory_space<vmem_shared>> -> memref<640x16xf32, #tpu.memory_space<vmem_shared>>
        tpu.wait_dma2 semaphore(%run_scoped3A : memref<!tpu.dma_semaphore, #tpu.memory_space<semaphore_mem>>) src(%dma_wait3A_35 : memref<640x16xf32, #tpu.memory_space<vmem_shared>>) dst(%dma_wait3A_33 : memref<640x16xf32, #tpu.memory_space<hbm>>)
        tpu.yield
      }) : () -> ()
    } else {
    }
    return
  }
}

#map = affine_map<(d0, d1) -> (0, 0)>
#map1 = affine_map<(d0, d1) -> (0, 0, 0)>
module attributes {stable_mosaic.version = 14 : i64} {
  func.func @_agg1_kernel(%arg0: i32, %arg1: i32, %arg2: memref<10240x128xf32, #tpu.memory_space<hbm>>, %arg3: memref<10240x128xf32, #tpu.memory_space<hbm>>, %arg4: memref<16x320x64xi32, #tpu.memory_space<hbm>>, %arg5: memref<16x320x64xi32, #tpu.memory_space<hbm>>, %arg6: memref<10240x128xf32, #tpu.memory_space<hbm>>, %arg7: memref<10240x128xf32, #tpu.memory_space<hbm>>, %arg8: memref<32x64xi32, #tpu.memory_space<vmem>>, %arg9: memref<32x64xi32, #tpu.memory_space<vmem>>, %arg10: memref<64x128xf32, #tpu.memory_space<vmem>>, %arg11: memref<64x128xf32, #tpu.memory_space<vmem>>, %arg12: memref<64x128xf32, #tpu.memory_space<vmem>>, %arg13: memref<64x128xf32, #tpu.memory_space<vmem>>, %arg14: memref<10240x128xf32, #tpu.memory_space<vmem_shared>>, %arg15: memref<!tpu.dma_semaphore, #tpu.memory_space<semaphore_mem>>, %arg16: memref<!tpu.dma_semaphore, #tpu.memory_space<semaphore_mem>>, %arg17: memref<!tpu.dma_semaphore, #tpu.memory_space<semaphore_mem>>, %arg18: memref<!tpu.dma_semaphore, #tpu.memory_space<semaphore_mem>>, %arg19: memref<!tpu.dma_semaphore, #tpu.memory_space<semaphore_mem>>, %arg20: memref<!tpu.dma_semaphore, #tpu.memory_space<semaphore_mem>>, %arg21: memref<!tpu.dma_semaphore, #tpu.memory_space<semaphore_mem>>, %arg22: memref<!tpu.dma_semaphore, #tpu.memory_space<semaphore_mem>>) attributes {dimension_semantics = [#tpu.dimension_semantics<core_parallel>, #tpu.dimension_semantics<subcore_parallel>], iteration_bounds = array<i64: 2, 16>, scalar_prefetch = 0 : i64, scratch_operands = 15 : i64, tpu.core_type = #tpu.core_type<sc_vector_subcore>, window_params = [{transform_indices = #map}, {transform_indices = #map}, {transform_indices = #map1}, {transform_indices = #map1}, {transform_indices = #map}, {transform_indices = #map}]} {
    %mul3A = arith.constant 640 : i32
    %mul3A_0 = arith.muli %arg1, %mul3A : i32
    %scan3A = arith.constant 0 : i32
    %scan3A_1 = arith.constant 64 : i32
    %scan3A_2 = arith.addi %scan3A, %scan3A_1 : i32
    %scan3A_3 = arith.constant 1 : i32
    scf.for %scan3A_28 = %scan3A to %scan3A_2 step %scan3A_3  : i32 {
      %mul3A_29 = arith.constant 1 : i32
      %mul3A_30 = arith.muli %scan3A_28, %mul3A_29 : i32
      %add3A = arith.constant 0 : i32
      %add3A_31 = arith.addi %add3A, %mul3A_30 : i32
      %scan3A_32 = arith.constant 0 : i32
      %scan3A_33 = arith.constant 8 : i32
      %scan3A_34 = arith.addi %scan3A_32, %scan3A_33 : i32
      %scan3A_35 = arith.constant 1 : i32
      scf.for %scan3A_37 = %scan3A_32 to %scan3A_34 step %scan3A_35  : i32 {
        %mul3A_38 = arith.constant 1 : i32
        %mul3A_39 = arith.muli %scan3A_37, %mul3A_38 : i32
        %add3A_40 = arith.constant 0 : i32
        %add3A_41 = arith.addi %add3A_40, %mul3A_39 : i32
        %broadcast_in_dim3A = arith.constant 0.000000e+00 : f32
        %broadcast_in_dim3A_42 = vector.broadcast %broadcast_in_dim3A : f32 to vector<16xf32>
        %mul3A_43 = arith.constant 16 : i32
        %mul3A_44 = arith.muli %add3A_41, %mul3A_43 : i32
        %swap3A = arith.index_cast %add3A_31 : i32 to index
        %swap3A_45 = arith.index_cast %mul3A_44 : i32 to index
        %swap3A_46 = tpu.vector_load %arg10[%swap3A, %swap3A_45] {strides = array<i32>} : memref<64x128xf32, #tpu.memory_space<vmem>>, vector<1x16xf32>,
        %swap3A_47 = vector.shape_cast %swap3A_46 : vector<1x16xf32> to vector<16xf32>
        %swap3A_48 = vector.shape_cast %broadcast_in_dim3A_42 : vector<16xf32> to vector<1x16xf32>
        tpu.vector_store %arg10[%swap3A, %swap3A_45], %swap3A_48 {strides = array<i32>} : memref<64x128xf32, #tpu.memory_space<vmem>>, vector<1x16xf32>,
      }
      %scan3A_36 = arith.constant 8 : i32
    }
    %scan3A_4 = arith.constant 64 : i32
    %scan3A_5 = arith.constant 0 : i32
    %scan3A_6 = arith.constant 10 : i32
    %scan3A_7 = arith.addi %scan3A_5, %scan3A_6 : i32
    %scan3A_8 = arith.constant 1 : i32
    scf.for %scan3A_28 = %scan3A_5 to %scan3A_7 step %scan3A_8  : i32 {
      %mul3A_29 = arith.constant 1 : i32
      %mul3A_30 = arith.muli %scan3A_28, %mul3A_29 : i32
      %add3A = arith.constant 0 : i32
      %add3A_31 = arith.addi %add3A, %mul3A_30 : i32
      %mul3A_32 = arith.constant 64 : i32
      %mul3A_33 = arith.muli %add3A_31, %mul3A_32 : i32
      %add3A_34 = arith.addi %mul3A_0, %mul3A_33 : i32
      "tpu.region"() ({
        %run_scoped3A = tpu.sem_alloc : memref<!tpu.dma_semaphore, #tpu.memory_space<semaphore_mem>>
        %dma_start3A = arith.constant 0 : i32
        %dma_start3A_35 = tpu.memref_slice %arg14[%add3A_34, %dma_start3A] : memref<10240x128xf32, #tpu.memory_space<vmem_shared>> -> memref<64x128xf32, #tpu.memory_space<vmem_shared>>
        %dma_start3A_36 = arith.constant 0 : i32
        %dma_start3A_37 = tpu.memref_slice %arg14[%add3A_34, %dma_start3A_36] : memref<10240x128xf32, #tpu.memory_space<vmem_shared>> -> memref<64x128xf32, #tpu.memory_space<vmem_shared>>
        tpu.enqueue_dma source(%arg10 : memref<64x128xf32, #tpu.memory_space<vmem>>) target(%dma_start3A_37 : memref<64x128xf32, #tpu.memory_space<vmem_shared>>) target_semaphore(%run_scoped3A : memref<!tpu.dma_semaphore, #tpu.memory_space<semaphore_mem>>)
        %dma_wait3A = arith.constant 0 : i32
        %dma_wait3A_38 = tpu.memref_slice %arg14[%add3A_34, %dma_wait3A] : memref<10240x128xf32, #tpu.memory_space<vmem_shared>> -> memref<64x128xf32, #tpu.memory_space<vmem_shared>>
        %dma_wait3A_39 = arith.constant 0 : i32
        %dma_wait3A_40 = tpu.memref_slice %arg14[%add3A_34, %dma_wait3A_39] : memref<10240x128xf32, #tpu.memory_space<vmem_shared>> -> memref<64x128xf32, #tpu.memory_space<vmem_shared>>
        tpu.wait_dma2 semaphore(%run_scoped3A : memref<!tpu.dma_semaphore, #tpu.memory_space<semaphore_mem>>) src(%arg10 : memref<64x128xf32, #tpu.memory_space<vmem>>) dst(%dma_wait3A_40 : memref<64x128xf32, #tpu.memory_space<vmem_shared>>)
        tpu.yield
      }) : () -> ()
    }
    %scan3A_9 = arith.constant 10 : i32
    %barrier3A = arith.constant 0 : index
    tpu.barrier barrier_id(%barrier3A)
    %eq3A = arith.constant 0 : i32
    %eq3A_10 = arith.cmpi eq, %arg0, %eq3A : i32
    %convert_element_type3A = arith.extui %eq3A_10 : i1 to i32
    %cond3A = arith.constant 0 : i32
    %cond3A_11 = arith.cmpi ne, %convert_element_type3A, %cond3A : i32
    scf.if %cond3A_11 {
      %scan3A_28 = arith.constant 0 : i32
      %scan3A_29 = arith.constant 10 : i32
      %scan3A_30 = arith.addi %scan3A_28, %scan3A_29 : i32
      %scan3A_31 = arith.constant 1 : i32
      scf.for %scan3A_56 = %scan3A_28 to %scan3A_30 step %scan3A_31  : i32 {
        %mul3A_57 = arith.constant 1 : i32
        %mul3A_58 = arith.muli %scan3A_56, %mul3A_57 : i32
        %add3A = arith.constant 0 : i32
        %add3A_59 = arith.addi %add3A, %mul3A_58 : i32
        %mul3A_60 = arith.constant 32 : i32
        %mul3A_61 = arith.muli %add3A_59, %mul3A_60 : i32
        "tpu.region"() ({
          %run_scoped3A = tpu.sem_alloc : memref<!tpu.dma_semaphore, #tpu.memory_space<semaphore_mem>>
          %dma_start3A_115 = arith.constant 0 : i32
          %dma_start3A_116 = tpu.memref_slice %arg4[%arg1, %mul3A_61, %dma_start3A_115] : memref<16x320x64xi32, #tpu.memory_space<hbm>> -> memref<1x32x64xi32, #tpu.memory_space<hbm>>
          %dma_start3A_117 = tpu.memref_squeeze %dma_start3A_116 : memref<1x32x64xi32, #tpu.memory_space<hbm>> -> memref<32x64xi32, #tpu.memory_space<hbm>>
          %dma_start3A_118 = arith.constant 0 : i32
          %dma_start3A_119 = tpu.memref_slice %arg4[%arg1, %mul3A_61, %dma_start3A_118] : memref<16x320x64xi32, #tpu.memory_space<hbm>> -> memref<1x32x64xi32, #tpu.memory_space<hbm>>
          %dma_start3A_120 = tpu.memref_squeeze %dma_start3A_119 : memref<1x32x64xi32, #tpu.memory_space<hbm>> -> memref<32x64xi32, #tpu.memory_space<hbm>>
          tpu.enqueue_dma source(%dma_start3A_120 : memref<32x64xi32, #tpu.memory_space<hbm>>) target(%arg8 : memref<32x64xi32, #tpu.memory_space<vmem>>) target_semaphore(%run_scoped3A : memref<!tpu.dma_semaphore, #tpu.memory_space<semaphore_mem>>)
          %dma_wait3A_121 = arith.constant 0 : i32
          %dma_wait3A_122 = tpu.memref_slice %arg4[%arg1, %mul3A_61, %dma_wait3A_121] : memref<16x320x64xi32, #tpu.memory_space<hbm>> -> memref<1x32x64xi32, #tpu.memory_space<hbm>>
          %dma_wait3A_123 = tpu.memref_squeeze %dma_wait3A_122 : memref<1x32x64xi32, #tpu.memory_space<hbm>> -> memref<32x64xi32, #tpu.memory_space<hbm>>
          %dma_wait3A_124 = arith.constant 0 : i32
          %dma_wait3A_125 = tpu.memref_slice %arg4[%arg1, %mul3A_61, %dma_wait3A_124] : memref<16x320x64xi32, #tpu.memory_space<hbm>> -> memref<1x32x64xi32, #tpu.memory_space<hbm>>
          %dma_wait3A_126 = tpu.memref_squeeze %dma_wait3A_125 : memref<1x32x64xi32, #tpu.memory_space<hbm>> -> memref<32x64xi32, #tpu.memory_space<hbm>>
          tpu.wait_dma2 semaphore(%run_scoped3A : memref<!tpu.dma_semaphore, #tpu.memory_space<semaphore_mem>>) src(%dma_wait3A_126 : memref<32x64xi32, #tpu.memory_space<hbm>>) dst(%arg8 : memref<32x64xi32, #tpu.memory_space<vmem>>)
          tpu.yield
        }) : () -> ()
        %mul3A_62 = arith.constant 32 : i32
        %mul3A_63 = arith.muli %add3A_59, %mul3A_62 : i32
        "tpu.region"() ({
          %run_scoped3A = tpu.sem_alloc : memref<!tpu.dma_semaphore, #tpu.memory_space<semaphore_mem>>
          %dma_start3A_115 = arith.constant 0 : i32
          %dma_start3A_116 = tpu.memref_slice %arg5[%arg1, %mul3A_63, %dma_start3A_115] : memref<16x320x64xi32, #tpu.memory_space<hbm>> -> memref<1x32x64xi32, #tpu.memory_space<hbm>>
          %dma_start3A_117 = tpu.memref_squeeze %dma_start3A_116 : memref<1x32x64xi32, #tpu.memory_space<hbm>> -> memref<32x64xi32, #tpu.memory_space<hbm>>
          %dma_start3A_118 = arith.constant 0 : i32
          %dma_start3A_119 = tpu.memref_slice %arg5[%arg1, %mul3A_63, %dma_start3A_118] : memref<16x320x64xi32, #tpu.memory_space<hbm>> -> memref<1x32x64xi32, #tpu.memory_space<hbm>>
          %dma_start3A_120 = tpu.memref_squeeze %dma_start3A_119 : memref<1x32x64xi32, #tpu.memory_space<hbm>> -> memref<32x64xi32, #tpu.memory_space<hbm>>
          tpu.enqueue_dma source(%dma_start3A_120 : memref<32x64xi32, #tpu.memory_space<hbm>>) target(%arg9 : memref<32x64xi32, #tpu.memory_space<vmem>>) target_semaphore(%run_scoped3A : memref<!tpu.dma_semaphore, #tpu.memory_space<semaphore_mem>>)
          %dma_wait3A_121 = arith.constant 0 : i32
          %dma_wait3A_122 = tpu.memref_slice %arg5[%arg1, %mul3A_63, %dma_wait3A_121] : memref<16x320x64xi32, #tpu.memory_space<hbm>> -> memref<1x32x64xi32, #tpu.memory_space<hbm>>
          %dma_wait3A_123 = tpu.memref_squeeze %dma_wait3A_122 : memref<1x32x64xi32, #tpu.memory_space<hbm>> -> memref<32x64xi32, #tpu.memory_space<hbm>>
          %dma_wait3A_124 = arith.constant 0 : i32
          %dma_wait3A_125 = tpu.memref_slice %arg5[%arg1, %mul3A_63, %dma_wait3A_124] : memref<16x320x64xi32, #tpu.memory_space<hbm>> -> memref<1x32x64xi32, #tpu.memory_space<hbm>>
          %dma_wait3A_126 = tpu.memref_squeeze %dma_wait3A_125 : memref<1x32x64xi32, #tpu.memory_space<hbm>> -> memref<32x64xi32, #tpu.memory_space<hbm>>
          tpu.wait_dma2 semaphore(%run_scoped3A : memref<!tpu.dma_semaphore, #tpu.memory_space<semaphore_mem>>) src(%dma_wait3A_126 : memref<32x64xi32, #tpu.memory_space<hbm>>) dst(%arg9 : memref<32x64xi32, #tpu.memory_space<vmem>>)
          tpu.yield
        }) : () -> ()
        %gt3A = arith.constant 0 : i32
        %gt3A_64 = arith.cmpi sgt, %add3A_59, %gt3A : i32
        %convert_element_type3A_65 = arith.extui %gt3A_64 : i1 to i32
        %cond3A_66 = arith.constant 0 : i32
        %cond3A_67 = arith.cmpi ne, %convert_element_type3A_65, %cond3A_66 : i32
        scf.if %cond3A_67 {
          %dma_wait3A_115 = arith.constant 0 : i32
          %dma_wait3A_116 = arith.constant 0 : i32
          %dma_wait3A_117 = tpu.memref_slice %arg14[%dma_wait3A_115, %dma_wait3A_116] : memref<10240x128xf32, #tpu.memory_space<vmem_shared>> -> memref<64x128xf32, #tpu.memory_space<vmem_shared>>
          %dma_wait3A_118 = arith.constant 0 : i32
          %dma_wait3A_119 = arith.constant 0 : i32
          %dma_wait3A_120 = tpu.memref_slice %arg2[%dma_wait3A_118, %dma_wait3A_119] : memref<10240x128xf32, #tpu.memory_space<hbm>> -> memref<64x128xf32, #tpu.memory_space<hbm>>
          tpu.wait_dma2 semaphore(%arg19 : memref<!tpu.dma_semaphore, #tpu.memory_space<semaphore_mem>>) src(%dma_wait3A_120 : memref<64x128xf32, #tpu.memory_space<hbm>>) dst(%dma_wait3A_117 : memref<64x128xf32, #tpu.memory_space<vmem_shared>>)
        } else {
        }
        %dma_start3A = arith.constant 0 : i32
        %dma_start3A_68 = arith.constant 0 : i32
        %dma_start3A_69 = tpu.memref_slice %arg8[%dma_start3A, %dma_start3A_68] : memref<32x64xi32, #tpu.memory_space<vmem>> -> memref<1x64xi32, #tpu.memory_space<vmem>>
        %dma_start3A_70 = tpu.memref_squeeze %dma_start3A_69 : memref<1x64xi32, #tpu.memory_space<vmem>> -> memref<64xi32, #tpu.memory_space<vmem>>
        %dma_start3A_71 = arith.constant 0 : i32
        %dma_start3A_72 = arith.constant 0 : i32
        %dma_start3A_73 = tpu.memref_slice %arg2[%dma_start3A_71, %dma_start3A_72] : memref<10240x128xf32, #tpu.memory_space<hbm>> -> memref<10240x128xf32, #tpu.memory_space<hbm>>
        tpu.enqueue_indirect_dma source(%dma_start3A_73 : memref<10240x128xf32, #tpu.memory_space<hbm>>) target(%arg10 : memref<64x128xf32, #tpu.memory_space<vmem>>) offsets(%dma_start3A_70 : memref<64xi32, #tpu.memory_space<vmem>>) semaphore(%arg15 : memref<!tpu.dma_semaphore, #tpu.memory_space<semaphore_mem>>)
        %gt3A_74 = arith.constant 0 : i32
        %gt3A_75 = arith.cmpi sgt, %add3A_59, %gt3A_74 : i32
        %convert_element_type3A_76 = arith.extui %gt3A_75 : i1 to i32
        %cond3A_77 = arith.constant 0 : i32
        %cond3A_78 = arith.cmpi ne, %convert_element_type3A_76, %cond3A_77 : i32
        scf.if %cond3A_78 {
          %dma_wait3A_115 = arith.constant 0 : i32
          %dma_wait3A_116 = arith.constant 0 : i32
          %dma_wait3A_117 = tpu.memref_slice %arg14[%dma_wait3A_115, %dma_wait3A_116] : memref<10240x128xf32, #tpu.memory_space<vmem_shared>> -> memref<64x128xf32, #tpu.memory_space<vmem_shared>>
          %dma_wait3A_118 = arith.constant 0 : i32
          %dma_wait3A_119 = arith.constant 0 : i32
          %dma_wait3A_120 = tpu.memref_slice %arg2[%dma_wait3A_118, %dma_wait3A_119] : memref<10240x128xf32, #tpu.memory_space<hbm>> -> memref<64x128xf32, #tpu.memory_space<hbm>>
          tpu.wait_dma2 semaphore(%arg20 : memref<!tpu.dma_semaphore, #tpu.memory_space<semaphore_mem>>) src(%dma_wait3A_120 : memref<64x128xf32, #tpu.memory_space<hbm>>) dst(%dma_wait3A_117 : memref<64x128xf32, #tpu.memory_space<vmem_shared>>)
        } else {
        }
        %dma_start3A_79 = arith.constant 1 : i32
        %dma_start3A_80 = arith.constant 0 : i32
        %dma_start3A_81 = tpu.memref_slice %arg8[%dma_start3A_79, %dma_start3A_80] : memref<32x64xi32, #tpu.memory_space<vmem>> -> memref<1x64xi32, #tpu.memory_space<vmem>>
        %dma_start3A_82 = tpu.memref_squeeze %dma_start3A_81 : memref<1x64xi32, #tpu.memory_space<vmem>> -> memref<64xi32, #tpu.memory_space<vmem>>
        %dma_start3A_83 = arith.constant 0 : i32
        %dma_start3A_84 = arith.constant 0 : i32
        %dma_start3A_85 = tpu.memref_slice %arg2[%dma_start3A_83, %dma_start3A_84] : memref<10240x128xf32, #tpu.memory_space<hbm>> -> memref<10240x128xf32, #tpu.memory_space<hbm>>
        tpu.enqueue_indirect_dma source(%dma_start3A_85 : memref<10240x128xf32, #tpu.memory_space<hbm>>) target(%arg11 : memref<64x128xf32, #tpu.memory_space<vmem>>) offsets(%dma_start3A_82 : memref<64xi32, #tpu.memory_space<vmem>>) semaphore(%arg16 : memref<!tpu.dma_semaphore, #tpu.memory_space<semaphore_mem>>)
        %gt3A_86 = arith.constant 0 : i32
        %gt3A_87 = arith.cmpi sgt, %add3A_59, %gt3A_86 : i32
        %convert_element_type3A_88 = arith.extui %gt3A_87 : i1 to i32
        %cond3A_89 = arith.constant 0 : i32
        %cond3A_90 = arith.cmpi ne, %convert_element_type3A_88, %cond3A_89 : i32
        scf.if %cond3A_90 {
          %dma_wait3A_115 = arith.constant 0 : i32
          %dma_wait3A_116 = arith.constant 0 : i32
          %dma_wait3A_117 = tpu.memref_slice %arg14[%dma_wait3A_115, %dma_wait3A_116] : memref<10240x128xf32, #tpu.memory_space<vmem_shared>> -> memref<64x128xf32, #tpu.memory_space<vmem_shared>>
          %dma_wait3A_118 = arith.constant 0 : i32
          %dma_wait3A_119 = arith.constant 0 : i32
          %dma_wait3A_120 = tpu.memref_slice %arg2[%dma_wait3A_118, %dma_wait3A_119] : memref<10240x128xf32, #tpu.memory_space<hbm>> -> memref<64x128xf32, #tpu.memory_space<hbm>>
          tpu.wait_dma2 semaphore(%arg21 : memref<!tpu.dma_semaphore, #tpu.memory_space<semaphore_mem>>) src(%dma_wait3A_120 : memref<64x128xf32, #tpu.memory_space<hbm>>) dst(%dma_wait3A_117 : memref<64x128xf32, #tpu.memory_space<vmem_shared>>)
        } else {
        }
        %dma_start3A_91 = arith.constant 2 : i32
        %dma_start3A_92 = arith.constant 0 : i32
        %dma_start3A_93 = tpu.memref_slice %arg8[%dma_start3A_91, %dma_start3A_92] : memref<32x64xi32, #tpu.memory_space<vmem>> -> memref<1x64xi32, #tpu.memory_space<vmem>>
        %dma_start3A_94 = tpu.memref_squeeze %dma_start3A_93 : memref<1x64xi32, #tpu.memory_space<vmem>> -> memref<64xi32, #tpu.memory_space<vmem>>
        %dma_start3A_95 = arith.constant 0 : i32
        %dma_start3A_96 = arith.constant 0 : i32
        %dma_start3A_97 = tpu.memref_slice %arg2[%dma_start3A_95, %dma_start3A_96] : memref<10240x128xf32, #tpu.memory_space<hbm>> -> memref<10240x128xf32, #tpu.memory_space<hbm>>
        tpu.enqueue_indirect_dma source(%dma_start3A_97 : memref<10240x128xf32, #tpu.memory_space<hbm>>) target(%arg12 : memref<64x128xf32, #tpu.memory_space<vmem>>) offsets(%dma_start3A_94 : memref<64xi32, #tpu.memory_space<vmem>>) semaphore(%arg17 : memref<!tpu.dma_semaphore, #tpu.memory_space<semaphore_mem>>)
        %gt3A_98 = arith.constant 0 : i32
        %gt3A_99 = arith.cmpi sgt, %add3A_59, %gt3A_98 : i32
        %convert_element_type3A_100 = arith.extui %gt3A_99 : i1 to i32
        %cond3A_101 = arith.constant 0 : i32
        %cond3A_102 = arith.cmpi ne, %convert_element_type3A_100, %cond3A_101 : i32
        scf.if %cond3A_102 {
          %dma_wait3A_115 = arith.constant 0 : i32
          %dma_wait3A_116 = arith.constant 0 : i32
          %dma_wait3A_117 = tpu.memref_slice %arg14[%dma_wait3A_115, %dma_wait3A_116] : memref<10240x128xf32, #tpu.memory_space<vmem_shared>> -> memref<64x128xf32, #tpu.memory_space<vmem_shared>>
          %dma_wait3A_118 = arith.constant 0 : i32
          %dma_wait3A_119 = arith.constant 0 : i32
          %dma_wait3A_120 = tpu.memref_slice %arg2[%dma_wait3A_118, %dma_wait3A_119] : memref<10240x128xf32, #tpu.memory_space<hbm>> -> memref<64x128xf32, #tpu.memory_space<hbm>>
          tpu.wait_dma2 semaphore(%arg22 : memref<!tpu.dma_semaphore, #tpu.memory_space<semaphore_mem>>) src(%dma_wait3A_120 : memref<64x128xf32, #tpu.memory_space<hbm>>) dst(%dma_wait3A_117 : memref<64x128xf32, #tpu.memory_space<vmem_shared>>)
        } else {
        }
        %dma_start3A_103 = arith.constant 3 : i32
        %dma_start3A_104 = arith.constant 0 : i32
        %dma_start3A_105 = tpu.memref_slice %arg8[%dma_start3A_103, %dma_start3A_104] : memref<32x64xi32, #tpu.memory_space<vmem>> -> memref<1x64xi32, #tpu.memory_space<vmem>>
        %dma_start3A_106 = tpu.memref_squeeze %dma_start3A_105 : memref<1x64xi32, #tpu.memory_space<vmem>> -> memref<64xi32, #tpu.memory_space<vmem>>
        %dma_start3A_107 = arith.constant 0 : i32
        %dma_start3A_108 = arith.constant 0 : i32
        %dma_start3A_109 = tpu.memref_slice %arg2[%dma_start3A_107, %dma_start3A_108] : memref<10240x128xf32, #tpu.memory_space<hbm>> -> memref<10240x128xf32, #tpu.memory_space<hbm>>
        tpu.enqueue_indirect_dma source(%dma_start3A_109 : memref<10240x128xf32, #tpu.memory_space<hbm>>) target(%arg13 : memref<64x128xf32, #tpu.memory_space<vmem>>) offsets(%dma_start3A_106 : memref<64xi32, #tpu.memory_space<vmem>>) semaphore(%arg18 : memref<!tpu.dma_semaphore, #tpu.memory_space<semaphore_mem>>)
        %scan3A_110 = arith.constant 0 : i32
        %scan3A_111 = arith.constant 8 : i32
        %scan3A_112 = arith.addi %scan3A_110, %scan3A_111 : i32
        %scan3A_113 = arith.constant 1 : i32
        scf.for %scan3A_115 = %scan3A_110 to %scan3A_112 step %scan3A_113  : i32 {
          %mul3A_116 = arith.constant 1 : i32
          %mul3A_117 = arith.muli %scan3A_115, %mul3A_116 : i32
          %add3A_118 = arith.constant 0 : i32
          %add3A_119 = arith.addi %add3A_118, %mul3A_117 : i32
          %mul3A_120 = arith.constant 4 : i32
          %mul3A_121 = arith.muli %mul3A_120, %add3A_119 : i32
          %add3A_122 = arith.constant 0 : i32
          %add3A_123 = arith.addi %mul3A_121, %add3A_122 : i32
          %dma_wait3A_124 = arith.constant 0 : i32
          %dma_wait3A_125 = arith.constant 0 : i32
          %dma_wait3A_126 = tpu.memref_slice %arg2[%dma_wait3A_124, %dma_wait3A_125] : memref<10240x128xf32, #tpu.memory_space<hbm>> -> memref<64x128xf32, #tpu.memory_space<hbm>>
          %dma_wait3A_127 = arith.constant 0 : i32
          %dma_wait3A_128 = arith.constant 0 : i32
          %dma_wait3A_129 = tpu.memref_slice %arg2[%dma_wait3A_127, %dma_wait3A_128] : memref<10240x128xf32, #tpu.memory_space<hbm>> -> memref<64x128xf32, #tpu.memory_space<hbm>>
          tpu.wait_dma2 semaphore(%arg15 : memref<!tpu.dma_semaphore, #tpu.memory_space<semaphore_mem>>) src(%dma_wait3A_129 : memref<64x128xf32, #tpu.memory_space<hbm>>) dst(%arg10 : memref<64x128xf32, #tpu.memory_space<vmem>>)
          %dma_start3A_130 = arith.constant 0 : i32
          %dma_start3A_131 = tpu.memref_slice %arg9[%add3A_123, %dma_start3A_130] : memref<32x64xi32, #tpu.memory_space<vmem>> -> memref<1x64xi32, #tpu.memory_space<vmem>>
          %dma_start3A_132 = tpu.memref_squeeze %dma_start3A_131 : memref<1x64xi32, #tpu.memory_space<vmem>> -> memref<64xi32, #tpu.memory_space<vmem>>
          %dma_start3A_133 = arith.constant 0 : i32
          %dma_start3A_134 = arith.constant 0 : i32
          %dma_start3A_135 = tpu.memref_slice %arg14[%dma_start3A_133, %dma_start3A_134] : memref<10240x128xf32, #tpu.memory_space<vmem_shared>> -> memref<10240x128xf32, #tpu.memory_space<vmem_shared>>
          tpu.enqueue_indirect_dma source(%arg10 : memref<64x128xf32, #tpu.memory_space<vmem>>) target(%dma_start3A_135 : memref<10240x128xf32, #tpu.memory_space<vmem_shared>>) offsets(%dma_start3A_132 : memref<64xi32, #tpu.memory_space<vmem>>) semaphore(%arg19 : memref<!tpu.dma_semaphore, #tpu.memory_space<semaphore_mem>>) {add = true}
          %add3A_136 = arith.constant 4 : i32
          %add3A_137 = arith.addi %add3A_123, %add3A_136 : i32
          %sub3A = arith.constant 1 : i32
          %sub3A_138 = arith.subi %add3A_137, %sub3A : i32
          %ge3A = arith.constant 1 : i32
          %ge3A_139 = arith.cmpi sge, %add3A_123, %ge3A : i32
          %lt3A = arith.constant 32 : i32
          %lt3A_140 = arith.cmpi slt, %sub3A_138, %lt3A : i32
          %and3A = arith.andi %ge3A_139, %lt3A_140 : i1
          %convert_element_type3A_141 = arith.extui %and3A : i1 to i32
          %cond3A_142 = arith.constant 0 : i32
          %cond3A_143 = arith.cmpi ne, %convert_element_type3A_141, %cond3A_142 : i32
          scf.if %cond3A_143 {
            %dma_wait3A_228 = arith.constant 0 : i32
            %dma_wait3A_229 = arith.constant 0 : i32
            %dma_wait3A_230 = tpu.memref_slice %arg14[%dma_wait3A_228, %dma_wait3A_229] : memref<10240x128xf32, #tpu.memory_space<vmem_shared>> -> memref<64x128xf32, #tpu.memory_space<vmem_shared>>
            %dma_wait3A_231 = arith.constant 0 : i32
            %dma_wait3A_232 = arith.constant 0 : i32
            %dma_wait3A_233 = tpu.memref_slice %arg2[%dma_wait3A_231, %dma_wait3A_232] : memref<10240x128xf32, #tpu.memory_space<hbm>> -> memref<64x128xf32, #tpu.memory_space<hbm>>
            tpu.wait_dma2 semaphore(%arg22 : memref<!tpu.dma_semaphore, #tpu.memory_space<semaphore_mem>>) src(%dma_wait3A_233 : memref<64x128xf32, #tpu.memory_space<hbm>>) dst(%dma_wait3A_230 : memref<64x128xf32, #tpu.memory_space<vmem_shared>>)
            %dma_start3A_234 = arith.constant 0 : i32
            %dma_start3A_235 = tpu.memref_slice %arg8[%sub3A_138, %dma_start3A_234] : memref<32x64xi32, #tpu.memory_space<vmem>> -> memref<1x64xi32, #tpu.memory_space<vmem>>
            %dma_start3A_236 = tpu.memref_squeeze %dma_start3A_235 : memref<1x64xi32, #tpu.memory_space<vmem>> -> memref<64xi32, #tpu.memory_space<vmem>>
            %dma_start3A_237 = arith.constant 0 : i32
            %dma_start3A_238 = arith.constant 0 : i32
            %dma_start3A_239 = tpu.memref_slice %arg2[%dma_start3A_237, %dma_start3A_238] : memref<10240x128xf32, #tpu.memory_space<hbm>> -> memref<10240x128xf32, #tpu.memory_space<hbm>>
            tpu.enqueue_indirect_dma source(%dma_start3A_239 : memref<10240x128xf32, #tpu.memory_space<hbm>>) target(%arg13 : memref<64x128xf32, #tpu.memory_space<vmem>>) offsets(%dma_start3A_236 : memref<64xi32, #tpu.memory_space<vmem>>) semaphore(%arg18 : memref<!tpu.dma_semaphore, #tpu.memory_space<semaphore_mem>>)
          } else {
          }
          %mul3A_144 = arith.constant 4 : i32
          %mul3A_145 = arith.muli %mul3A_144, %add3A_119 : i32
          %add3A_146 = arith.constant 1 : i32
          %add3A_147 = arith.addi %mul3A_145, %add3A_146 : i32
          %dma_wait3A_148 = arith.constant 0 : i32
          %dma_wait3A_149 = arith.constant 0 : i32
          %dma_wait3A_150 = tpu.memref_slice %arg2[%dma_wait3A_148, %dma_wait3A_149] : memref<10240x128xf32, #tpu.memory_space<hbm>> -> memref<64x128xf32, #tpu.memory_space<hbm>>
          %dma_wait3A_151 = arith.constant 0 : i32
          %dma_wait3A_152 = arith.constant 0 : i32
          %dma_wait3A_153 = tpu.memref_slice %arg2[%dma_wait3A_151, %dma_wait3A_152] : memref<10240x128xf32, #tpu.memory_space<hbm>> -> memref<64x128xf32, #tpu.memory_space<hbm>>
          tpu.wait_dma2 semaphore(%arg16 : memref<!tpu.dma_semaphore, #tpu.memory_space<semaphore_mem>>) src(%dma_wait3A_153 : memref<64x128xf32, #tpu.memory_space<hbm>>) dst(%arg11 : memref<64x128xf32, #tpu.memory_space<vmem>>)
          %dma_start3A_154 = arith.constant 0 : i32
          %dma_start3A_155 = tpu.memref_slice %arg9[%add3A_147, %dma_start3A_154] : memref<32x64xi32, #tpu.memory_space<vmem>> -> memref<1x64xi32, #tpu.memory_space<vmem>>
          %dma_start3A_156 = tpu.memref_squeeze %dma_start3A_155 : memref<1x64xi32, #tpu.memory_space<vmem>> -> memref<64xi32, #tpu.memory_space<vmem>>
          %dma_start3A_157 = arith.constant 0 : i32
          %dma_start3A_158 = arith.constant 0 : i32
          %dma_start3A_159 = tpu.memref_slice %arg14[%dma_start3A_157, %dma_start3A_158] : memref<10240x128xf32, #tpu.memory_space<vmem_shared>> -> memref<10240x128xf32, #tpu.memory_space<vmem_shared>>
          tpu.enqueue_indirect_dma source(%arg11 : memref<64x128xf32, #tpu.memory_space<vmem>>) target(%dma_start3A_159 : memref<10240x128xf32, #tpu.memory_space<vmem_shared>>) offsets(%dma_start3A_156 : memref<64xi32, #tpu.memory_space<vmem>>) semaphore(%arg20 : memref<!tpu.dma_semaphore, #tpu.memory_space<semaphore_mem>>) {add = true}
          %add3A_160 = arith.constant 4 : i32
          %add3A_161 = arith.addi %add3A_147, %add3A_160 : i32
          %sub3A_162 = arith.constant 1 : i32
          %sub3A_163 = arith.subi %add3A_161, %sub3A_162 : i32
          %ge3A_164 = arith.constant 1 : i32
          %ge3A_165 = arith.cmpi sge, %add3A_147, %ge3A_164 : i32
          %lt3A_166 = arith.constant 32 : i32
          %lt3A_167 = arith.cmpi slt, %sub3A_163, %lt3A_166 : i32
          %and3A_168 = arith.andi %ge3A_165, %lt3A_167 : i1
          %convert_element_type3A_169 = arith.extui %and3A_168 : i1 to i32
          %cond3A_170 = arith.constant 0 : i32
          %cond3A_171 = arith.cmpi ne, %convert_element_type3A_169, %cond3A_170 : i32
          scf.if %cond3A_171 {
            %dma_wait3A_228 = arith.constant 0 : i32
            %dma_wait3A_229 = arith.constant 0 : i32
            %dma_wait3A_230 = tpu.memref_slice %arg14[%dma_wait3A_228, %dma_wait3A_229] : memref<10240x128xf32, #tpu.memory_space<vmem_shared>> -> memref<64x128xf32, #tpu.memory_space<vmem_shared>>
            %dma_wait3A_231 = arith.constant 0 : i32
            %dma_wait3A_232 = arith.constant 0 : i32
            %dma_wait3A_233 = tpu.memref_slice %arg2[%dma_wait3A_231, %dma_wait3A_232] : memref<10240x128xf32, #tpu.memory_space<hbm>> -> memref<64x128xf32, #tpu.memory_space<hbm>>
            tpu.wait_dma2 semaphore(%arg19 : memref<!tpu.dma_semaphore, #tpu.memory_space<semaphore_mem>>) src(%dma_wait3A_233 : memref<64x128xf32, #tpu.memory_space<hbm>>) dst(%dma_wait3A_230 : memref<64x128xf32, #tpu.memory_space<vmem_shared>>)
            %dma_start3A_234 = arith.constant 0 : i32
            %dma_start3A_235 = tpu.memref_slice %arg8[%sub3A_163, %dma_start3A_234] : memref<32x64xi32, #tpu.memory_space<vmem>> -> memref<1x64xi32, #tpu.memory_space<vmem>>
            %dma_start3A_236 = tpu.memref_squeeze %dma_start3A_235 : memref<1x64xi32, #tpu.memory_space<vmem>> -> memref<64xi32, #tpu.memory_space<vmem>>
            %dma_start3A_237 = arith.constant 0 : i32
            %dma_start3A_238 = arith.constant 0 : i32
            %dma_start3A_239 = tpu.memref_slice %arg2[%dma_start3A_237, %dma_start3A_238] : memref<10240x128xf32, #tpu.memory_space<hbm>> -> memref<10240x128xf32, #tpu.memory_space<hbm>>
            tpu.enqueue_indirect_dma source(%dma_start3A_239 : memref<10240x128xf32, #tpu.memory_space<hbm>>) target(%arg10 : memref<64x128xf32, #tpu.memory_space<vmem>>) offsets(%dma_start3A_236 : memref<64xi32, #tpu.memory_space<vmem>>) semaphore(%arg15 : memref<!tpu.dma_semaphore, #tpu.memory_space<semaphore_mem>>)
          } else {
          }
          %mul3A_172 = arith.constant 4 : i32
          %mul3A_173 = arith.muli %mul3A_172, %add3A_119 : i32
          %add3A_174 = arith.constant 2 : i32
          %add3A_175 = arith.addi %mul3A_173, %add3A_174 : i32
          %dma_wait3A_176 = arith.constant 0 : i32
          %dma_wait3A_177 = arith.constant 0 : i32
          %dma_wait3A_178 = tpu.memref_slice %arg2[%dma_wait3A_176, %dma_wait3A_177] : memref<10240x128xf32, #tpu.memory_space<hbm>> -> memref<64x128xf32, #tpu.memory_space<hbm>>
          %dma_wait3A_179 = arith.constant 0 : i32
          %dma_wait3A_180 = arith.constant 0 : i32
          %dma_wait3A_181 = tpu.memref_slice %arg2[%dma_wait3A_179, %dma_wait3A_180] : memref<10240x128xf32, #tpu.memory_space<hbm>> -> memref<64x128xf32, #tpu.memory_space<hbm>>
          tpu.wait_dma2 semaphore(%arg17 : memref<!tpu.dma_semaphore, #tpu.memory_space<semaphore_mem>>) src(%dma_wait3A_181 : memref<64x128xf32, #tpu.memory_space<hbm>>) dst(%arg12 : memref<64x128xf32, #tpu.memory_space<vmem>>)
          %dma_start3A_182 = arith.constant 0 : i32
          %dma_start3A_183 = tpu.memref_slice %arg9[%add3A_175, %dma_start3A_182] : memref<32x64xi32, #tpu.memory_space<vmem>> -> memref<1x64xi32, #tpu.memory_space<vmem>>
          %dma_start3A_184 = tpu.memref_squeeze %dma_start3A_183 : memref<1x64xi32, #tpu.memory_space<vmem>> -> memref<64xi32, #tpu.memory_space<vmem>>
          %dma_start3A_185 = arith.constant 0 : i32
          %dma_start3A_186 = arith.constant 0 : i32
          %dma_start3A_187 = tpu.memref_slice %arg14[%dma_start3A_185, %dma_start3A_186] : memref<10240x128xf32, #tpu.memory_space<vmem_shared>> -> memref<10240x128xf32, #tpu.memory_space<vmem_shared>>
          tpu.enqueue_indirect_dma source(%arg12 : memref<64x128xf32, #tpu.memory_space<vmem>>) target(%dma_start3A_187 : memref<10240x128xf32, #tpu.memory_space<vmem_shared>>) offsets(%dma_start3A_184 : memref<64xi32, #tpu.memory_space<vmem>>) semaphore(%arg21 : memref<!tpu.dma_semaphore, #tpu.memory_space<semaphore_mem>>) {add = true}
          %add3A_188 = arith.constant 4 : i32
          %add3A_189 = arith.addi %add3A_175, %add3A_188 : i32
          %sub3A_190 = arith.constant 1 : i32
          %sub3A_191 = arith.subi %add3A_189, %sub3A_190 : i32
          %ge3A_192 = arith.constant 1 : i32
          %ge3A_193 = arith.cmpi sge, %add3A_175, %ge3A_192 : i32
          %lt3A_194 = arith.constant 32 : i32
          %lt3A_195 = arith.cmpi slt, %sub3A_191, %lt3A_194 : i32
          %and3A_196 = arith.andi %ge3A_193, %lt3A_195 : i1
          %convert_element_type3A_197 = arith.extui %and3A_196 : i1 to i32
          %cond3A_198 = arith.constant 0 : i32
          %cond3A_199 = arith.cmpi ne, %convert_element_type3A_197, %cond3A_198 : i32
          scf.if %cond3A_199 {
            %dma_wait3A_228 = arith.constant 0 : i32
            %dma_wait3A_229 = arith.constant 0 : i32
            %dma_wait3A_230 = tpu.memref_slice %arg14[%dma_wait3A_228, %dma_wait3A_229] : memref<10240x128xf32, #tpu.memory_space<vmem_shared>> -> memref<64x128xf32, #tpu.memory_space<vmem_shared>>
            %dma_wait3A_231 = arith.constant 0 : i32
            %dma_wait3A_232 = arith.constant 0 : i32
            %dma_wait3A_233 = tpu.memref_slice %arg2[%dma_wait3A_231, %dma_wait3A_232] : memref<10240x128xf32, #tpu.memory_space<hbm>> -> memref<64x128xf32, #tpu.memory_space<hbm>>
            tpu.wait_dma2 semaphore(%arg20 : memref<!tpu.dma_semaphore, #tpu.memory_space<semaphore_mem>>) src(%dma_wait3A_233 : memref<64x128xf32, #tpu.memory_space<hbm>>) dst(%dma_wait3A_230 : memref<64x128xf32, #tpu.memory_space<vmem_shared>>)
            %dma_start3A_234 = arith.constant 0 : i32
            %dma_start3A_235 = tpu.memref_slice %arg8[%sub3A_191, %dma_start3A_234] : memref<32x64xi32, #tpu.memory_space<vmem>> -> memref<1x64xi32, #tpu.memory_space<vmem>>
            %dma_start3A_236 = tpu.memref_squeeze %dma_start3A_235 : memref<1x64xi32, #tpu.memory_space<vmem>> -> memref<64xi32, #tpu.memory_space<vmem>>
            %dma_start3A_237 = arith.constant 0 : i32
            %dma_start3A_238 = arith.constant 0 : i32
            %dma_start3A_239 = tpu.memref_slice %arg2[%dma_start3A_237, %dma_start3A_238] : memref<10240x128xf32, #tpu.memory_space<hbm>> -> memref<10240x128xf32, #tpu.memory_space<hbm>>
            tpu.enqueue_indirect_dma source(%dma_start3A_239 : memref<10240x128xf32, #tpu.memory_space<hbm>>) target(%arg11 : memref<64x128xf32, #tpu.memory_space<vmem>>) offsets(%dma_start3A_236 : memref<64xi32, #tpu.memory_space<vmem>>) semaphore(%arg16 : memref<!tpu.dma_semaphore, #tpu.memory_space<semaphore_mem>>)
          } else {
          }
          %mul3A_200 = arith.constant 4 : i32
          %mul3A_201 = arith.muli %mul3A_200, %add3A_119 : i32
          %add3A_202 = arith.constant 3 : i32
          %add3A_203 = arith.addi %mul3A_201, %add3A_202 : i32
          %dma_wait3A_204 = arith.constant 0 : i32
          %dma_wait3A_205 = arith.constant 0 : i32
          %dma_wait3A_206 = tpu.memref_slice %arg2[%dma_wait3A_204, %dma_wait3A_205] : memref<10240x128xf32, #tpu.memory_space<hbm>> -> memref<64x128xf32, #tpu.memory_space<hbm>>
          %dma_wait3A_207 = arith.constant 0 : i32
          %dma_wait3A_208 = arith.constant 0 : i32
          %dma_wait3A_209 = tpu.memref_slice %arg2[%dma_wait3A_207, %dma_wait3A_208] : memref<10240x128xf32, #tpu.memory_space<hbm>> -> memref<64x128xf32, #tpu.memory_space<hbm>>
          tpu.wait_dma2 semaphore(%arg18 : memref<!tpu.dma_semaphore, #tpu.memory_space<semaphore_mem>>) src(%dma_wait3A_209 : memref<64x128xf32, #tpu.memory_space<hbm>>) dst(%arg13 : memref<64x128xf32, #tpu.memory_space<vmem>>)
          %dma_start3A_210 = arith.constant 0 : i32
          %dma_start3A_211 = tpu.memref_slice %arg9[%add3A_203, %dma_start3A_210] : memref<32x64xi32, #tpu.memory_space<vmem>> -> memref<1x64xi32, #tpu.memory_space<vmem>>
          %dma_start3A_212 = tpu.memref_squeeze %dma_start3A_211 : memref<1x64xi32, #tpu.memory_space<vmem>> -> memref<64xi32, #tpu.memory_space<vmem>>
          %dma_start3A_213 = arith.constant 0 : i32
          %dma_start3A_214 = arith.constant 0 : i32
          %dma_start3A_215 = tpu.memref_slice %arg14[%dma_start3A_213, %dma_start3A_214] : memref<10240x128xf32, #tpu.memory_space<vmem_shared>> -> memref<10240x128xf32, #tpu.memory_space<vmem_shared>>
          tpu.enqueue_indirect_dma source(%arg13 : memref<64x128xf32, #tpu.memory_space<vmem>>) target(%dma_start3A_215 : memref<10240x128xf32, #tpu.memory_space<vmem_shared>>) offsets(%dma_start3A_212 : memref<64xi32, #tpu.memory_space<vmem>>) semaphore(%arg22 : memref<!tpu.dma_semaphore, #tpu.memory_space<semaphore_mem>>) {add = true}
          %add3A_216 = arith.constant 4 : i32
          %add3A_217 = arith.addi %add3A_203, %add3A_216 : i32
          %sub3A_218 = arith.constant 1 : i32
          %sub3A_219 = arith.subi %add3A_217, %sub3A_218 : i32
          %ge3A_220 = arith.constant 1 : i32
          %ge3A_221 = arith.cmpi sge, %add3A_203, %ge3A_220 : i32
          %lt3A_222 = arith.constant 32 : i32
          %lt3A_223 = arith.cmpi slt, %sub3A_219, %lt3A_222 : i32
          %and3A_224 = arith.andi %ge3A_221, %lt3A_223 : i1
          %convert_element_type3A_225 = arith.extui %and3A_224 : i1 to i32
          %cond3A_226 = arith.constant 0 : i32
          %cond3A_227 = arith.cmpi ne, %convert_element_type3A_225, %cond3A_226 : i32
          scf.if %cond3A_227 {
            %dma_wait3A_228 = arith.constant 0 : i32
            %dma_wait3A_229 = arith.constant 0 : i32
            %dma_wait3A_230 = tpu.memref_slice %arg14[%dma_wait3A_228, %dma_wait3A_229] : memref<10240x128xf32, #tpu.memory_space<vmem_shared>> -> memref<64x128xf32, #tpu.memory_space<vmem_shared>>
            %dma_wait3A_231 = arith.constant 0 : i32
            %dma_wait3A_232 = arith.constant 0 : i32
            %dma_wait3A_233 = tpu.memref_slice %arg2[%dma_wait3A_231, %dma_wait3A_232] : memref<10240x128xf32, #tpu.memory_space<hbm>> -> memref<64x128xf32, #tpu.memory_space<hbm>>
            tpu.wait_dma2 semaphore(%arg21 : memref<!tpu.dma_semaphore, #tpu.memory_space<semaphore_mem>>) src(%dma_wait3A_233 : memref<64x128xf32, #tpu.memory_space<hbm>>) dst(%dma_wait3A_230 : memref<64x128xf32, #tpu.memory_space<vmem_shared>>)
            %dma_start3A_234 = arith.constant 0 : i32
            %dma_start3A_235 = tpu.memref_slice %arg8[%sub3A_219, %dma_start3A_234] : memref<32x64xi32, #tpu.memory_space<vmem>> -> memref<1x64xi32, #tpu.memory_space<vmem>>
            %dma_start3A_236 = tpu.memref_squeeze %dma_start3A_235 : memref<1x64xi32, #tpu.memory_space<vmem>> -> memref<64xi32, #tpu.memory_space<vmem>>
            %dma_start3A_237 = arith.constant 0 : i32
            %dma_start3A_238 = arith.constant 0 : i32
            %dma_start3A_239 = tpu.memref_slice %arg2[%dma_start3A_237, %dma_start3A_238] : memref<10240x128xf32, #tpu.memory_space<hbm>> -> memref<10240x128xf32, #tpu.memory_space<hbm>>
            tpu.enqueue_indirect_dma source(%dma_start3A_239 : memref<10240x128xf32, #tpu.memory_space<hbm>>) target(%arg12 : memref<64x128xf32, #tpu.memory_space<vmem>>) offsets(%dma_start3A_236 : memref<64xi32, #tpu.memory_space<vmem>>) semaphore(%arg17 : memref<!tpu.dma_semaphore, #tpu.memory_space<semaphore_mem>>)
          } else {
          }
        }
        %scan3A_114 = arith.constant 8 : i32
      }
      %scan3A_32 = arith.constant 10 : i32
      %dma_wait3A = arith.constant 0 : i32
      %dma_wait3A_33 = arith.constant 0 : i32
      %dma_wait3A_34 = tpu.memref_slice %arg14[%dma_wait3A, %dma_wait3A_33] : memref<10240x128xf32, #tpu.memory_space<vmem_shared>> -> memref<64x128xf32, #tpu.memory_space<vmem_shared>>
      %dma_wait3A_35 = arith.constant 0 : i32
      %dma_wait3A_36 = arith.constant 0 : i32
      %dma_wait3A_37 = tpu.memref_slice %arg2[%dma_wait3A_35, %dma_wait3A_36] : memref<10240x128xf32, #tpu.memory_space<hbm>> -> memref<64x128xf32, #tpu.memory_space<hbm>>
      tpu.wait_dma2 semaphore(%arg19 : memref<!tpu.dma_semaphore, #tpu.memory_space<semaphore_mem>>) src(%dma_wait3A_37 : memref<64x128xf32, #tpu.memory_space<hbm>>) dst(%dma_wait3A_34 : memref<64x128xf32, #tpu.memory_space<vmem_shared>>)
      %dma_wait3A_38 = arith.constant 0 : i32
      %dma_wait3A_39 = arith.constant 0 : i32
      %dma_wait3A_40 = tpu.memref_slice %arg14[%dma_wait3A_38, %dma_wait3A_39] : memref<10240x128xf32, #tpu.memory_space<vmem_shared>> -> memref<64x128xf32, #tpu.memory_space<vmem_shared>>
      %dma_wait3A_41 = arith.constant 0 : i32
      %dma_wait3A_42 = arith.constant 0 : i32
      %dma_wait3A_43 = tpu.memref_slice %arg2[%dma_wait3A_41, %dma_wait3A_42] : memref<10240x128xf32, #tpu.memory_space<hbm>> -> memref<64x128xf32, #tpu.memory_space<hbm>>
      tpu.wait_dma2 semaphore(%arg20 : memref<!tpu.dma_semaphore, #tpu.memory_space<semaphore_mem>>) src(%dma_wait3A_43 : memref<64x128xf32, #tpu.memory_space<hbm>>) dst(%dma_wait3A_40 : memref<64x128xf32, #tpu.memory_space<vmem_shared>>)
      %dma_wait3A_44 = arith.constant 0 : i32
      %dma_wait3A_45 = arith.constant 0 : i32
      %dma_wait3A_46 = tpu.memref_slice %arg14[%dma_wait3A_44, %dma_wait3A_45] : memref<10240x128xf32, #tpu.memory_space<vmem_shared>> -> memref<64x128xf32, #tpu.memory_space<vmem_shared>>
      %dma_wait3A_47 = arith.constant 0 : i32
      %dma_wait3A_48 = arith.constant 0 : i32
      %dma_wait3A_49 = tpu.memref_slice %arg2[%dma_wait3A_47, %dma_wait3A_48] : memref<10240x128xf32, #tpu.memory_space<hbm>> -> memref<64x128xf32, #tpu.memory_space<hbm>>
      tpu.wait_dma2 semaphore(%arg21 : memref<!tpu.dma_semaphore, #tpu.memory_space<semaphore_mem>>) src(%dma_wait3A_49 : memref<64x128xf32, #tpu.memory_space<hbm>>) dst(%dma_wait3A_46 : memref<64x128xf32, #tpu.memory_space<vmem_shared>>)
      %dma_wait3A_50 = arith.constant 0 : i32
      %dma_wait3A_51 = arith.constant 0 : i32
      %dma_wait3A_52 = tpu.memref_slice %arg14[%dma_wait3A_50, %dma_wait3A_51] : memref<10240x128xf32, #tpu.memory_space<vmem_shared>> -> memref<64x128xf32, #tpu.memory_space<vmem_shared>>
      %dma_wait3A_53 = arith.constant 0 : i32
      %dma_wait3A_54 = arith.constant 0 : i32
      %dma_wait3A_55 = tpu.memref_slice %arg2[%dma_wait3A_53, %dma_wait3A_54] : memref<10240x128xf32, #tpu.memory_space<hbm>> -> memref<64x128xf32, #tpu.memory_space<hbm>>
      tpu.wait_dma2 semaphore(%arg22 : memref<!tpu.dma_semaphore, #tpu.memory_space<semaphore_mem>>) src(%dma_wait3A_55 : memref<64x128xf32, #tpu.memory_space<hbm>>) dst(%dma_wait3A_52 : memref<64x128xf32, #tpu.memory_space<vmem_shared>>)
    } else {
    }
    %eq3A_12 = arith.constant 1 : i32
    %eq3A_13 = arith.cmpi eq, %arg0, %eq3A_12 : i32
    %convert_element_type3A_14 = arith.extui %eq3A_13 : i1 to i32
    %cond3A_15 = arith.constant 0 : i32
    %cond3A_16 = arith.cmpi ne, %convert_element_type3A_14, %cond3A_15 : i32
    scf.if %cond3A_16 {
      %scan3A_28 = arith.constant 0 : i32
      %scan3A_29 = arith.constant 10 : i32
      %scan3A_30 = arith.addi %scan3A_28, %scan3A_29 : i32
      %scan3A_31 = arith.constant 1 : i32
      scf.for %scan3A_56 = %scan3A_28 to %scan3A_30 step %scan3A_31  : i32 {
        %mul3A_57 = arith.constant 1 : i32
        %mul3A_58 = arith.muli %scan3A_56, %mul3A_57 : i32
        %add3A = arith.constant 0 : i32
        %add3A_59 = arith.addi %add3A, %mul3A_58 : i32
        %mul3A_60 = arith.constant 32 : i32
        %mul3A_61 = arith.muli %add3A_59, %mul3A_60 : i32
        "tpu.region"() ({
          %run_scoped3A = tpu.sem_alloc : memref<!tpu.dma_semaphore, #tpu.memory_space<semaphore_mem>>
          %dma_start3A_115 = arith.constant 0 : i32
          %dma_start3A_116 = tpu.memref_slice %arg4[%arg1, %mul3A_61, %dma_start3A_115] : memref<16x320x64xi32, #tpu.memory_space<hbm>> -> memref<1x32x64xi32, #tpu.memory_space<hbm>>
          %dma_start3A_117 = tpu.memref_squeeze %dma_start3A_116 : memref<1x32x64xi32, #tpu.memory_space<hbm>> -> memref<32x64xi32, #tpu.memory_space<hbm>>
          %dma_start3A_118 = arith.constant 0 : i32
          %dma_start3A_119 = tpu.memref_slice %arg4[%arg1, %mul3A_61, %dma_start3A_118] : memref<16x320x64xi32, #tpu.memory_space<hbm>> -> memref<1x32x64xi32, #tpu.memory_space<hbm>>
          %dma_start3A_120 = tpu.memref_squeeze %dma_start3A_119 : memref<1x32x64xi32, #tpu.memory_space<hbm>> -> memref<32x64xi32, #tpu.memory_space<hbm>>
          tpu.enqueue_dma source(%dma_start3A_120 : memref<32x64xi32, #tpu.memory_space<hbm>>) target(%arg8 : memref<32x64xi32, #tpu.memory_space<vmem>>) target_semaphore(%run_scoped3A : memref<!tpu.dma_semaphore, #tpu.memory_space<semaphore_mem>>)
          %dma_wait3A_121 = arith.constant 0 : i32
          %dma_wait3A_122 = tpu.memref_slice %arg4[%arg1, %mul3A_61, %dma_wait3A_121] : memref<16x320x64xi32, #tpu.memory_space<hbm>> -> memref<1x32x64xi32, #tpu.memory_space<hbm>>
          %dma_wait3A_123 = tpu.memref_squeeze %dma_wait3A_122 : memref<1x32x64xi32, #tpu.memory_space<hbm>> -> memref<32x64xi32, #tpu.memory_space<hbm>>
          %dma_wait3A_124 = arith.constant 0 : i32
          %dma_wait3A_125 = tpu.memref_slice %arg4[%arg1, %mul3A_61, %dma_wait3A_124] : memref<16x320x64xi32, #tpu.memory_space<hbm>> -> memref<1x32x64xi32, #tpu.memory_space<hbm>>
          %dma_wait3A_126 = tpu.memref_squeeze %dma_wait3A_125 : memref<1x32x64xi32, #tpu.memory_space<hbm>> -> memref<32x64xi32, #tpu.memory_space<hbm>>
          tpu.wait_dma2 semaphore(%run_scoped3A : memref<!tpu.dma_semaphore, #tpu.memory_space<semaphore_mem>>) src(%dma_wait3A_126 : memref<32x64xi32, #tpu.memory_space<hbm>>) dst(%arg8 : memref<32x64xi32, #tpu.memory_space<vmem>>)
          tpu.yield
        }) : () -> ()
        %mul3A_62 = arith.constant 32 : i32
        %mul3A_63 = arith.muli %add3A_59, %mul3A_62 : i32
        "tpu.region"() ({
          %run_scoped3A = tpu.sem_alloc : memref<!tpu.dma_semaphore, #tpu.memory_space<semaphore_mem>>
          %dma_start3A_115 = arith.constant 0 : i32
          %dma_start3A_116 = tpu.memref_slice %arg5[%arg1, %mul3A_63, %dma_start3A_115] : memref<16x320x64xi32, #tpu.memory_space<hbm>> -> memref<1x32x64xi32, #tpu.memory_space<hbm>>
          %dma_start3A_117 = tpu.memref_squeeze %dma_start3A_116 : memref<1x32x64xi32, #tpu.memory_space<hbm>> -> memref<32x64xi32, #tpu.memory_space<hbm>>
          %dma_start3A_118 = arith.constant 0 : i32
          %dma_start3A_119 = tpu.memref_slice %arg5[%arg1, %mul3A_63, %dma_start3A_118] : memref<16x320x64xi32, #tpu.memory_space<hbm>> -> memref<1x32x64xi32, #tpu.memory_space<hbm>>
          %dma_start3A_120 = tpu.memref_squeeze %dma_start3A_119 : memref<1x32x64xi32, #tpu.memory_space<hbm>> -> memref<32x64xi32, #tpu.memory_space<hbm>>
          tpu.enqueue_dma source(%dma_start3A_120 : memref<32x64xi32, #tpu.memory_space<hbm>>) target(%arg9 : memref<32x64xi32, #tpu.memory_space<vmem>>) target_semaphore(%run_scoped3A : memref<!tpu.dma_semaphore, #tpu.memory_space<semaphore_mem>>)
          %dma_wait3A_121 = arith.constant 0 : i32
          %dma_wait3A_122 = tpu.memref_slice %arg5[%arg1, %mul3A_63, %dma_wait3A_121] : memref<16x320x64xi32, #tpu.memory_space<hbm>> -> memref<1x32x64xi32, #tpu.memory_space<hbm>>
          %dma_wait3A_123 = tpu.memref_squeeze %dma_wait3A_122 : memref<1x32x64xi32, #tpu.memory_space<hbm>> -> memref<32x64xi32, #tpu.memory_space<hbm>>
          %dma_wait3A_124 = arith.constant 0 : i32
          %dma_wait3A_125 = tpu.memref_slice %arg5[%arg1, %mul3A_63, %dma_wait3A_124] : memref<16x320x64xi32, #tpu.memory_space<hbm>> -> memref<1x32x64xi32, #tpu.memory_space<hbm>>
          %dma_wait3A_126 = tpu.memref_squeeze %dma_wait3A_125 : memref<1x32x64xi32, #tpu.memory_space<hbm>> -> memref<32x64xi32, #tpu.memory_space<hbm>>
          tpu.wait_dma2 semaphore(%run_scoped3A : memref<!tpu.dma_semaphore, #tpu.memory_space<semaphore_mem>>) src(%dma_wait3A_126 : memref<32x64xi32, #tpu.memory_space<hbm>>) dst(%arg9 : memref<32x64xi32, #tpu.memory_space<vmem>>)
          tpu.yield
        }) : () -> ()
        %gt3A = arith.constant 0 : i32
        %gt3A_64 = arith.cmpi sgt, %add3A_59, %gt3A : i32
        %convert_element_type3A_65 = arith.extui %gt3A_64 : i1 to i32
        %cond3A_66 = arith.constant 0 : i32
        %cond3A_67 = arith.cmpi ne, %convert_element_type3A_65, %cond3A_66 : i32
        scf.if %cond3A_67 {
          %dma_wait3A_115 = arith.constant 0 : i32
          %dma_wait3A_116 = arith.constant 0 : i32
          %dma_wait3A_117 = tpu.memref_slice %arg14[%dma_wait3A_115, %dma_wait3A_116] : memref<10240x128xf32, #tpu.memory_space<vmem_shared>> -> memref<64x128xf32, #tpu.memory_space<vmem_shared>>
          %dma_wait3A_118 = arith.constant 0 : i32
          %dma_wait3A_119 = arith.constant 0 : i32
          %dma_wait3A_120 = tpu.memref_slice %arg3[%dma_wait3A_118, %dma_wait3A_119] : memref<10240x128xf32, #tpu.memory_space<hbm>> -> memref<64x128xf32, #tpu.memory_space<hbm>>
          tpu.wait_dma2 semaphore(%arg19 : memref<!tpu.dma_semaphore, #tpu.memory_space<semaphore_mem>>) src(%dma_wait3A_120 : memref<64x128xf32, #tpu.memory_space<hbm>>) dst(%dma_wait3A_117 : memref<64x128xf32, #tpu.memory_space<vmem_shared>>)
        } else {
        }
        %dma_start3A = arith.constant 0 : i32
        %dma_start3A_68 = arith.constant 0 : i32
        %dma_start3A_69 = tpu.memref_slice %arg8[%dma_start3A, %dma_start3A_68] : memref<32x64xi32, #tpu.memory_space<vmem>> -> memref<1x64xi32, #tpu.memory_space<vmem>>
        %dma_start3A_70 = tpu.memref_squeeze %dma_start3A_69 : memref<1x64xi32, #tpu.memory_space<vmem>> -> memref<64xi32, #tpu.memory_space<vmem>>
        %dma_start3A_71 = arith.constant 0 : i32
        %dma_start3A_72 = arith.constant 0 : i32
        %dma_start3A_73 = tpu.memref_slice %arg3[%dma_start3A_71, %dma_start3A_72] : memref<10240x128xf32, #tpu.memory_space<hbm>> -> memref<10240x128xf32, #tpu.memory_space<hbm>>
        tpu.enqueue_indirect_dma source(%dma_start3A_73 : memref<10240x128xf32, #tpu.memory_space<hbm>>) target(%arg10 : memref<64x128xf32, #tpu.memory_space<vmem>>) offsets(%dma_start3A_70 : memref<64xi32, #tpu.memory_space<vmem>>) semaphore(%arg15 : memref<!tpu.dma_semaphore, #tpu.memory_space<semaphore_mem>>)
        %gt3A_74 = arith.constant 0 : i32
        %gt3A_75 = arith.cmpi sgt, %add3A_59, %gt3A_74 : i32
        %convert_element_type3A_76 = arith.extui %gt3A_75 : i1 to i32
        %cond3A_77 = arith.constant 0 : i32
        %cond3A_78 = arith.cmpi ne, %convert_element_type3A_76, %cond3A_77 : i32
        scf.if %cond3A_78 {
          %dma_wait3A_115 = arith.constant 0 : i32
          %dma_wait3A_116 = arith.constant 0 : i32
          %dma_wait3A_117 = tpu.memref_slice %arg14[%dma_wait3A_115, %dma_wait3A_116] : memref<10240x128xf32, #tpu.memory_space<vmem_shared>> -> memref<64x128xf32, #tpu.memory_space<vmem_shared>>
          %dma_wait3A_118 = arith.constant 0 : i32
          %dma_wait3A_119 = arith.constant 0 : i32
          %dma_wait3A_120 = tpu.memref_slice %arg3[%dma_wait3A_118, %dma_wait3A_119] : memref<10240x128xf32, #tpu.memory_space<hbm>> -> memref<64x128xf32, #tpu.memory_space<hbm>>
          tpu.wait_dma2 semaphore(%arg20 : memref<!tpu.dma_semaphore, #tpu.memory_space<semaphore_mem>>) src(%dma_wait3A_120 : memref<64x128xf32, #tpu.memory_space<hbm>>) dst(%dma_wait3A_117 : memref<64x128xf32, #tpu.memory_space<vmem_shared>>)
        } else {
        }
        %dma_start3A_79 = arith.constant 1 : i32
        %dma_start3A_80 = arith.constant 0 : i32
        %dma_start3A_81 = tpu.memref_slice %arg8[%dma_start3A_79, %dma_start3A_80] : memref<32x64xi32, #tpu.memory_space<vmem>> -> memref<1x64xi32, #tpu.memory_space<vmem>>
        %dma_start3A_82 = tpu.memref_squeeze %dma_start3A_81 : memref<1x64xi32, #tpu.memory_space<vmem>> -> memref<64xi32, #tpu.memory_space<vmem>>
        %dma_start3A_83 = arith.constant 0 : i32
        %dma_start3A_84 = arith.constant 0 : i32
        %dma_start3A_85 = tpu.memref_slice %arg3[%dma_start3A_83, %dma_start3A_84] : memref<10240x128xf32, #tpu.memory_space<hbm>> -> memref<10240x128xf32, #tpu.memory_space<hbm>>
        tpu.enqueue_indirect_dma source(%dma_start3A_85 : memref<10240x128xf32, #tpu.memory_space<hbm>>) target(%arg11 : memref<64x128xf32, #tpu.memory_space<vmem>>) offsets(%dma_start3A_82 : memref<64xi32, #tpu.memory_space<vmem>>) semaphore(%arg16 : memref<!tpu.dma_semaphore, #tpu.memory_space<semaphore_mem>>)
        %gt3A_86 = arith.constant 0 : i32
        %gt3A_87 = arith.cmpi sgt, %add3A_59, %gt3A_86 : i32
        %convert_element_type3A_88 = arith.extui %gt3A_87 : i1 to i32
        %cond3A_89 = arith.constant 0 : i32
        %cond3A_90 = arith.cmpi ne, %convert_element_type3A_88, %cond3A_89 : i32
        scf.if %cond3A_90 {
          %dma_wait3A_115 = arith.constant 0 : i32
          %dma_wait3A_116 = arith.constant 0 : i32
          %dma_wait3A_117 = tpu.memref_slice %arg14[%dma_wait3A_115, %dma_wait3A_116] : memref<10240x128xf32, #tpu.memory_space<vmem_shared>> -> memref<64x128xf32, #tpu.memory_space<vmem_shared>>
          %dma_wait3A_118 = arith.constant 0 : i32
          %dma_wait3A_119 = arith.constant 0 : i32
          %dma_wait3A_120 = tpu.memref_slice %arg3[%dma_wait3A_118, %dma_wait3A_119] : memref<10240x128xf32, #tpu.memory_space<hbm>> -> memref<64x128xf32, #tpu.memory_space<hbm>>
          tpu.wait_dma2 semaphore(%arg21 : memref<!tpu.dma_semaphore, #tpu.memory_space<semaphore_mem>>) src(%dma_wait3A_120 : memref<64x128xf32, #tpu.memory_space<hbm>>) dst(%dma_wait3A_117 : memref<64x128xf32, #tpu.memory_space<vmem_shared>>)
        } else {
        }
        %dma_start3A_91 = arith.constant 2 : i32
        %dma_start3A_92 = arith.constant 0 : i32
        %dma_start3A_93 = tpu.memref_slice %arg8[%dma_start3A_91, %dma_start3A_92] : memref<32x64xi32, #tpu.memory_space<vmem>> -> memref<1x64xi32, #tpu.memory_space<vmem>>
        %dma_start3A_94 = tpu.memref_squeeze %dma_start3A_93 : memref<1x64xi32, #tpu.memory_space<vmem>> -> memref<64xi32, #tpu.memory_space<vmem>>
        %dma_start3A_95 = arith.constant 0 : i32
        %dma_start3A_96 = arith.constant 0 : i32
        %dma_start3A_97 = tpu.memref_slice %arg3[%dma_start3A_95, %dma_start3A_96] : memref<10240x128xf32, #tpu.memory_space<hbm>> -> memref<10240x128xf32, #tpu.memory_space<hbm>>
        tpu.enqueue_indirect_dma source(%dma_start3A_97 : memref<10240x128xf32, #tpu.memory_space<hbm>>) target(%arg12 : memref<64x128xf32, #tpu.memory_space<vmem>>) offsets(%dma_start3A_94 : memref<64xi32, #tpu.memory_space<vmem>>) semaphore(%arg17 : memref<!tpu.dma_semaphore, #tpu.memory_space<semaphore_mem>>)
        %gt3A_98 = arith.constant 0 : i32
        %gt3A_99 = arith.cmpi sgt, %add3A_59, %gt3A_98 : i32
        %convert_element_type3A_100 = arith.extui %gt3A_99 : i1 to i32
        %cond3A_101 = arith.constant 0 : i32
        %cond3A_102 = arith.cmpi ne, %convert_element_type3A_100, %cond3A_101 : i32
        scf.if %cond3A_102 {
          %dma_wait3A_115 = arith.constant 0 : i32
          %dma_wait3A_116 = arith.constant 0 : i32
          %dma_wait3A_117 = tpu.memref_slice %arg14[%dma_wait3A_115, %dma_wait3A_116] : memref<10240x128xf32, #tpu.memory_space<vmem_shared>> -> memref<64x128xf32, #tpu.memory_space<vmem_shared>>
          %dma_wait3A_118 = arith.constant 0 : i32
          %dma_wait3A_119 = arith.constant 0 : i32
          %dma_wait3A_120 = tpu.memref_slice %arg3[%dma_wait3A_118, %dma_wait3A_119] : memref<10240x128xf32, #tpu.memory_space<hbm>> -> memref<64x128xf32, #tpu.memory_space<hbm>>
          tpu.wait_dma2 semaphore(%arg22 : memref<!tpu.dma_semaphore, #tpu.memory_space<semaphore_mem>>) src(%dma_wait3A_120 : memref<64x128xf32, #tpu.memory_space<hbm>>) dst(%dma_wait3A_117 : memref<64x128xf32, #tpu.memory_space<vmem_shared>>)
        } else {
        }
        %dma_start3A_103 = arith.constant 3 : i32
        %dma_start3A_104 = arith.constant 0 : i32
        %dma_start3A_105 = tpu.memref_slice %arg8[%dma_start3A_103, %dma_start3A_104] : memref<32x64xi32, #tpu.memory_space<vmem>> -> memref<1x64xi32, #tpu.memory_space<vmem>>
        %dma_start3A_106 = tpu.memref_squeeze %dma_start3A_105 : memref<1x64xi32, #tpu.memory_space<vmem>> -> memref<64xi32, #tpu.memory_space<vmem>>
        %dma_start3A_107 = arith.constant 0 : i32
        %dma_start3A_108 = arith.constant 0 : i32
        %dma_start3A_109 = tpu.memref_slice %arg3[%dma_start3A_107, %dma_start3A_108] : memref<10240x128xf32, #tpu.memory_space<hbm>> -> memref<10240x128xf32, #tpu.memory_space<hbm>>
        tpu.enqueue_indirect_dma source(%dma_start3A_109 : memref<10240x128xf32, #tpu.memory_space<hbm>>) target(%arg13 : memref<64x128xf32, #tpu.memory_space<vmem>>) offsets(%dma_start3A_106 : memref<64xi32, #tpu.memory_space<vmem>>) semaphore(%arg18 : memref<!tpu.dma_semaphore, #tpu.memory_space<semaphore_mem>>)
        %scan3A_110 = arith.constant 0 : i32
        %scan3A_111 = arith.constant 8 : i32
        %scan3A_112 = arith.addi %scan3A_110, %scan3A_111 : i32
        %scan3A_113 = arith.constant 1 : i32
        scf.for %scan3A_115 = %scan3A_110 to %scan3A_112 step %scan3A_113  : i32 {
          %mul3A_116 = arith.constant 1 : i32
          %mul3A_117 = arith.muli %scan3A_115, %mul3A_116 : i32
          %add3A_118 = arith.constant 0 : i32
          %add3A_119 = arith.addi %add3A_118, %mul3A_117 : i32
          %mul3A_120 = arith.constant 4 : i32
          %mul3A_121 = arith.muli %mul3A_120, %add3A_119 : i32
          %add3A_122 = arith.constant 0 : i32
          %add3A_123 = arith.addi %mul3A_121, %add3A_122 : i32
          %dma_wait3A_124 = arith.constant 0 : i32
          %dma_wait3A_125 = arith.constant 0 : i32
          %dma_wait3A_126 = tpu.memref_slice %arg3[%dma_wait3A_124, %dma_wait3A_125] : memref<10240x128xf32, #tpu.memory_space<hbm>> -> memref<64x128xf32, #tpu.memory_space<hbm>>
          %dma_wait3A_127 = arith.constant 0 : i32
          %dma_wait3A_128 = arith.constant 0 : i32
          %dma_wait3A_129 = tpu.memref_slice %arg3[%dma_wait3A_127, %dma_wait3A_128] : memref<10240x128xf32, #tpu.memory_space<hbm>> -> memref<64x128xf32, #tpu.memory_space<hbm>>
          tpu.wait_dma2 semaphore(%arg15 : memref<!tpu.dma_semaphore, #tpu.memory_space<semaphore_mem>>) src(%dma_wait3A_129 : memref<64x128xf32, #tpu.memory_space<hbm>>) dst(%arg10 : memref<64x128xf32, #tpu.memory_space<vmem>>)
          %dma_start3A_130 = arith.constant 0 : i32
          %dma_start3A_131 = tpu.memref_slice %arg9[%add3A_123, %dma_start3A_130] : memref<32x64xi32, #tpu.memory_space<vmem>> -> memref<1x64xi32, #tpu.memory_space<vmem>>
          %dma_start3A_132 = tpu.memref_squeeze %dma_start3A_131 : memref<1x64xi32, #tpu.memory_space<vmem>> -> memref<64xi32, #tpu.memory_space<vmem>>
          %dma_start3A_133 = arith.constant 0 : i32
          %dma_start3A_134 = arith.constant 0 : i32
          %dma_start3A_135 = tpu.memref_slice %arg14[%dma_start3A_133, %dma_start3A_134] : memref<10240x128xf32, #tpu.memory_space<vmem_shared>> -> memref<10240x128xf32, #tpu.memory_space<vmem_shared>>
          tpu.enqueue_indirect_dma source(%arg10 : memref<64x128xf32, #tpu.memory_space<vmem>>) target(%dma_start3A_135 : memref<10240x128xf32, #tpu.memory_space<vmem_shared>>) offsets(%dma_start3A_132 : memref<64xi32, #tpu.memory_space<vmem>>) semaphore(%arg19 : memref<!tpu.dma_semaphore, #tpu.memory_space<semaphore_mem>>) {add = true}
          %add3A_136 = arith.constant 4 : i32
          %add3A_137 = arith.addi %add3A_123, %add3A_136 : i32
          %sub3A = arith.constant 1 : i32
          %sub3A_138 = arith.subi %add3A_137, %sub3A : i32
          %ge3A = arith.constant 1 : i32
          %ge3A_139 = arith.cmpi sge, %add3A_123, %ge3A : i32
          %lt3A = arith.constant 32 : i32
          %lt3A_140 = arith.cmpi slt, %sub3A_138, %lt3A : i32
          %and3A = arith.andi %ge3A_139, %lt3A_140 : i1
          %convert_element_type3A_141 = arith.extui %and3A : i1 to i32
          %cond3A_142 = arith.constant 0 : i32
          %cond3A_143 = arith.cmpi ne, %convert_element_type3A_141, %cond3A_142 : i32
          scf.if %cond3A_143 {
            %dma_wait3A_228 = arith.constant 0 : i32
            %dma_wait3A_229 = arith.constant 0 : i32
            %dma_wait3A_230 = tpu.memref_slice %arg14[%dma_wait3A_228, %dma_wait3A_229] : memref<10240x128xf32, #tpu.memory_space<vmem_shared>> -> memref<64x128xf32, #tpu.memory_space<vmem_shared>>
            %dma_wait3A_231 = arith.constant 0 : i32
            %dma_wait3A_232 = arith.constant 0 : i32
            %dma_wait3A_233 = tpu.memref_slice %arg3[%dma_wait3A_231, %dma_wait3A_232] : memref<10240x128xf32, #tpu.memory_space<hbm>> -> memref<64x128xf32, #tpu.memory_space<hbm>>
            tpu.wait_dma2 semaphore(%arg22 : memref<!tpu.dma_semaphore, #tpu.memory_space<semaphore_mem>>) src(%dma_wait3A_233 : memref<64x128xf32, #tpu.memory_space<hbm>>) dst(%dma_wait3A_230 : memref<64x128xf32, #tpu.memory_space<vmem_shared>>)
            %dma_start3A_234 = arith.constant 0 : i32
            %dma_start3A_235 = tpu.memref_slice %arg8[%sub3A_138, %dma_start3A_234] : memref<32x64xi32, #tpu.memory_space<vmem>> -> memref<1x64xi32, #tpu.memory_space<vmem>>
            %dma_start3A_236 = tpu.memref_squeeze %dma_start3A_235 : memref<1x64xi32, #tpu.memory_space<vmem>> -> memref<64xi32, #tpu.memory_space<vmem>>
            %dma_start3A_237 = arith.constant 0 : i32
            %dma_start3A_238 = arith.constant 0 : i32
            %dma_start3A_239 = tpu.memref_slice %arg3[%dma_start3A_237, %dma_start3A_238] : memref<10240x128xf32, #tpu.memory_space<hbm>> -> memref<10240x128xf32, #tpu.memory_space<hbm>>
            tpu.enqueue_indirect_dma source(%dma_start3A_239 : memref<10240x128xf32, #tpu.memory_space<hbm>>) target(%arg13 : memref<64x128xf32, #tpu.memory_space<vmem>>) offsets(%dma_start3A_236 : memref<64xi32, #tpu.memory_space<vmem>>) semaphore(%arg18 : memref<!tpu.dma_semaphore, #tpu.memory_space<semaphore_mem>>)
          } else {
          }
          %mul3A_144 = arith.constant 4 : i32
          %mul3A_145 = arith.muli %mul3A_144, %add3A_119 : i32
          %add3A_146 = arith.constant 1 : i32
          %add3A_147 = arith.addi %mul3A_145, %add3A_146 : i32
          %dma_wait3A_148 = arith.constant 0 : i32
          %dma_wait3A_149 = arith.constant 0 : i32
          %dma_wait3A_150 = tpu.memref_slice %arg3[%dma_wait3A_148, %dma_wait3A_149] : memref<10240x128xf32, #tpu.memory_space<hbm>> -> memref<64x128xf32, #tpu.memory_space<hbm>>
          %dma_wait3A_151 = arith.constant 0 : i32
          %dma_wait3A_152 = arith.constant 0 : i32
          %dma_wait3A_153 = tpu.memref_slice %arg3[%dma_wait3A_151, %dma_wait3A_152] : memref<10240x128xf32, #tpu.memory_space<hbm>> -> memref<64x128xf32, #tpu.memory_space<hbm>>
          tpu.wait_dma2 semaphore(%arg16 : memref<!tpu.dma_semaphore, #tpu.memory_space<semaphore_mem>>) src(%dma_wait3A_153 : memref<64x128xf32, #tpu.memory_space<hbm>>) dst(%arg11 : memref<64x128xf32, #tpu.memory_space<vmem>>)
          %dma_start3A_154 = arith.constant 0 : i32
          %dma_start3A_155 = tpu.memref_slice %arg9[%add3A_147, %dma_start3A_154] : memref<32x64xi32, #tpu.memory_space<vmem>> -> memref<1x64xi32, #tpu.memory_space<vmem>>
          %dma_start3A_156 = tpu.memref_squeeze %dma_start3A_155 : memref<1x64xi32, #tpu.memory_space<vmem>> -> memref<64xi32, #tpu.memory_space<vmem>>
          %dma_start3A_157 = arith.constant 0 : i32
          %dma_start3A_158 = arith.constant 0 : i32
          %dma_start3A_159 = tpu.memref_slice %arg14[%dma_start3A_157, %dma_start3A_158] : memref<10240x128xf32, #tpu.memory_space<vmem_shared>> -> memref<10240x128xf32, #tpu.memory_space<vmem_shared>>
          tpu.enqueue_indirect_dma source(%arg11 : memref<64x128xf32, #tpu.memory_space<vmem>>) target(%dma_start3A_159 : memref<10240x128xf32, #tpu.memory_space<vmem_shared>>) offsets(%dma_start3A_156 : memref<64xi32, #tpu.memory_space<vmem>>) semaphore(%arg20 : memref<!tpu.dma_semaphore, #tpu.memory_space<semaphore_mem>>) {add = true}
          %add3A_160 = arith.constant 4 : i32
          %add3A_161 = arith.addi %add3A_147, %add3A_160 : i32
          %sub3A_162 = arith.constant 1 : i32
          %sub3A_163 = arith.subi %add3A_161, %sub3A_162 : i32
          %ge3A_164 = arith.constant 1 : i32
          %ge3A_165 = arith.cmpi sge, %add3A_147, %ge3A_164 : i32
          %lt3A_166 = arith.constant 32 : i32
          %lt3A_167 = arith.cmpi slt, %sub3A_163, %lt3A_166 : i32
          %and3A_168 = arith.andi %ge3A_165, %lt3A_167 : i1
          %convert_element_type3A_169 = arith.extui %and3A_168 : i1 to i32
          %cond3A_170 = arith.constant 0 : i32
          %cond3A_171 = arith.cmpi ne, %convert_element_type3A_169, %cond3A_170 : i32
          scf.if %cond3A_171 {
            %dma_wait3A_228 = arith.constant 0 : i32
            %dma_wait3A_229 = arith.constant 0 : i32
            %dma_wait3A_230 = tpu.memref_slice %arg14[%dma_wait3A_228, %dma_wait3A_229] : memref<10240x128xf32, #tpu.memory_space<vmem_shared>> -> memref<64x128xf32, #tpu.memory_space<vmem_shared>>
            %dma_wait3A_231 = arith.constant 0 : i32
            %dma_wait3A_232 = arith.constant 0 : i32
            %dma_wait3A_233 = tpu.memref_slice %arg3[%dma_wait3A_231, %dma_wait3A_232] : memref<10240x128xf32, #tpu.memory_space<hbm>> -> memref<64x128xf32, #tpu.memory_space<hbm>>
            tpu.wait_dma2 semaphore(%arg19 : memref<!tpu.dma_semaphore, #tpu.memory_space<semaphore_mem>>) src(%dma_wait3A_233 : memref<64x128xf32, #tpu.memory_space<hbm>>) dst(%dma_wait3A_230 : memref<64x128xf32, #tpu.memory_space<vmem_shared>>)
            %dma_start3A_234 = arith.constant 0 : i32
            %dma_start3A_235 = tpu.memref_slice %arg8[%sub3A_163, %dma_start3A_234] : memref<32x64xi32, #tpu.memory_space<vmem>> -> memref<1x64xi32, #tpu.memory_space<vmem>>
            %dma_start3A_236 = tpu.memref_squeeze %dma_start3A_235 : memref<1x64xi32, #tpu.memory_space<vmem>> -> memref<64xi32, #tpu.memory_space<vmem>>
            %dma_start3A_237 = arith.constant 0 : i32
            %dma_start3A_238 = arith.constant 0 : i32
            %dma_start3A_239 = tpu.memref_slice %arg3[%dma_start3A_237, %dma_start3A_238] : memref<10240x128xf32, #tpu.memory_space<hbm>> -> memref<10240x128xf32, #tpu.memory_space<hbm>>
            tpu.enqueue_indirect_dma source(%dma_start3A_239 : memref<10240x128xf32, #tpu.memory_space<hbm>>) target(%arg10 : memref<64x128xf32, #tpu.memory_space<vmem>>) offsets(%dma_start3A_236 : memref<64xi32, #tpu.memory_space<vmem>>) semaphore(%arg15 : memref<!tpu.dma_semaphore, #tpu.memory_space<semaphore_mem>>)
          } else {
          }
          %mul3A_172 = arith.constant 4 : i32
          %mul3A_173 = arith.muli %mul3A_172, %add3A_119 : i32
          %add3A_174 = arith.constant 2 : i32
          %add3A_175 = arith.addi %mul3A_173, %add3A_174 : i32
          %dma_wait3A_176 = arith.constant 0 : i32
          %dma_wait3A_177 = arith.constant 0 : i32
          %dma_wait3A_178 = tpu.memref_slice %arg3[%dma_wait3A_176, %dma_wait3A_177] : memref<10240x128xf32, #tpu.memory_space<hbm>> -> memref<64x128xf32, #tpu.memory_space<hbm>>
          %dma_wait3A_179 = arith.constant 0 : i32
          %dma_wait3A_180 = arith.constant 0 : i32
          %dma_wait3A_181 = tpu.memref_slice %arg3[%dma_wait3A_179, %dma_wait3A_180] : memref<10240x128xf32, #tpu.memory_space<hbm>> -> memref<64x128xf32, #tpu.memory_space<hbm>>
          tpu.wait_dma2 semaphore(%arg17 : memref<!tpu.dma_semaphore, #tpu.memory_space<semaphore_mem>>) src(%dma_wait3A_181 : memref<64x128xf32, #tpu.memory_space<hbm>>) dst(%arg12 : memref<64x128xf32, #tpu.memory_space<vmem>>)
          %dma_start3A_182 = arith.constant 0 : i32
          %dma_start3A_183 = tpu.memref_slice %arg9[%add3A_175, %dma_start3A_182] : memref<32x64xi32, #tpu.memory_space<vmem>> -> memref<1x64xi32, #tpu.memory_space<vmem>>
          %dma_start3A_184 = tpu.memref_squeeze %dma_start3A_183 : memref<1x64xi32, #tpu.memory_space<vmem>> -> memref<64xi32, #tpu.memory_space<vmem>>
          %dma_start3A_185 = arith.constant 0 : i32
          %dma_start3A_186 = arith.constant 0 : i32
          %dma_start3A_187 = tpu.memref_slice %arg14[%dma_start3A_185, %dma_start3A_186] : memref<10240x128xf32, #tpu.memory_space<vmem_shared>> -> memref<10240x128xf32, #tpu.memory_space<vmem_shared>>
          tpu.enqueue_indirect_dma source(%arg12 : memref<64x128xf32, #tpu.memory_space<vmem>>) target(%dma_start3A_187 : memref<10240x128xf32, #tpu.memory_space<vmem_shared>>) offsets(%dma_start3A_184 : memref<64xi32, #tpu.memory_space<vmem>>) semaphore(%arg21 : memref<!tpu.dma_semaphore, #tpu.memory_space<semaphore_mem>>) {add = true}
          %add3A_188 = arith.constant 4 : i32
          %add3A_189 = arith.addi %add3A_175, %add3A_188 : i32
          %sub3A_190 = arith.constant 1 : i32
          %sub3A_191 = arith.subi %add3A_189, %sub3A_190 : i32
          %ge3A_192 = arith.constant 1 : i32
          %ge3A_193 = arith.cmpi sge, %add3A_175, %ge3A_192 : i32
          %lt3A_194 = arith.constant 32 : i32
          %lt3A_195 = arith.cmpi slt, %sub3A_191, %lt3A_194 : i32
          %and3A_196 = arith.andi %ge3A_193, %lt3A_195 : i1
          %convert_element_type3A_197 = arith.extui %and3A_196 : i1 to i32
          %cond3A_198 = arith.constant 0 : i32
          %cond3A_199 = arith.cmpi ne, %convert_element_type3A_197, %cond3A_198 : i32
          scf.if %cond3A_199 {
            %dma_wait3A_228 = arith.constant 0 : i32
            %dma_wait3A_229 = arith.constant 0 : i32
            %dma_wait3A_230 = tpu.memref_slice %arg14[%dma_wait3A_228, %dma_wait3A_229] : memref<10240x128xf32, #tpu.memory_space<vmem_shared>> -> memref<64x128xf32, #tpu.memory_space<vmem_shared>>
            %dma_wait3A_231 = arith.constant 0 : i32
            %dma_wait3A_232 = arith.constant 0 : i32
            %dma_wait3A_233 = tpu.memref_slice %arg3[%dma_wait3A_231, %dma_wait3A_232] : memref<10240x128xf32, #tpu.memory_space<hbm>> -> memref<64x128xf32, #tpu.memory_space<hbm>>
            tpu.wait_dma2 semaphore(%arg20 : memref<!tpu.dma_semaphore, #tpu.memory_space<semaphore_mem>>) src(%dma_wait3A_233 : memref<64x128xf32, #tpu.memory_space<hbm>>) dst(%dma_wait3A_230 : memref<64x128xf32, #tpu.memory_space<vmem_shared>>)
            %dma_start3A_234 = arith.constant 0 : i32
            %dma_start3A_235 = tpu.memref_slice %arg8[%sub3A_191, %dma_start3A_234] : memref<32x64xi32, #tpu.memory_space<vmem>> -> memref<1x64xi32, #tpu.memory_space<vmem>>
            %dma_start3A_236 = tpu.memref_squeeze %dma_start3A_235 : memref<1x64xi32, #tpu.memory_space<vmem>> -> memref<64xi32, #tpu.memory_space<vmem>>
            %dma_start3A_237 = arith.constant 0 : i32
            %dma_start3A_238 = arith.constant 0 : i32
            %dma_start3A_239 = tpu.memref_slice %arg3[%dma_start3A_237, %dma_start3A_238] : memref<10240x128xf32, #tpu.memory_space<hbm>> -> memref<10240x128xf32, #tpu.memory_space<hbm>>
            tpu.enqueue_indirect_dma source(%dma_start3A_239 : memref<10240x128xf32, #tpu.memory_space<hbm>>) target(%arg11 : memref<64x128xf32, #tpu.memory_space<vmem>>) offsets(%dma_start3A_236 : memref<64xi32, #tpu.memory_space<vmem>>) semaphore(%arg16 : memref<!tpu.dma_semaphore, #tpu.memory_space<semaphore_mem>>)
          } else {
          }
          %mul3A_200 = arith.constant 4 : i32
          %mul3A_201 = arith.muli %mul3A_200, %add3A_119 : i32
          %add3A_202 = arith.constant 3 : i32
          %add3A_203 = arith.addi %mul3A_201, %add3A_202 : i32
          %dma_wait3A_204 = arith.constant 0 : i32
          %dma_wait3A_205 = arith.constant 0 : i32
          %dma_wait3A_206 = tpu.memref_slice %arg3[%dma_wait3A_204, %dma_wait3A_205] : memref<10240x128xf32, #tpu.memory_space<hbm>> -> memref<64x128xf32, #tpu.memory_space<hbm>>
          %dma_wait3A_207 = arith.constant 0 : i32
          %dma_wait3A_208 = arith.constant 0 : i32
          %dma_wait3A_209 = tpu.memref_slice %arg3[%dma_wait3A_207, %dma_wait3A_208] : memref<10240x128xf32, #tpu.memory_space<hbm>> -> memref<64x128xf32, #tpu.memory_space<hbm>>
          tpu.wait_dma2 semaphore(%arg18 : memref<!tpu.dma_semaphore, #tpu.memory_space<semaphore_mem>>) src(%dma_wait3A_209 : memref<64x128xf32, #tpu.memory_space<hbm>>) dst(%arg13 : memref<64x128xf32, #tpu.memory_space<vmem>>)
          %dma_start3A_210 = arith.constant 0 : i32
          %dma_start3A_211 = tpu.memref_slice %arg9[%add3A_203, %dma_start3A_210] : memref<32x64xi32, #tpu.memory_space<vmem>> -> memref<1x64xi32, #tpu.memory_space<vmem>>
          %dma_start3A_212 = tpu.memref_squeeze %dma_start3A_211 : memref<1x64xi32, #tpu.memory_space<vmem>> -> memref<64xi32, #tpu.memory_space<vmem>>
          %dma_start3A_213 = arith.constant 0 : i32
          %dma_start3A_214 = arith.constant 0 : i32
          %dma_start3A_215 = tpu.memref_slice %arg14[%dma_start3A_213, %dma_start3A_214] : memref<10240x128xf32, #tpu.memory_space<vmem_shared>> -> memref<10240x128xf32, #tpu.memory_space<vmem_shared>>
          tpu.enqueue_indirect_dma source(%arg13 : memref<64x128xf32, #tpu.memory_space<vmem>>) target(%dma_start3A_215 : memref<10240x128xf32, #tpu.memory_space<vmem_shared>>) offsets(%dma_start3A_212 : memref<64xi32, #tpu.memory_space<vmem>>) semaphore(%arg22 : memref<!tpu.dma_semaphore, #tpu.memory_space<semaphore_mem>>) {add = true}
          %add3A_216 = arith.constant 4 : i32
          %add3A_217 = arith.addi %add3A_203, %add3A_216 : i32
          %sub3A_218 = arith.constant 1 : i32
          %sub3A_219 = arith.subi %add3A_217, %sub3A_218 : i32
          %ge3A_220 = arith.constant 1 : i32
          %ge3A_221 = arith.cmpi sge, %add3A_203, %ge3A_220 : i32
          %lt3A_222 = arith.constant 32 : i32
          %lt3A_223 = arith.cmpi slt, %sub3A_219, %lt3A_222 : i32
          %and3A_224 = arith.andi %ge3A_221, %lt3A_223 : i1
          %convert_element_type3A_225 = arith.extui %and3A_224 : i1 to i32
          %cond3A_226 = arith.constant 0 : i32
          %cond3A_227 = arith.cmpi ne, %convert_element_type3A_225, %cond3A_226 : i32
          scf.if %cond3A_227 {
            %dma_wait3A_228 = arith.constant 0 : i32
            %dma_wait3A_229 = arith.constant 0 : i32
            %dma_wait3A_230 = tpu.memref_slice %arg14[%dma_wait3A_228, %dma_wait3A_229] : memref<10240x128xf32, #tpu.memory_space<vmem_shared>> -> memref<64x128xf32, #tpu.memory_space<vmem_shared>>
            %dma_wait3A_231 = arith.constant 0 : i32
            %dma_wait3A_232 = arith.constant 0 : i32
            %dma_wait3A_233 = tpu.memref_slice %arg3[%dma_wait3A_231, %dma_wait3A_232] : memref<10240x128xf32, #tpu.memory_space<hbm>> -> memref<64x128xf32, #tpu.memory_space<hbm>>
            tpu.wait_dma2 semaphore(%arg21 : memref<!tpu.dma_semaphore, #tpu.memory_space<semaphore_mem>>) src(%dma_wait3A_233 : memref<64x128xf32, #tpu.memory_space<hbm>>) dst(%dma_wait3A_230 : memref<64x128xf32, #tpu.memory_space<vmem_shared>>)
            %dma_start3A_234 = arith.constant 0 : i32
            %dma_start3A_235 = tpu.memref_slice %arg8[%sub3A_219, %dma_start3A_234] : memref<32x64xi32, #tpu.memory_space<vmem>> -> memref<1x64xi32, #tpu.memory_space<vmem>>
            %dma_start3A_236 = tpu.memref_squeeze %dma_start3A_235 : memref<1x64xi32, #tpu.memory_space<vmem>> -> memref<64xi32, #tpu.memory_space<vmem>>
            %dma_start3A_237 = arith.constant 0 : i32
            %dma_start3A_238 = arith.constant 0 : i32
            %dma_start3A_239 = tpu.memref_slice %arg3[%dma_start3A_237, %dma_start3A_238] : memref<10240x128xf32, #tpu.memory_space<hbm>> -> memref<10240x128xf32, #tpu.memory_space<hbm>>
            tpu.enqueue_indirect_dma source(%dma_start3A_239 : memref<10240x128xf32, #tpu.memory_space<hbm>>) target(%arg12 : memref<64x128xf32, #tpu.memory_space<vmem>>) offsets(%dma_start3A_236 : memref<64xi32, #tpu.memory_space<vmem>>) semaphore(%arg17 : memref<!tpu.dma_semaphore, #tpu.memory_space<semaphore_mem>>)
          } else {
          }
        }
        %scan3A_114 = arith.constant 8 : i32
      }
      %scan3A_32 = arith.constant 10 : i32
      %dma_wait3A = arith.constant 0 : i32
      %dma_wait3A_33 = arith.constant 0 : i32
      %dma_wait3A_34 = tpu.memref_slice %arg14[%dma_wait3A, %dma_wait3A_33] : memref<10240x128xf32, #tpu.memory_space<vmem_shared>> -> memref<64x128xf32, #tpu.memory_space<vmem_shared>>
      %dma_wait3A_35 = arith.constant 0 : i32
      %dma_wait3A_36 = arith.constant 0 : i32
      %dma_wait3A_37 = tpu.memref_slice %arg3[%dma_wait3A_35, %dma_wait3A_36] : memref<10240x128xf32, #tpu.memory_space<hbm>> -> memref<64x128xf32, #tpu.memory_space<hbm>>
      tpu.wait_dma2 semaphore(%arg19 : memref<!tpu.dma_semaphore, #tpu.memory_space<semaphore_mem>>) src(%dma_wait3A_37 : memref<64x128xf32, #tpu.memory_space<hbm>>) dst(%dma_wait3A_34 : memref<64x128xf32, #tpu.memory_space<vmem_shared>>)
      %dma_wait3A_38 = arith.constant 0 : i32
      %dma_wait3A_39 = arith.constant 0 : i32
      %dma_wait3A_40 = tpu.memref_slice %arg14[%dma_wait3A_38, %dma_wait3A_39] : memref<10240x128xf32, #tpu.memory_space<vmem_shared>> -> memref<64x128xf32, #tpu.memory_space<vmem_shared>>
      %dma_wait3A_41 = arith.constant 0 : i32
      %dma_wait3A_42 = arith.constant 0 : i32
      %dma_wait3A_43 = tpu.memref_slice %arg3[%dma_wait3A_41, %dma_wait3A_42] : memref<10240x128xf32, #tpu.memory_space<hbm>> -> memref<64x128xf32, #tpu.memory_space<hbm>>
      tpu.wait_dma2 semaphore(%arg20 : memref<!tpu.dma_semaphore, #tpu.memory_space<semaphore_mem>>) src(%dma_wait3A_43 : memref<64x128xf32, #tpu.memory_space<hbm>>) dst(%dma_wait3A_40 : memref<64x128xf32, #tpu.memory_space<vmem_shared>>)
      %dma_wait3A_44 = arith.constant 0 : i32
      %dma_wait3A_45 = arith.constant 0 : i32
      %dma_wait3A_46 = tpu.memref_slice %arg14[%dma_wait3A_44, %dma_wait3A_45] : memref<10240x128xf32, #tpu.memory_space<vmem_shared>> -> memref<64x128xf32, #tpu.memory_space<vmem_shared>>
      %dma_wait3A_47 = arith.constant 0 : i32
      %dma_wait3A_48 = arith.constant 0 : i32
      %dma_wait3A_49 = tpu.memref_slice %arg3[%dma_wait3A_47, %dma_wait3A_48] : memref<10240x128xf32, #tpu.memory_space<hbm>> -> memref<64x128xf32, #tpu.memory_space<hbm>>
      tpu.wait_dma2 semaphore(%arg21 : memref<!tpu.dma_semaphore, #tpu.memory_space<semaphore_mem>>) src(%dma_wait3A_49 : memref<64x128xf32, #tpu.memory_space<hbm>>) dst(%dma_wait3A_46 : memref<64x128xf32, #tpu.memory_space<vmem_shared>>)
      %dma_wait3A_50 = arith.constant 0 : i32
      %dma_wait3A_51 = arith.constant 0 : i32
      %dma_wait3A_52 = tpu.memref_slice %arg14[%dma_wait3A_50, %dma_wait3A_51] : memref<10240x128xf32, #tpu.memory_space<vmem_shared>> -> memref<64x128xf32, #tpu.memory_space<vmem_shared>>
      %dma_wait3A_53 = arith.constant 0 : i32
      %dma_wait3A_54 = arith.constant 0 : i32
      %dma_wait3A_55 = tpu.memref_slice %arg3[%dma_wait3A_53, %dma_wait3A_54] : memref<10240x128xf32, #tpu.memory_space<hbm>> -> memref<64x128xf32, #tpu.memory_space<hbm>>
      tpu.wait_dma2 semaphore(%arg22 : memref<!tpu.dma_semaphore, #tpu.memory_space<semaphore_mem>>) src(%dma_wait3A_55 : memref<64x128xf32, #tpu.memory_space<hbm>>) dst(%dma_wait3A_52 : memref<64x128xf32, #tpu.memory_space<vmem_shared>>)
    } else {
    }
    %barrier3A_17 = arith.constant 0 : index
    tpu.barrier barrier_id(%barrier3A_17)
    %eq3A_18 = arith.constant 0 : i32
    %eq3A_19 = arith.cmpi eq, %arg0, %eq3A_18 : i32
    %convert_element_type3A_20 = arith.extui %eq3A_19 : i1 to i32
    %cond3A_21 = arith.constant 0 : i32
    %cond3A_22 = arith.cmpi ne, %convert_element_type3A_20, %cond3A_21 : i32
    scf.if %cond3A_22 {
      "tpu.region"() ({
        %run_scoped3A = tpu.sem_alloc : memref<!tpu.dma_semaphore, #tpu.memory_space<semaphore_mem>>
        %dma_start3A = arith.constant 0 : i32
        %dma_start3A_28 = tpu.memref_slice %arg6[%mul3A_0, %dma_start3A] : memref<10240x128xf32, #tpu.memory_space<hbm>> -> memref<640x128xf32, #tpu.memory_space<hbm>>
        %dma_start3A_29 = arith.constant 0 : i32
        %dma_start3A_30 = tpu.memref_slice %arg14[%mul3A_0, %dma_start3A_29] : memref<10240x128xf32, #tpu.memory_space<vmem_shared>> -> memref<640x128xf32, #tpu.memory_space<vmem_shared>>
        tpu.enqueue_dma source(%dma_start3A_30 : memref<640x128xf32, #tpu.memory_space<vmem_shared>>) target(%dma_start3A_28 : memref<640x128xf32, #tpu.memory_space<hbm>>) target_semaphore(%run_scoped3A : memref<!tpu.dma_semaphore, #tpu.memory_space<semaphore_mem>>)
        %dma_wait3A = arith.constant 0 : i32
        %dma_wait3A_31 = tpu.memref_slice %arg6[%mul3A_0, %dma_wait3A] : memref<10240x128xf32, #tpu.memory_space<hbm>> -> memref<640x128xf32, #tpu.memory_space<hbm>>
        %dma_wait3A_32 = arith.constant 0 : i32
        %dma_wait3A_33 = tpu.memref_slice %arg14[%mul3A_0, %dma_wait3A_32] : memref<10240x128xf32, #tpu.memory_space<vmem_shared>> -> memref<640x128xf32, #tpu.memory_space<vmem_shared>>
        tpu.wait_dma2 semaphore(%run_scoped3A : memref<!tpu.dma_semaphore, #tpu.memory_space<semaphore_mem>>) src(%dma_wait3A_33 : memref<640x128xf32, #tpu.memory_space<vmem_shared>>) dst(%dma_wait3A_31 : memref<640x128xf32, #tpu.memory_space<hbm>>)
        tpu.yield
      }) : () -> ()
    } else {
    }
    %eq3A_23 = arith.constant 1 : i32
    %eq3A_24 = arith.cmpi eq, %arg0, %eq3A_23 : i32
    %convert_element_type3A_25 = arith.extui %eq3A_24 : i1 to i32
    %cond3A_26 = arith.constant 0 : i32
    %cond3A_27 = arith.cmpi ne, %convert_element_type3A_25, %cond3A_26 : i32
    scf.if %cond3A_27 {
      "tpu.region"() ({
        %run_scoped3A = tpu.sem_alloc : memref<!tpu.dma_semaphore, #tpu.memory_space<semaphore_mem>>
        %dma_start3A = arith.constant 0 : i32
        %dma_start3A_28 = tpu.memref_slice %arg7[%mul3A_0, %dma_start3A] : memref<10240x128xf32, #tpu.memory_space<hbm>> -> memref<640x128xf32, #tpu.memory_space<hbm>>
        %dma_start3A_29 = arith.constant 0 : i32
        %dma_start3A_30 = tpu.memref_slice %arg14[%mul3A_0, %dma_start3A_29] : memref<10240x128xf32, #tpu.memory_space<vmem_shared>> -> memref<640x128xf32, #tpu.memory_space<vmem_shared>>
        tpu.enqueue_dma source(%dma_start3A_30 : memref<640x128xf32, #tpu.memory_space<vmem_shared>>) target(%dma_start3A_28 : memref<640x128xf32, #tpu.memory_space<hbm>>) target_semaphore(%run_scoped3A : memref<!tpu.dma_semaphore, #tpu.memory_space<semaphore_mem>>)
        %dma_wait3A = arith.constant 0 : i32
        %dma_wait3A_31 = tpu.memref_slice %arg7[%mul3A_0, %dma_wait3A] : memref<10240x128xf32, #tpu.memory_space<hbm>> -> memref<640x128xf32, #tpu.memory_space<hbm>>
        %dma_wait3A_32 = arith.constant 0 : i32
        %dma_wait3A_33 = tpu.memref_slice %arg14[%mul3A_0, %dma_wait3A_32] : memref<10240x128xf32, #tpu.memory_space<vmem_shared>> -> memref<640x128xf32, #tpu.memory_space<vmem_shared>>
        tpu.wait_dma2 semaphore(%run_scoped3A : memref<!tpu.dma_semaphore, #tpu.memory_space<semaphore_mem>>) src(%dma_wait3A_33 : memref<640x128xf32, #tpu.memory_space<vmem_shared>>) dst(%dma_wait3A_31 : memref<640x128xf32, #tpu.memory_space<hbm>>)
        tpu.yield
      }) : () -> ()
    } else {
    }
    return
  }
}

#map = affine_map<(d0, d1) -> (0, 0)>
#map1 = affine_map<(d0, d1) -> (0, 0, 0)>
module attributes {stable_mosaic.version = 14 : i64} {
  func.func @_agg2_kernel(%arg0: i32, %arg1: i32, %arg2: memref<10240x128xf32, #tpu.memory_space<hbm>>, %arg3: memref<10240x128xf32, #tpu.memory_space<hbm>>, %arg4: memref<32x160x64xi32, #tpu.memory_space<hbm>>, %arg5: memref<32x160x64xi32, #tpu.memory_space<hbm>>, %arg6: memref<10240x128xf32, #tpu.memory_space<hbm>>, %arg7: memref<10240x128xf32, #tpu.memory_space<hbm>>, %arg8: memref<32x64xi32, #tpu.memory_space<vmem>>, %arg9: memref<32x64xi32, #tpu.memory_space<vmem>>, %arg10: memref<64x128xf32, #tpu.memory_space<vmem>>, %arg11: memref<64x128xf32, #tpu.memory_space<vmem>>, %arg12: memref<64x128xf32, #tpu.memory_space<vmem>>, %arg13: memref<64x128xf32, #tpu.memory_space<vmem>>, %arg14: memref<10240x128xf32, #tpu.memory_space<vmem_shared>>, %arg15: memref<!tpu.dma_semaphore, #tpu.memory_space<semaphore_mem>>, %arg16: memref<!tpu.dma_semaphore, #tpu.memory_space<semaphore_mem>>, %arg17: memref<!tpu.dma_semaphore, #tpu.memory_space<semaphore_mem>>, %arg18: memref<!tpu.dma_semaphore, #tpu.memory_space<semaphore_mem>>, %arg19: memref<!tpu.dma_semaphore, #tpu.memory_space<semaphore_mem>>, %arg20: memref<!tpu.dma_semaphore, #tpu.memory_space<semaphore_mem>>, %arg21: memref<!tpu.dma_semaphore, #tpu.memory_space<semaphore_mem>>, %arg22: memref<!tpu.dma_semaphore, #tpu.memory_space<semaphore_mem>>) attributes {dimension_semantics = [#tpu.dimension_semantics<core_parallel>, #tpu.dimension_semantics<subcore_parallel>], iteration_bounds = array<i64: 2, 16>, scalar_prefetch = 0 : i64, scratch_operands = 15 : i64, tpu.core_type = #tpu.core_type<sc_vector_subcore>, window_params = [{transform_indices = #map}, {transform_indices = #map}, {transform_indices = #map1}, {transform_indices = #map1}, {transform_indices = #map}, {transform_indices = #map}]} {
    %mul3A = arith.constant 16 : i32
    %mul3A_0 = arith.muli %arg0, %mul3A : i32
    %add3A = arith.addi %mul3A_0, %arg1 : i32
    %mul3A_1 = arith.constant 640 : i32
    %mul3A_2 = arith.muli %arg1, %mul3A_1 : i32
    %scan3A = arith.constant 0 : i32
    %scan3A_3 = arith.constant 64 : i32
    %scan3A_4 = arith.addi %scan3A, %scan3A_3 : i32
    %scan3A_5 = arith.constant 1 : i32
    scf.for %scan3A_30 = %scan3A to %scan3A_4 step %scan3A_5  : i32 {
      %mul3A_31 = arith.constant 1 : i32
      %mul3A_32 = arith.muli %scan3A_30, %mul3A_31 : i32
      %add3A_33 = arith.constant 0 : i32
      %add3A_34 = arith.addi %add3A_33, %mul3A_32 : i32
      %scan3A_35 = arith.constant 0 : i32
      %scan3A_36 = arith.constant 8 : i32
      %scan3A_37 = arith.addi %scan3A_35, %scan3A_36 : i32
      %scan3A_38 = arith.constant 1 : i32
      scf.for %scan3A_40 = %scan3A_35 to %scan3A_37 step %scan3A_38  : i32 {
        %mul3A_41 = arith.constant 1 : i32
        %mul3A_42 = arith.muli %scan3A_40, %mul3A_41 : i32
        %add3A_43 = arith.constant 0 : i32
        %add3A_44 = arith.addi %add3A_43, %mul3A_42 : i32
        %broadcast_in_dim3A = arith.constant 0.000000e+00 : f32
        %broadcast_in_dim3A_45 = vector.broadcast %broadcast_in_dim3A : f32 to vector<16xf32>
        %mul3A_46 = arith.constant 16 : i32
        %mul3A_47 = arith.muli %add3A_44, %mul3A_46 : i32
        %swap3A = arith.index_cast %add3A_34 : i32 to index
        %swap3A_48 = arith.index_cast %mul3A_47 : i32 to index
        %swap3A_49 = tpu.vector_load %arg10[%swap3A, %swap3A_48] {strides = array<i32>} : memref<64x128xf32, #tpu.memory_space<vmem>>, vector<1x16xf32>,
        %swap3A_50 = vector.shape_cast %swap3A_49 : vector<1x16xf32> to vector<16xf32>
        %swap3A_51 = vector.shape_cast %broadcast_in_dim3A_45 : vector<16xf32> to vector<1x16xf32>
        tpu.vector_store %arg10[%swap3A, %swap3A_48], %swap3A_51 {strides = array<i32>} : memref<64x128xf32, #tpu.memory_space<vmem>>, vector<1x16xf32>,
      }
      %scan3A_39 = arith.constant 8 : i32
    }
    %scan3A_6 = arith.constant 64 : i32
    %scan3A_7 = arith.constant 0 : i32
    %scan3A_8 = arith.constant 10 : i32
    %scan3A_9 = arith.addi %scan3A_7, %scan3A_8 : i32
    %scan3A_10 = arith.constant 1 : i32
    scf.for %scan3A_30 = %scan3A_7 to %scan3A_9 step %scan3A_10  : i32 {
      %mul3A_31 = arith.constant 1 : i32
      %mul3A_32 = arith.muli %scan3A_30, %mul3A_31 : i32
      %add3A_33 = arith.constant 0 : i32
      %add3A_34 = arith.addi %add3A_33, %mul3A_32 : i32
      %mul3A_35 = arith.constant 64 : i32
      %mul3A_36 = arith.muli %add3A_34, %mul3A_35 : i32
      %add3A_37 = arith.addi %mul3A_2, %mul3A_36 : i32
      "tpu.region"() ({
        %run_scoped3A = tpu.sem_alloc : memref<!tpu.dma_semaphore, #tpu.memory_space<semaphore_mem>>
        %dma_start3A = arith.constant 0 : i32
        %dma_start3A_38 = tpu.memref_slice %arg14[%add3A_37, %dma_start3A] : memref<10240x128xf32, #tpu.memory_space<vmem_shared>> -> memref<64x128xf32, #tpu.memory_space<vmem_shared>>
        %dma_start3A_39 = arith.constant 0 : i32
        %dma_start3A_40 = tpu.memref_slice %arg14[%add3A_37, %dma_start3A_39] : memref<10240x128xf32, #tpu.memory_space<vmem_shared>> -> memref<64x128xf32, #tpu.memory_space<vmem_shared>>
        tpu.enqueue_dma source(%arg10 : memref<64x128xf32, #tpu.memory_space<vmem>>) target(%dma_start3A_40 : memref<64x128xf32, #tpu.memory_space<vmem_shared>>) target_semaphore(%run_scoped3A : memref<!tpu.dma_semaphore, #tpu.memory_space<semaphore_mem>>)
        %dma_wait3A = arith.constant 0 : i32
        %dma_wait3A_41 = tpu.memref_slice %arg14[%add3A_37, %dma_wait3A] : memref<10240x128xf32, #tpu.memory_space<vmem_shared>> -> memref<64x128xf32, #tpu.memory_space<vmem_shared>>
        %dma_wait3A_42 = arith.constant 0 : i32
        %dma_wait3A_43 = tpu.memref_slice %arg14[%add3A_37, %dma_wait3A_42] : memref<10240x128xf32, #tpu.memory_space<vmem_shared>> -> memref<64x128xf32, #tpu.memory_space<vmem_shared>>
        tpu.wait_dma2 semaphore(%run_scoped3A : memref<!tpu.dma_semaphore, #tpu.memory_space<semaphore_mem>>) src(%arg10 : memref<64x128xf32, #tpu.memory_space<vmem>>) dst(%dma_wait3A_43 : memref<64x128xf32, #tpu.memory_space<vmem_shared>>)
        tpu.yield
      }) : () -> ()
    }
    %scan3A_11 = arith.constant 10 : i32
    %barrier3A = arith.constant 0 : index
    tpu.barrier barrier_id(%barrier3A)
    %eq3A = arith.constant 0 : i32
    %eq3A_12 = arith.cmpi eq, %arg0, %eq3A : i32
    %convert_element_type3A = arith.extui %eq3A_12 : i1 to i32
    %cond3A = arith.constant 0 : i32
    %cond3A_13 = arith.cmpi ne, %convert_element_type3A, %cond3A : i32
    scf.if %cond3A_13 {
      %scan3A_30 = arith.constant 0 : i32
      %scan3A_31 = arith.constant 5 : i32
      %scan3A_32 = arith.addi %scan3A_30, %scan3A_31 : i32
      %scan3A_33 = arith.constant 1 : i32
      scf.for %scan3A_58 = %scan3A_30 to %scan3A_32 step %scan3A_33  : i32 {
        %mul3A_59 = arith.constant 1 : i32
        %mul3A_60 = arith.muli %scan3A_58, %mul3A_59 : i32
        %add3A_61 = arith.constant 0 : i32
        %add3A_62 = arith.addi %add3A_61, %mul3A_60 : i32
        %mul3A_63 = arith.constant 32 : i32
        %mul3A_64 = arith.muli %add3A_62, %mul3A_63 : i32
        "tpu.region"() ({
          %run_scoped3A = tpu.sem_alloc : memref<!tpu.dma_semaphore, #tpu.memory_space<semaphore_mem>>
          %dma_start3A_118 = arith.constant 0 : i32
          %dma_start3A_119 = tpu.memref_slice %arg4[%add3A, %mul3A_64, %dma_start3A_118] : memref<32x160x64xi32, #tpu.memory_space<hbm>> -> memref<1x32x64xi32, #tpu.memory_space<hbm>>
          %dma_start3A_120 = tpu.memref_squeeze %dma_start3A_119 : memref<1x32x64xi32, #tpu.memory_space<hbm>> -> memref<32x64xi32, #tpu.memory_space<hbm>>
          %dma_start3A_121 = arith.constant 0 : i32
          %dma_start3A_122 = tpu.memref_slice %arg4[%add3A, %mul3A_64, %dma_start3A_121] : memref<32x160x64xi32, #tpu.memory_space<hbm>> -> memref<1x32x64xi32, #tpu.memory_space<hbm>>
          %dma_start3A_123 = tpu.memref_squeeze %dma_start3A_122 : memref<1x32x64xi32, #tpu.memory_space<hbm>> -> memref<32x64xi32, #tpu.memory_space<hbm>>
          tpu.enqueue_dma source(%dma_start3A_123 : memref<32x64xi32, #tpu.memory_space<hbm>>) target(%arg8 : memref<32x64xi32, #tpu.memory_space<vmem>>) target_semaphore(%run_scoped3A : memref<!tpu.dma_semaphore, #tpu.memory_space<semaphore_mem>>)
          %dma_wait3A_124 = arith.constant 0 : i32
          %dma_wait3A_125 = tpu.memref_slice %arg4[%add3A, %mul3A_64, %dma_wait3A_124] : memref<32x160x64xi32, #tpu.memory_space<hbm>> -> memref<1x32x64xi32, #tpu.memory_space<hbm>>
          %dma_wait3A_126 = tpu.memref_squeeze %dma_wait3A_125 : memref<1x32x64xi32, #tpu.memory_space<hbm>> -> memref<32x64xi32, #tpu.memory_space<hbm>>
          %dma_wait3A_127 = arith.constant 0 : i32
          %dma_wait3A_128 = tpu.memref_slice %arg4[%add3A, %mul3A_64, %dma_wait3A_127] : memref<32x160x64xi32, #tpu.memory_space<hbm>> -> memref<1x32x64xi32, #tpu.memory_space<hbm>>
          %dma_wait3A_129 = tpu.memref_squeeze %dma_wait3A_128 : memref<1x32x64xi32, #tpu.memory_space<hbm>> -> memref<32x64xi32, #tpu.memory_space<hbm>>
          tpu.wait_dma2 semaphore(%run_scoped3A : memref<!tpu.dma_semaphore, #tpu.memory_space<semaphore_mem>>) src(%dma_wait3A_129 : memref<32x64xi32, #tpu.memory_space<hbm>>) dst(%arg8 : memref<32x64xi32, #tpu.memory_space<vmem>>)
          tpu.yield
        }) : () -> ()
        %mul3A_65 = arith.constant 32 : i32
        %mul3A_66 = arith.muli %add3A_62, %mul3A_65 : i32
        "tpu.region"() ({
          %run_scoped3A = tpu.sem_alloc : memref<!tpu.dma_semaphore, #tpu.memory_space<semaphore_mem>>
          %dma_start3A_118 = arith.constant 0 : i32
          %dma_start3A_119 = tpu.memref_slice %arg5[%add3A, %mul3A_66, %dma_start3A_118] : memref<32x160x64xi32, #tpu.memory_space<hbm>> -> memref<1x32x64xi32, #tpu.memory_space<hbm>>
          %dma_start3A_120 = tpu.memref_squeeze %dma_start3A_119 : memref<1x32x64xi32, #tpu.memory_space<hbm>> -> memref<32x64xi32, #tpu.memory_space<hbm>>
          %dma_start3A_121 = arith.constant 0 : i32
          %dma_start3A_122 = tpu.memref_slice %arg5[%add3A, %mul3A_66, %dma_start3A_121] : memref<32x160x64xi32, #tpu.memory_space<hbm>> -> memref<1x32x64xi32, #tpu.memory_space<hbm>>
          %dma_start3A_123 = tpu.memref_squeeze %dma_start3A_122 : memref<1x32x64xi32, #tpu.memory_space<hbm>> -> memref<32x64xi32, #tpu.memory_space<hbm>>
          tpu.enqueue_dma source(%dma_start3A_123 : memref<32x64xi32, #tpu.memory_space<hbm>>) target(%arg9 : memref<32x64xi32, #tpu.memory_space<vmem>>) target_semaphore(%run_scoped3A : memref<!tpu.dma_semaphore, #tpu.memory_space<semaphore_mem>>)
          %dma_wait3A_124 = arith.constant 0 : i32
          %dma_wait3A_125 = tpu.memref_slice %arg5[%add3A, %mul3A_66, %dma_wait3A_124] : memref<32x160x64xi32, #tpu.memory_space<hbm>> -> memref<1x32x64xi32, #tpu.memory_space<hbm>>
          %dma_wait3A_126 = tpu.memref_squeeze %dma_wait3A_125 : memref<1x32x64xi32, #tpu.memory_space<hbm>> -> memref<32x64xi32, #tpu.memory_space<hbm>>
          %dma_wait3A_127 = arith.constant 0 : i32
          %dma_wait3A_128 = tpu.memref_slice %arg5[%add3A, %mul3A_66, %dma_wait3A_127] : memref<32x160x64xi32, #tpu.memory_space<hbm>> -> memref<1x32x64xi32, #tpu.memory_space<hbm>>
          %dma_wait3A_129 = tpu.memref_squeeze %dma_wait3A_128 : memref<1x32x64xi32, #tpu.memory_space<hbm>> -> memref<32x64xi32, #tpu.memory_space<hbm>>
          tpu.wait_dma2 semaphore(%run_scoped3A : memref<!tpu.dma_semaphore, #tpu.memory_space<semaphore_mem>>) src(%dma_wait3A_129 : memref<32x64xi32, #tpu.memory_space<hbm>>) dst(%arg9 : memref<32x64xi32, #tpu.memory_space<vmem>>)
          tpu.yield
        }) : () -> ()
        %gt3A = arith.constant 0 : i32
        %gt3A_67 = arith.cmpi sgt, %add3A_62, %gt3A : i32
        %convert_element_type3A_68 = arith.extui %gt3A_67 : i1 to i32
        %cond3A_69 = arith.constant 0 : i32
        %cond3A_70 = arith.cmpi ne, %convert_element_type3A_68, %cond3A_69 : i32
        scf.if %cond3A_70 {
          %dma_wait3A_118 = arith.constant 0 : i32
          %dma_wait3A_119 = arith.constant 0 : i32
          %dma_wait3A_120 = tpu.memref_slice %arg14[%dma_wait3A_118, %dma_wait3A_119] : memref<10240x128xf32, #tpu.memory_space<vmem_shared>> -> memref<64x128xf32, #tpu.memory_space<vmem_shared>>
          %dma_wait3A_121 = arith.constant 0 : i32
          %dma_wait3A_122 = arith.constant 0 : i32
          %dma_wait3A_123 = tpu.memref_slice %arg2[%dma_wait3A_121, %dma_wait3A_122] : memref<10240x128xf32, #tpu.memory_space<hbm>> -> memref<64x128xf32, #tpu.memory_space<hbm>>
          tpu.wait_dma2 semaphore(%arg19 : memref<!tpu.dma_semaphore, #tpu.memory_space<semaphore_mem>>) src(%dma_wait3A_123 : memref<64x128xf32, #tpu.memory_space<hbm>>) dst(%dma_wait3A_120 : memref<64x128xf32, #tpu.memory_space<vmem_shared>>)
        } else {
        }
        %dma_start3A = arith.constant 0 : i32
        %dma_start3A_71 = arith.constant 0 : i32
        %dma_start3A_72 = tpu.memref_slice %arg8[%dma_start3A, %dma_start3A_71] : memref<32x64xi32, #tpu.memory_space<vmem>> -> memref<1x64xi32, #tpu.memory_space<vmem>>
        %dma_start3A_73 = tpu.memref_squeeze %dma_start3A_72 : memref<1x64xi32, #tpu.memory_space<vmem>> -> memref<64xi32, #tpu.memory_space<vmem>>
        %dma_start3A_74 = arith.constant 0 : i32
        %dma_start3A_75 = arith.constant 0 : i32
        %dma_start3A_76 = tpu.memref_slice %arg2[%dma_start3A_74, %dma_start3A_75] : memref<10240x128xf32, #tpu.memory_space<hbm>> -> memref<10240x128xf32, #tpu.memory_space<hbm>>
        tpu.enqueue_indirect_dma source(%dma_start3A_76 : memref<10240x128xf32, #tpu.memory_space<hbm>>) target(%arg10 : memref<64x128xf32, #tpu.memory_space<vmem>>) offsets(%dma_start3A_73 : memref<64xi32, #tpu.memory_space<vmem>>) semaphore(%arg15 : memref<!tpu.dma_semaphore, #tpu.memory_space<semaphore_mem>>)
        %gt3A_77 = arith.constant 0 : i32
        %gt3A_78 = arith.cmpi sgt, %add3A_62, %gt3A_77 : i32
        %convert_element_type3A_79 = arith.extui %gt3A_78 : i1 to i32
        %cond3A_80 = arith.constant 0 : i32
        %cond3A_81 = arith.cmpi ne, %convert_element_type3A_79, %cond3A_80 : i32
        scf.if %cond3A_81 {
          %dma_wait3A_118 = arith.constant 0 : i32
          %dma_wait3A_119 = arith.constant 0 : i32
          %dma_wait3A_120 = tpu.memref_slice %arg14[%dma_wait3A_118, %dma_wait3A_119] : memref<10240x128xf32, #tpu.memory_space<vmem_shared>> -> memref<64x128xf32, #tpu.memory_space<vmem_shared>>
          %dma_wait3A_121 = arith.constant 0 : i32
          %dma_wait3A_122 = arith.constant 0 : i32
          %dma_wait3A_123 = tpu.memref_slice %arg2[%dma_wait3A_121, %dma_wait3A_122] : memref<10240x128xf32, #tpu.memory_space<hbm>> -> memref<64x128xf32, #tpu.memory_space<hbm>>
          tpu.wait_dma2 semaphore(%arg20 : memref<!tpu.dma_semaphore, #tpu.memory_space<semaphore_mem>>) src(%dma_wait3A_123 : memref<64x128xf32, #tpu.memory_space<hbm>>) dst(%dma_wait3A_120 : memref<64x128xf32, #tpu.memory_space<vmem_shared>>)
        } else {
        }
        %dma_start3A_82 = arith.constant 1 : i32
        %dma_start3A_83 = arith.constant 0 : i32
        %dma_start3A_84 = tpu.memref_slice %arg8[%dma_start3A_82, %dma_start3A_83] : memref<32x64xi32, #tpu.memory_space<vmem>> -> memref<1x64xi32, #tpu.memory_space<vmem>>
        %dma_start3A_85 = tpu.memref_squeeze %dma_start3A_84 : memref<1x64xi32, #tpu.memory_space<vmem>> -> memref<64xi32, #tpu.memory_space<vmem>>
        %dma_start3A_86 = arith.constant 0 : i32
        %dma_start3A_87 = arith.constant 0 : i32
        %dma_start3A_88 = tpu.memref_slice %arg2[%dma_start3A_86, %dma_start3A_87] : memref<10240x128xf32, #tpu.memory_space<hbm>> -> memref<10240x128xf32, #tpu.memory_space<hbm>>
        tpu.enqueue_indirect_dma source(%dma_start3A_88 : memref<10240x128xf32, #tpu.memory_space<hbm>>) target(%arg11 : memref<64x128xf32, #tpu.memory_space<vmem>>) offsets(%dma_start3A_85 : memref<64xi32, #tpu.memory_space<vmem>>) semaphore(%arg16 : memref<!tpu.dma_semaphore, #tpu.memory_space<semaphore_mem>>)
        %gt3A_89 = arith.constant 0 : i32
        %gt3A_90 = arith.cmpi sgt, %add3A_62, %gt3A_89 : i32
        %convert_element_type3A_91 = arith.extui %gt3A_90 : i1 to i32
        %cond3A_92 = arith.constant 0 : i32
        %cond3A_93 = arith.cmpi ne, %convert_element_type3A_91, %cond3A_92 : i32
        scf.if %cond3A_93 {
          %dma_wait3A_118 = arith.constant 0 : i32
          %dma_wait3A_119 = arith.constant 0 : i32
          %dma_wait3A_120 = tpu.memref_slice %arg14[%dma_wait3A_118, %dma_wait3A_119] : memref<10240x128xf32, #tpu.memory_space<vmem_shared>> -> memref<64x128xf32, #tpu.memory_space<vmem_shared>>
          %dma_wait3A_121 = arith.constant 0 : i32
          %dma_wait3A_122 = arith.constant 0 : i32
          %dma_wait3A_123 = tpu.memref_slice %arg2[%dma_wait3A_121, %dma_wait3A_122] : memref<10240x128xf32, #tpu.memory_space<hbm>> -> memref<64x128xf32, #tpu.memory_space<hbm>>
          tpu.wait_dma2 semaphore(%arg21 : memref<!tpu.dma_semaphore, #tpu.memory_space<semaphore_mem>>) src(%dma_wait3A_123 : memref<64x128xf32, #tpu.memory_space<hbm>>) dst(%dma_wait3A_120 : memref<64x128xf32, #tpu.memory_space<vmem_shared>>)
        } else {
        }
        %dma_start3A_94 = arith.constant 2 : i32
        %dma_start3A_95 = arith.constant 0 : i32
        %dma_start3A_96 = tpu.memref_slice %arg8[%dma_start3A_94, %dma_start3A_95] : memref<32x64xi32, #tpu.memory_space<vmem>> -> memref<1x64xi32, #tpu.memory_space<vmem>>
        %dma_start3A_97 = tpu.memref_squeeze %dma_start3A_96 : memref<1x64xi32, #tpu.memory_space<vmem>> -> memref<64xi32, #tpu.memory_space<vmem>>
        %dma_start3A_98 = arith.constant 0 : i32
        %dma_start3A_99 = arith.constant 0 : i32
        %dma_start3A_100 = tpu.memref_slice %arg2[%dma_start3A_98, %dma_start3A_99] : memref<10240x128xf32, #tpu.memory_space<hbm>> -> memref<10240x128xf32, #tpu.memory_space<hbm>>
        tpu.enqueue_indirect_dma source(%dma_start3A_100 : memref<10240x128xf32, #tpu.memory_space<hbm>>) target(%arg12 : memref<64x128xf32, #tpu.memory_space<vmem>>) offsets(%dma_start3A_97 : memref<64xi32, #tpu.memory_space<vmem>>) semaphore(%arg17 : memref<!tpu.dma_semaphore, #tpu.memory_space<semaphore_mem>>)
        %gt3A_101 = arith.constant 0 : i32
        %gt3A_102 = arith.cmpi sgt, %add3A_62, %gt3A_101 : i32
        %convert_element_type3A_103 = arith.extui %gt3A_102 : i1 to i32
        %cond3A_104 = arith.constant 0 : i32
        %cond3A_105 = arith.cmpi ne, %convert_element_type3A_103, %cond3A_104 : i32
        scf.if %cond3A_105 {
          %dma_wait3A_118 = arith.constant 0 : i32
          %dma_wait3A_119 = arith.constant 0 : i32
          %dma_wait3A_120 = tpu.memref_slice %arg14[%dma_wait3A_118, %dma_wait3A_119] : memref<10240x128xf32, #tpu.memory_space<vmem_shared>> -> memref<64x128xf32, #tpu.memory_space<vmem_shared>>
          %dma_wait3A_121 = arith.constant 0 : i32
          %dma_wait3A_122 = arith.constant 0 : i32
          %dma_wait3A_123 = tpu.memref_slice %arg2[%dma_wait3A_121, %dma_wait3A_122] : memref<10240x128xf32, #tpu.memory_space<hbm>> -> memref<64x128xf32, #tpu.memory_space<hbm>>
          tpu.wait_dma2 semaphore(%arg22 : memref<!tpu.dma_semaphore, #tpu.memory_space<semaphore_mem>>) src(%dma_wait3A_123 : memref<64x128xf32, #tpu.memory_space<hbm>>) dst(%dma_wait3A_120 : memref<64x128xf32, #tpu.memory_space<vmem_shared>>)
        } else {
        }
        %dma_start3A_106 = arith.constant 3 : i32
        %dma_start3A_107 = arith.constant 0 : i32
        %dma_start3A_108 = tpu.memref_slice %arg8[%dma_start3A_106, %dma_start3A_107] : memref<32x64xi32, #tpu.memory_space<vmem>> -> memref<1x64xi32, #tpu.memory_space<vmem>>
        %dma_start3A_109 = tpu.memref_squeeze %dma_start3A_108 : memref<1x64xi32, #tpu.memory_space<vmem>> -> memref<64xi32, #tpu.memory_space<vmem>>
        %dma_start3A_110 = arith.constant 0 : i32
        %dma_start3A_111 = arith.constant 0 : i32
        %dma_start3A_112 = tpu.memref_slice %arg2[%dma_start3A_110, %dma_start3A_111] : memref<10240x128xf32, #tpu.memory_space<hbm>> -> memref<10240x128xf32, #tpu.memory_space<hbm>>
        tpu.enqueue_indirect_dma source(%dma_start3A_112 : memref<10240x128xf32, #tpu.memory_space<hbm>>) target(%arg13 : memref<64x128xf32, #tpu.memory_space<vmem>>) offsets(%dma_start3A_109 : memref<64xi32, #tpu.memory_space<vmem>>) semaphore(%arg18 : memref<!tpu.dma_semaphore, #tpu.memory_space<semaphore_mem>>)
        %scan3A_113 = arith.constant 0 : i32
        %scan3A_114 = arith.constant 8 : i32
        %scan3A_115 = arith.addi %scan3A_113, %scan3A_114 : i32
        %scan3A_116 = arith.constant 1 : i32
        scf.for %scan3A_118 = %scan3A_113 to %scan3A_115 step %scan3A_116  : i32 {
          %mul3A_119 = arith.constant 1 : i32
          %mul3A_120 = arith.muli %scan3A_118, %mul3A_119 : i32
          %add3A_121 = arith.constant 0 : i32
          %add3A_122 = arith.addi %add3A_121, %mul3A_120 : i32
          %mul3A_123 = arith.constant 4 : i32
          %mul3A_124 = arith.muli %mul3A_123, %add3A_122 : i32
          %add3A_125 = arith.constant 0 : i32
          %add3A_126 = arith.addi %mul3A_124, %add3A_125 : i32
          %dma_wait3A_127 = arith.constant 0 : i32
          %dma_wait3A_128 = arith.constant 0 : i32
          %dma_wait3A_129 = tpu.memref_slice %arg2[%dma_wait3A_127, %dma_wait3A_128] : memref<10240x128xf32, #tpu.memory_space<hbm>> -> memref<64x128xf32, #tpu.memory_space<hbm>>
          %dma_wait3A_130 = arith.constant 0 : i32
          %dma_wait3A_131 = arith.constant 0 : i32
          %dma_wait3A_132 = tpu.memref_slice %arg2[%dma_wait3A_130, %dma_wait3A_131] : memref<10240x128xf32, #tpu.memory_space<hbm>> -> memref<64x128xf32, #tpu.memory_space<hbm>>
          tpu.wait_dma2 semaphore(%arg15 : memref<!tpu.dma_semaphore, #tpu.memory_space<semaphore_mem>>) src(%dma_wait3A_132 : memref<64x128xf32, #tpu.memory_space<hbm>>) dst(%arg10 : memref<64x128xf32, #tpu.memory_space<vmem>>)
          %dma_start3A_133 = arith.constant 0 : i32
          %dma_start3A_134 = tpu.memref_slice %arg9[%add3A_126, %dma_start3A_133] : memref<32x64xi32, #tpu.memory_space<vmem>> -> memref<1x64xi32, #tpu.memory_space<vmem>>
          %dma_start3A_135 = tpu.memref_squeeze %dma_start3A_134 : memref<1x64xi32, #tpu.memory_space<vmem>> -> memref<64xi32, #tpu.memory_space<vmem>>
          %dma_start3A_136 = arith.constant 0 : i32
          %dma_start3A_137 = arith.constant 0 : i32
          %dma_start3A_138 = tpu.memref_slice %arg14[%dma_start3A_136, %dma_start3A_137] : memref<10240x128xf32, #tpu.memory_space<vmem_shared>> -> memref<10240x128xf32, #tpu.memory_space<vmem_shared>>
          tpu.enqueue_indirect_dma source(%arg10 : memref<64x128xf32, #tpu.memory_space<vmem>>) target(%dma_start3A_138 : memref<10240x128xf32, #tpu.memory_space<vmem_shared>>) offsets(%dma_start3A_135 : memref<64xi32, #tpu.memory_space<vmem>>) semaphore(%arg19 : memref<!tpu.dma_semaphore, #tpu.memory_space<semaphore_mem>>) {add = true}
          %add3A_139 = arith.constant 4 : i32
          %add3A_140 = arith.addi %add3A_126, %add3A_139 : i32
          %sub3A = arith.constant 1 : i32
          %sub3A_141 = arith.subi %add3A_140, %sub3A : i32
          %ge3A = arith.constant 1 : i32
          %ge3A_142 = arith.cmpi sge, %add3A_126, %ge3A : i32
          %lt3A = arith.constant 32 : i32
          %lt3A_143 = arith.cmpi slt, %sub3A_141, %lt3A : i32
          %and3A = arith.andi %ge3A_142, %lt3A_143 : i1
          %convert_element_type3A_144 = arith.extui %and3A : i1 to i32
          %cond3A_145 = arith.constant 0 : i32
          %cond3A_146 = arith.cmpi ne, %convert_element_type3A_144, %cond3A_145 : i32
          scf.if %cond3A_146 {
            %dma_wait3A_231 = arith.constant 0 : i32
            %dma_wait3A_232 = arith.constant 0 : i32
            %dma_wait3A_233 = tpu.memref_slice %arg14[%dma_wait3A_231, %dma_wait3A_232] : memref<10240x128xf32, #tpu.memory_space<vmem_shared>> -> memref<64x128xf32, #tpu.memory_space<vmem_shared>>
            %dma_wait3A_234 = arith.constant 0 : i32
            %dma_wait3A_235 = arith.constant 0 : i32
            %dma_wait3A_236 = tpu.memref_slice %arg2[%dma_wait3A_234, %dma_wait3A_235] : memref<10240x128xf32, #tpu.memory_space<hbm>> -> memref<64x128xf32, #tpu.memory_space<hbm>>
            tpu.wait_dma2 semaphore(%arg22 : memref<!tpu.dma_semaphore, #tpu.memory_space<semaphore_mem>>) src(%dma_wait3A_236 : memref<64x128xf32, #tpu.memory_space<hbm>>) dst(%dma_wait3A_233 : memref<64x128xf32, #tpu.memory_space<vmem_shared>>)
            %dma_start3A_237 = arith.constant 0 : i32
            %dma_start3A_238 = tpu.memref_slice %arg8[%sub3A_141, %dma_start3A_237] : memref<32x64xi32, #tpu.memory_space<vmem>> -> memref<1x64xi32, #tpu.memory_space<vmem>>
            %dma_start3A_239 = tpu.memref_squeeze %dma_start3A_238 : memref<1x64xi32, #tpu.memory_space<vmem>> -> memref<64xi32, #tpu.memory_space<vmem>>
            %dma_start3A_240 = arith.constant 0 : i32
            %dma_start3A_241 = arith.constant 0 : i32
            %dma_start3A_242 = tpu.memref_slice %arg2[%dma_start3A_240, %dma_start3A_241] : memref<10240x128xf32, #tpu.memory_space<hbm>> -> memref<10240x128xf32, #tpu.memory_space<hbm>>
            tpu.enqueue_indirect_dma source(%dma_start3A_242 : memref<10240x128xf32, #tpu.memory_space<hbm>>) target(%arg13 : memref<64x128xf32, #tpu.memory_space<vmem>>) offsets(%dma_start3A_239 : memref<64xi32, #tpu.memory_space<vmem>>) semaphore(%arg18 : memref<!tpu.dma_semaphore, #tpu.memory_space<semaphore_mem>>)
          } else {
          }
          %mul3A_147 = arith.constant 4 : i32
          %mul3A_148 = arith.muli %mul3A_147, %add3A_122 : i32
          %add3A_149 = arith.constant 1 : i32
          %add3A_150 = arith.addi %mul3A_148, %add3A_149 : i32
          %dma_wait3A_151 = arith.constant 0 : i32
          %dma_wait3A_152 = arith.constant 0 : i32
          %dma_wait3A_153 = tpu.memref_slice %arg2[%dma_wait3A_151, %dma_wait3A_152] : memref<10240x128xf32, #tpu.memory_space<hbm>> -> memref<64x128xf32, #tpu.memory_space<hbm>>
          %dma_wait3A_154 = arith.constant 0 : i32
          %dma_wait3A_155 = arith.constant 0 : i32
          %dma_wait3A_156 = tpu.memref_slice %arg2[%dma_wait3A_154, %dma_wait3A_155] : memref<10240x128xf32, #tpu.memory_space<hbm>> -> memref<64x128xf32, #tpu.memory_space<hbm>>
          tpu.wait_dma2 semaphore(%arg16 : memref<!tpu.dma_semaphore, #tpu.memory_space<semaphore_mem>>) src(%dma_wait3A_156 : memref<64x128xf32, #tpu.memory_space<hbm>>) dst(%arg11 : memref<64x128xf32, #tpu.memory_space<vmem>>)
          %dma_start3A_157 = arith.constant 0 : i32
          %dma_start3A_158 = tpu.memref_slice %arg9[%add3A_150, %dma_start3A_157] : memref<32x64xi32, #tpu.memory_space<vmem>> -> memref<1x64xi32, #tpu.memory_space<vmem>>
          %dma_start3A_159 = tpu.memref_squeeze %dma_start3A_158 : memref<1x64xi32, #tpu.memory_space<vmem>> -> memref<64xi32, #tpu.memory_space<vmem>>
          %dma_start3A_160 = arith.constant 0 : i32
          %dma_start3A_161 = arith.constant 0 : i32
          %dma_start3A_162 = tpu.memref_slice %arg14[%dma_start3A_160, %dma_start3A_161] : memref<10240x128xf32, #tpu.memory_space<vmem_shared>> -> memref<10240x128xf32, #tpu.memory_space<vmem_shared>>
          tpu.enqueue_indirect_dma source(%arg11 : memref<64x128xf32, #tpu.memory_space<vmem>>) target(%dma_start3A_162 : memref<10240x128xf32, #tpu.memory_space<vmem_shared>>) offsets(%dma_start3A_159 : memref<64xi32, #tpu.memory_space<vmem>>) semaphore(%arg20 : memref<!tpu.dma_semaphore, #tpu.memory_space<semaphore_mem>>) {add = true}
          %add3A_163 = arith.constant 4 : i32
          %add3A_164 = arith.addi %add3A_150, %add3A_163 : i32
          %sub3A_165 = arith.constant 1 : i32
          %sub3A_166 = arith.subi %add3A_164, %sub3A_165 : i32
          %ge3A_167 = arith.constant 1 : i32
          %ge3A_168 = arith.cmpi sge, %add3A_150, %ge3A_167 : i32
          %lt3A_169 = arith.constant 32 : i32
          %lt3A_170 = arith.cmpi slt, %sub3A_166, %lt3A_169 : i32
          %and3A_171 = arith.andi %ge3A_168, %lt3A_170 : i1
          %convert_element_type3A_172 = arith.extui %and3A_171 : i1 to i32
          %cond3A_173 = arith.constant 0 : i32
          %cond3A_174 = arith.cmpi ne, %convert_element_type3A_172, %cond3A_173 : i32
          scf.if %cond3A_174 {
            %dma_wait3A_231 = arith.constant 0 : i32
            %dma_wait3A_232 = arith.constant 0 : i32
            %dma_wait3A_233 = tpu.memref_slice %arg14[%dma_wait3A_231, %dma_wait3A_232] : memref<10240x128xf32, #tpu.memory_space<vmem_shared>> -> memref<64x128xf32, #tpu.memory_space<vmem_shared>>
            %dma_wait3A_234 = arith.constant 0 : i32
            %dma_wait3A_235 = arith.constant 0 : i32
            %dma_wait3A_236 = tpu.memref_slice %arg2[%dma_wait3A_234, %dma_wait3A_235] : memref<10240x128xf32, #tpu.memory_space<hbm>> -> memref<64x128xf32, #tpu.memory_space<hbm>>
            tpu.wait_dma2 semaphore(%arg19 : memref<!tpu.dma_semaphore, #tpu.memory_space<semaphore_mem>>) src(%dma_wait3A_236 : memref<64x128xf32, #tpu.memory_space<hbm>>) dst(%dma_wait3A_233 : memref<64x128xf32, #tpu.memory_space<vmem_shared>>)
            %dma_start3A_237 = arith.constant 0 : i32
            %dma_start3A_238 = tpu.memref_slice %arg8[%sub3A_166, %dma_start3A_237] : memref<32x64xi32, #tpu.memory_space<vmem>> -> memref<1x64xi32, #tpu.memory_space<vmem>>
            %dma_start3A_239 = tpu.memref_squeeze %dma_start3A_238 : memref<1x64xi32, #tpu.memory_space<vmem>> -> memref<64xi32, #tpu.memory_space<vmem>>
            %dma_start3A_240 = arith.constant 0 : i32
            %dma_start3A_241 = arith.constant 0 : i32
            %dma_start3A_242 = tpu.memref_slice %arg2[%dma_start3A_240, %dma_start3A_241] : memref<10240x128xf32, #tpu.memory_space<hbm>> -> memref<10240x128xf32, #tpu.memory_space<hbm>>
            tpu.enqueue_indirect_dma source(%dma_start3A_242 : memref<10240x128xf32, #tpu.memory_space<hbm>>) target(%arg10 : memref<64x128xf32, #tpu.memory_space<vmem>>) offsets(%dma_start3A_239 : memref<64xi32, #tpu.memory_space<vmem>>) semaphore(%arg15 : memref<!tpu.dma_semaphore, #tpu.memory_space<semaphore_mem>>)
          } else {
          }
          %mul3A_175 = arith.constant 4 : i32
          %mul3A_176 = arith.muli %mul3A_175, %add3A_122 : i32
          %add3A_177 = arith.constant 2 : i32
          %add3A_178 = arith.addi %mul3A_176, %add3A_177 : i32
          %dma_wait3A_179 = arith.constant 0 : i32
          %dma_wait3A_180 = arith.constant 0 : i32
          %dma_wait3A_181 = tpu.memref_slice %arg2[%dma_wait3A_179, %dma_wait3A_180] : memref<10240x128xf32, #tpu.memory_space<hbm>> -> memref<64x128xf32, #tpu.memory_space<hbm>>
          %dma_wait3A_182 = arith.constant 0 : i32
          %dma_wait3A_183 = arith.constant 0 : i32
          %dma_wait3A_184 = tpu.memref_slice %arg2[%dma_wait3A_182, %dma_wait3A_183] : memref<10240x128xf32, #tpu.memory_space<hbm>> -> memref<64x128xf32, #tpu.memory_space<hbm>>
          tpu.wait_dma2 semaphore(%arg17 : memref<!tpu.dma_semaphore, #tpu.memory_space<semaphore_mem>>) src(%dma_wait3A_184 : memref<64x128xf32, #tpu.memory_space<hbm>>) dst(%arg12 : memref<64x128xf32, #tpu.memory_space<vmem>>)
          %dma_start3A_185 = arith.constant 0 : i32
          %dma_start3A_186 = tpu.memref_slice %arg9[%add3A_178, %dma_start3A_185] : memref<32x64xi32, #tpu.memory_space<vmem>> -> memref<1x64xi32, #tpu.memory_space<vmem>>
          %dma_start3A_187 = tpu.memref_squeeze %dma_start3A_186 : memref<1x64xi32, #tpu.memory_space<vmem>> -> memref<64xi32, #tpu.memory_space<vmem>>
          %dma_start3A_188 = arith.constant 0 : i32
          %dma_start3A_189 = arith.constant 0 : i32
          %dma_start3A_190 = tpu.memref_slice %arg14[%dma_start3A_188, %dma_start3A_189] : memref<10240x128xf32, #tpu.memory_space<vmem_shared>> -> memref<10240x128xf32, #tpu.memory_space<vmem_shared>>
          tpu.enqueue_indirect_dma source(%arg12 : memref<64x128xf32, #tpu.memory_space<vmem>>) target(%dma_start3A_190 : memref<10240x128xf32, #tpu.memory_space<vmem_shared>>) offsets(%dma_start3A_187 : memref<64xi32, #tpu.memory_space<vmem>>) semaphore(%arg21 : memref<!tpu.dma_semaphore, #tpu.memory_space<semaphore_mem>>) {add = true}
          %add3A_191 = arith.constant 4 : i32
          %add3A_192 = arith.addi %add3A_178, %add3A_191 : i32
          %sub3A_193 = arith.constant 1 : i32
          %sub3A_194 = arith.subi %add3A_192, %sub3A_193 : i32
          %ge3A_195 = arith.constant 1 : i32
          %ge3A_196 = arith.cmpi sge, %add3A_178, %ge3A_195 : i32
          %lt3A_197 = arith.constant 32 : i32
          %lt3A_198 = arith.cmpi slt, %sub3A_194, %lt3A_197 : i32
          %and3A_199 = arith.andi %ge3A_196, %lt3A_198 : i1
          %convert_element_type3A_200 = arith.extui %and3A_199 : i1 to i32
          %cond3A_201 = arith.constant 0 : i32
          %cond3A_202 = arith.cmpi ne, %convert_element_type3A_200, %cond3A_201 : i32
          scf.if %cond3A_202 {
            %dma_wait3A_231 = arith.constant 0 : i32
            %dma_wait3A_232 = arith.constant 0 : i32
            %dma_wait3A_233 = tpu.memref_slice %arg14[%dma_wait3A_231, %dma_wait3A_232] : memref<10240x128xf32, #tpu.memory_space<vmem_shared>> -> memref<64x128xf32, #tpu.memory_space<vmem_shared>>
            %dma_wait3A_234 = arith.constant 0 : i32
            %dma_wait3A_235 = arith.constant 0 : i32
            %dma_wait3A_236 = tpu.memref_slice %arg2[%dma_wait3A_234, %dma_wait3A_235] : memref<10240x128xf32, #tpu.memory_space<hbm>> -> memref<64x128xf32, #tpu.memory_space<hbm>>
            tpu.wait_dma2 semaphore(%arg20 : memref<!tpu.dma_semaphore, #tpu.memory_space<semaphore_mem>>) src(%dma_wait3A_236 : memref<64x128xf32, #tpu.memory_space<hbm>>) dst(%dma_wait3A_233 : memref<64x128xf32, #tpu.memory_space<vmem_shared>>)
            %dma_start3A_237 = arith.constant 0 : i32
            %dma_start3A_238 = tpu.memref_slice %arg8[%sub3A_194, %dma_start3A_237] : memref<32x64xi32, #tpu.memory_space<vmem>> -> memref<1x64xi32, #tpu.memory_space<vmem>>
            %dma_start3A_239 = tpu.memref_squeeze %dma_start3A_238 : memref<1x64xi32, #tpu.memory_space<vmem>> -> memref<64xi32, #tpu.memory_space<vmem>>
            %dma_start3A_240 = arith.constant 0 : i32
            %dma_start3A_241 = arith.constant 0 : i32
            %dma_start3A_242 = tpu.memref_slice %arg2[%dma_start3A_240, %dma_start3A_241] : memref<10240x128xf32, #tpu.memory_space<hbm>> -> memref<10240x128xf32, #tpu.memory_space<hbm>>
            tpu.enqueue_indirect_dma source(%dma_start3A_242 : memref<10240x128xf32, #tpu.memory_space<hbm>>) target(%arg11 : memref<64x128xf32, #tpu.memory_space<vmem>>) offsets(%dma_start3A_239 : memref<64xi32, #tpu.memory_space<vmem>>) semaphore(%arg16 : memref<!tpu.dma_semaphore, #tpu.memory_space<semaphore_mem>>)
          } else {
          }
          %mul3A_203 = arith.constant 4 : i32
          %mul3A_204 = arith.muli %mul3A_203, %add3A_122 : i32
          %add3A_205 = arith.constant 3 : i32
          %add3A_206 = arith.addi %mul3A_204, %add3A_205 : i32
          %dma_wait3A_207 = arith.constant 0 : i32
          %dma_wait3A_208 = arith.constant 0 : i32
          %dma_wait3A_209 = tpu.memref_slice %arg2[%dma_wait3A_207, %dma_wait3A_208] : memref<10240x128xf32, #tpu.memory_space<hbm>> -> memref<64x128xf32, #tpu.memory_space<hbm>>
          %dma_wait3A_210 = arith.constant 0 : i32
          %dma_wait3A_211 = arith.constant 0 : i32
          %dma_wait3A_212 = tpu.memref_slice %arg2[%dma_wait3A_210, %dma_wait3A_211] : memref<10240x128xf32, #tpu.memory_space<hbm>> -> memref<64x128xf32, #tpu.memory_space<hbm>>
          tpu.wait_dma2 semaphore(%arg18 : memref<!tpu.dma_semaphore, #tpu.memory_space<semaphore_mem>>) src(%dma_wait3A_212 : memref<64x128xf32, #tpu.memory_space<hbm>>) dst(%arg13 : memref<64x128xf32, #tpu.memory_space<vmem>>)
          %dma_start3A_213 = arith.constant 0 : i32
          %dma_start3A_214 = tpu.memref_slice %arg9[%add3A_206, %dma_start3A_213] : memref<32x64xi32, #tpu.memory_space<vmem>> -> memref<1x64xi32, #tpu.memory_space<vmem>>
          %dma_start3A_215 = tpu.memref_squeeze %dma_start3A_214 : memref<1x64xi32, #tpu.memory_space<vmem>> -> memref<64xi32, #tpu.memory_space<vmem>>
          %dma_start3A_216 = arith.constant 0 : i32
          %dma_start3A_217 = arith.constant 0 : i32
          %dma_start3A_218 = tpu.memref_slice %arg14[%dma_start3A_216, %dma_start3A_217] : memref<10240x128xf32, #tpu.memory_space<vmem_shared>> -> memref<10240x128xf32, #tpu.memory_space<vmem_shared>>
          tpu.enqueue_indirect_dma source(%arg13 : memref<64x128xf32, #tpu.memory_space<vmem>>) target(%dma_start3A_218 : memref<10240x128xf32, #tpu.memory_space<vmem_shared>>) offsets(%dma_start3A_215 : memref<64xi32, #tpu.memory_space<vmem>>) semaphore(%arg22 : memref<!tpu.dma_semaphore, #tpu.memory_space<semaphore_mem>>) {add = true}
          %add3A_219 = arith.constant 4 : i32
          %add3A_220 = arith.addi %add3A_206, %add3A_219 : i32
          %sub3A_221 = arith.constant 1 : i32
          %sub3A_222 = arith.subi %add3A_220, %sub3A_221 : i32
          %ge3A_223 = arith.constant 1 : i32
          %ge3A_224 = arith.cmpi sge, %add3A_206, %ge3A_223 : i32
          %lt3A_225 = arith.constant 32 : i32
          %lt3A_226 = arith.cmpi slt, %sub3A_222, %lt3A_225 : i32
          %and3A_227 = arith.andi %ge3A_224, %lt3A_226 : i1
          %convert_element_type3A_228 = arith.extui %and3A_227 : i1 to i32
          %cond3A_229 = arith.constant 0 : i32
          %cond3A_230 = arith.cmpi ne, %convert_element_type3A_228, %cond3A_229 : i32
          scf.if %cond3A_230 {
            %dma_wait3A_231 = arith.constant 0 : i32
            %dma_wait3A_232 = arith.constant 0 : i32
            %dma_wait3A_233 = tpu.memref_slice %arg14[%dma_wait3A_231, %dma_wait3A_232] : memref<10240x128xf32, #tpu.memory_space<vmem_shared>> -> memref<64x128xf32, #tpu.memory_space<vmem_shared>>
            %dma_wait3A_234 = arith.constant 0 : i32
            %dma_wait3A_235 = arith.constant 0 : i32
            %dma_wait3A_236 = tpu.memref_slice %arg2[%dma_wait3A_234, %dma_wait3A_235] : memref<10240x128xf32, #tpu.memory_space<hbm>> -> memref<64x128xf32, #tpu.memory_space<hbm>>
            tpu.wait_dma2 semaphore(%arg21 : memref<!tpu.dma_semaphore, #tpu.memory_space<semaphore_mem>>) src(%dma_wait3A_236 : memref<64x128xf32, #tpu.memory_space<hbm>>) dst(%dma_wait3A_233 : memref<64x128xf32, #tpu.memory_space<vmem_shared>>)
            %dma_start3A_237 = arith.constant 0 : i32
            %dma_start3A_238 = tpu.memref_slice %arg8[%sub3A_222, %dma_start3A_237] : memref<32x64xi32, #tpu.memory_space<vmem>> -> memref<1x64xi32, #tpu.memory_space<vmem>>
            %dma_start3A_239 = tpu.memref_squeeze %dma_start3A_238 : memref<1x64xi32, #tpu.memory_space<vmem>> -> memref<64xi32, #tpu.memory_space<vmem>>
            %dma_start3A_240 = arith.constant 0 : i32
            %dma_start3A_241 = arith.constant 0 : i32
            %dma_start3A_242 = tpu.memref_slice %arg2[%dma_start3A_240, %dma_start3A_241] : memref<10240x128xf32, #tpu.memory_space<hbm>> -> memref<10240x128xf32, #tpu.memory_space<hbm>>
            tpu.enqueue_indirect_dma source(%dma_start3A_242 : memref<10240x128xf32, #tpu.memory_space<hbm>>) target(%arg12 : memref<64x128xf32, #tpu.memory_space<vmem>>) offsets(%dma_start3A_239 : memref<64xi32, #tpu.memory_space<vmem>>) semaphore(%arg17 : memref<!tpu.dma_semaphore, #tpu.memory_space<semaphore_mem>>)
          } else {
          }
        }
        %scan3A_117 = arith.constant 8 : i32
      }
      %scan3A_34 = arith.constant 5 : i32
      %dma_wait3A = arith.constant 0 : i32
      %dma_wait3A_35 = arith.constant 0 : i32
      %dma_wait3A_36 = tpu.memref_slice %arg14[%dma_wait3A, %dma_wait3A_35] : memref<10240x128xf32, #tpu.memory_space<vmem_shared>> -> memref<64x128xf32, #tpu.memory_space<vmem_shared>>
      %dma_wait3A_37 = arith.constant 0 : i32
      %dma_wait3A_38 = arith.constant 0 : i32
      %dma_wait3A_39 = tpu.memref_slice %arg2[%dma_wait3A_37, %dma_wait3A_38] : memref<10240x128xf32, #tpu.memory_space<hbm>> -> memref<64x128xf32, #tpu.memory_space<hbm>>
      tpu.wait_dma2 semaphore(%arg19 : memref<!tpu.dma_semaphore, #tpu.memory_space<semaphore_mem>>) src(%dma_wait3A_39 : memref<64x128xf32, #tpu.memory_space<hbm>>) dst(%dma_wait3A_36 : memref<64x128xf32, #tpu.memory_space<vmem_shared>>)
      %dma_wait3A_40 = arith.constant 0 : i32
      %dma_wait3A_41 = arith.constant 0 : i32
      %dma_wait3A_42 = tpu.memref_slice %arg14[%dma_wait3A_40, %dma_wait3A_41] : memref<10240x128xf32, #tpu.memory_space<vmem_shared>> -> memref<64x128xf32, #tpu.memory_space<vmem_shared>>
      %dma_wait3A_43 = arith.constant 0 : i32
      %dma_wait3A_44 = arith.constant 0 : i32
      %dma_wait3A_45 = tpu.memref_slice %arg2[%dma_wait3A_43, %dma_wait3A_44] : memref<10240x128xf32, #tpu.memory_space<hbm>> -> memref<64x128xf32, #tpu.memory_space<hbm>>
      tpu.wait_dma2 semaphore(%arg20 : memref<!tpu.dma_semaphore, #tpu.memory_space<semaphore_mem>>) src(%dma_wait3A_45 : memref<64x128xf32, #tpu.memory_space<hbm>>) dst(%dma_wait3A_42 : memref<64x128xf32, #tpu.memory_space<vmem_shared>>)
      %dma_wait3A_46 = arith.constant 0 : i32
      %dma_wait3A_47 = arith.constant 0 : i32
      %dma_wait3A_48 = tpu.memref_slice %arg14[%dma_wait3A_46, %dma_wait3A_47] : memref<10240x128xf32, #tpu.memory_space<vmem_shared>> -> memref<64x128xf32, #tpu.memory_space<vmem_shared>>
      %dma_wait3A_49 = arith.constant 0 : i32
      %dma_wait3A_50 = arith.constant 0 : i32
      %dma_wait3A_51 = tpu.memref_slice %arg2[%dma_wait3A_49, %dma_wait3A_50] : memref<10240x128xf32, #tpu.memory_space<hbm>> -> memref<64x128xf32, #tpu.memory_space<hbm>>
      tpu.wait_dma2 semaphore(%arg21 : memref<!tpu.dma_semaphore, #tpu.memory_space<semaphore_mem>>) src(%dma_wait3A_51 : memref<64x128xf32, #tpu.memory_space<hbm>>) dst(%dma_wait3A_48 : memref<64x128xf32, #tpu.memory_space<vmem_shared>>)
      %dma_wait3A_52 = arith.constant 0 : i32
      %dma_wait3A_53 = arith.constant 0 : i32
      %dma_wait3A_54 = tpu.memref_slice %arg14[%dma_wait3A_52, %dma_wait3A_53] : memref<10240x128xf32, #tpu.memory_space<vmem_shared>> -> memref<64x128xf32, #tpu.memory_space<vmem_shared>>
      %dma_wait3A_55 = arith.constant 0 : i32
      %dma_wait3A_56 = arith.constant 0 : i32
      %dma_wait3A_57 = tpu.memref_slice %arg2[%dma_wait3A_55, %dma_wait3A_56] : memref<10240x128xf32, #tpu.memory_space<hbm>> -> memref<64x128xf32, #tpu.memory_space<hbm>>
      tpu.wait_dma2 semaphore(%arg22 : memref<!tpu.dma_semaphore, #tpu.memory_space<semaphore_mem>>) src(%dma_wait3A_57 : memref<64x128xf32, #tpu.memory_space<hbm>>) dst(%dma_wait3A_54 : memref<64x128xf32, #tpu.memory_space<vmem_shared>>)
    } else {
    }
    %eq3A_14 = arith.constant 1 : i32
    %eq3A_15 = arith.cmpi eq, %arg0, %eq3A_14 : i32
    %convert_element_type3A_16 = arith.extui %eq3A_15 : i1 to i32
    %cond3A_17 = arith.constant 0 : i32
    %cond3A_18 = arith.cmpi ne, %convert_element_type3A_16, %cond3A_17 : i32
    scf.if %cond3A_18 {
      %scan3A_30 = arith.constant 0 : i32
      %scan3A_31 = arith.constant 5 : i32
      %scan3A_32 = arith.addi %scan3A_30, %scan3A_31 : i32
      %scan3A_33 = arith.constant 1 : i32
      scf.for %scan3A_58 = %scan3A_30 to %scan3A_32 step %scan3A_33  : i32 {
        %mul3A_59 = arith.constant 1 : i32
        %mul3A_60 = arith.muli %scan3A_58, %mul3A_59 : i32
        %add3A_61 = arith.constant 0 : i32
        %add3A_62 = arith.addi %add3A_61, %mul3A_60 : i32
        %mul3A_63 = arith.constant 32 : i32
        %mul3A_64 = arith.muli %add3A_62, %mul3A_63 : i32
        "tpu.region"() ({
          %run_scoped3A = tpu.sem_alloc : memref<!tpu.dma_semaphore, #tpu.memory_space<semaphore_mem>>
          %dma_start3A_118 = arith.constant 0 : i32
          %dma_start3A_119 = tpu.memref_slice %arg4[%add3A, %mul3A_64, %dma_start3A_118] : memref<32x160x64xi32, #tpu.memory_space<hbm>> -> memref<1x32x64xi32, #tpu.memory_space<hbm>>
          %dma_start3A_120 = tpu.memref_squeeze %dma_start3A_119 : memref<1x32x64xi32, #tpu.memory_space<hbm>> -> memref<32x64xi32, #tpu.memory_space<hbm>>
          %dma_start3A_121 = arith.constant 0 : i32
          %dma_start3A_122 = tpu.memref_slice %arg4[%add3A, %mul3A_64, %dma_start3A_121] : memref<32x160x64xi32, #tpu.memory_space<hbm>> -> memref<1x32x64xi32, #tpu.memory_space<hbm>>
          %dma_start3A_123 = tpu.memref_squeeze %dma_start3A_122 : memref<1x32x64xi32, #tpu.memory_space<hbm>> -> memref<32x64xi32, #tpu.memory_space<hbm>>
          tpu.enqueue_dma source(%dma_start3A_123 : memref<32x64xi32, #tpu.memory_space<hbm>>) target(%arg8 : memref<32x64xi32, #tpu.memory_space<vmem>>) target_semaphore(%run_scoped3A : memref<!tpu.dma_semaphore, #tpu.memory_space<semaphore_mem>>)
          %dma_wait3A_124 = arith.constant 0 : i32
          %dma_wait3A_125 = tpu.memref_slice %arg4[%add3A, %mul3A_64, %dma_wait3A_124] : memref<32x160x64xi32, #tpu.memory_space<hbm>> -> memref<1x32x64xi32, #tpu.memory_space<hbm>>
          %dma_wait3A_126 = tpu.memref_squeeze %dma_wait3A_125 : memref<1x32x64xi32, #tpu.memory_space<hbm>> -> memref<32x64xi32, #tpu.memory_space<hbm>>
          %dma_wait3A_127 = arith.constant 0 : i32
          %dma_wait3A_128 = tpu.memref_slice %arg4[%add3A, %mul3A_64, %dma_wait3A_127] : memref<32x160x64xi32, #tpu.memory_space<hbm>> -> memref<1x32x64xi32, #tpu.memory_space<hbm>>
          %dma_wait3A_129 = tpu.memref_squeeze %dma_wait3A_128 : memref<1x32x64xi32, #tpu.memory_space<hbm>> -> memref<32x64xi32, #tpu.memory_space<hbm>>
          tpu.wait_dma2 semaphore(%run_scoped3A : memref<!tpu.dma_semaphore, #tpu.memory_space<semaphore_mem>>) src(%dma_wait3A_129 : memref<32x64xi32, #tpu.memory_space<hbm>>) dst(%arg8 : memref<32x64xi32, #tpu.memory_space<vmem>>)
          tpu.yield
        }) : () -> ()
        %mul3A_65 = arith.constant 32 : i32
        %mul3A_66 = arith.muli %add3A_62, %mul3A_65 : i32
        "tpu.region"() ({
          %run_scoped3A = tpu.sem_alloc : memref<!tpu.dma_semaphore, #tpu.memory_space<semaphore_mem>>
          %dma_start3A_118 = arith.constant 0 : i32
          %dma_start3A_119 = tpu.memref_slice %arg5[%add3A, %mul3A_66, %dma_start3A_118] : memref<32x160x64xi32, #tpu.memory_space<hbm>> -> memref<1x32x64xi32, #tpu.memory_space<hbm>>
          %dma_start3A_120 = tpu.memref_squeeze %dma_start3A_119 : memref<1x32x64xi32, #tpu.memory_space<hbm>> -> memref<32x64xi32, #tpu.memory_space<hbm>>
          %dma_start3A_121 = arith.constant 0 : i32
          %dma_start3A_122 = tpu.memref_slice %arg5[%add3A, %mul3A_66, %dma_start3A_121] : memref<32x160x64xi32, #tpu.memory_space<hbm>> -> memref<1x32x64xi32, #tpu.memory_space<hbm>>
          %dma_start3A_123 = tpu.memref_squeeze %dma_start3A_122 : memref<1x32x64xi32, #tpu.memory_space<hbm>> -> memref<32x64xi32, #tpu.memory_space<hbm>>
          tpu.enqueue_dma source(%dma_start3A_123 : memref<32x64xi32, #tpu.memory_space<hbm>>) target(%arg9 : memref<32x64xi32, #tpu.memory_space<vmem>>) target_semaphore(%run_scoped3A : memref<!tpu.dma_semaphore, #tpu.memory_space<semaphore_mem>>)
          %dma_wait3A_124 = arith.constant 0 : i32
          %dma_wait3A_125 = tpu.memref_slice %arg5[%add3A, %mul3A_66, %dma_wait3A_124] : memref<32x160x64xi32, #tpu.memory_space<hbm>> -> memref<1x32x64xi32, #tpu.memory_space<hbm>>
          %dma_wait3A_126 = tpu.memref_squeeze %dma_wait3A_125 : memref<1x32x64xi32, #tpu.memory_space<hbm>> -> memref<32x64xi32, #tpu.memory_space<hbm>>
          %dma_wait3A_127 = arith.constant 0 : i32
          %dma_wait3A_128 = tpu.memref_slice %arg5[%add3A, %mul3A_66, %dma_wait3A_127] : memref<32x160x64xi32, #tpu.memory_space<hbm>> -> memref<1x32x64xi32, #tpu.memory_space<hbm>>
          %dma_wait3A_129 = tpu.memref_squeeze %dma_wait3A_128 : memref<1x32x64xi32, #tpu.memory_space<hbm>> -> memref<32x64xi32, #tpu.memory_space<hbm>>
          tpu.wait_dma2 semaphore(%run_scoped3A : memref<!tpu.dma_semaphore, #tpu.memory_space<semaphore_mem>>) src(%dma_wait3A_129 : memref<32x64xi32, #tpu.memory_space<hbm>>) dst(%arg9 : memref<32x64xi32, #tpu.memory_space<vmem>>)
          tpu.yield
        }) : () -> ()
        %gt3A = arith.constant 0 : i32
        %gt3A_67 = arith.cmpi sgt, %add3A_62, %gt3A : i32
        %convert_element_type3A_68 = arith.extui %gt3A_67 : i1 to i32
        %cond3A_69 = arith.constant 0 : i32
        %cond3A_70 = arith.cmpi ne, %convert_element_type3A_68, %cond3A_69 : i32
        scf.if %cond3A_70 {
          %dma_wait3A_118 = arith.constant 0 : i32
          %dma_wait3A_119 = arith.constant 0 : i32
          %dma_wait3A_120 = tpu.memref_slice %arg14[%dma_wait3A_118, %dma_wait3A_119] : memref<10240x128xf32, #tpu.memory_space<vmem_shared>> -> memref<64x128xf32, #tpu.memory_space<vmem_shared>>
          %dma_wait3A_121 = arith.constant 0 : i32
          %dma_wait3A_122 = arith.constant 0 : i32
          %dma_wait3A_123 = tpu.memref_slice %arg3[%dma_wait3A_121, %dma_wait3A_122] : memref<10240x128xf32, #tpu.memory_space<hbm>> -> memref<64x128xf32, #tpu.memory_space<hbm>>
          tpu.wait_dma2 semaphore(%arg19 : memref<!tpu.dma_semaphore, #tpu.memory_space<semaphore_mem>>) src(%dma_wait3A_123 : memref<64x128xf32, #tpu.memory_space<hbm>>) dst(%dma_wait3A_120 : memref<64x128xf32, #tpu.memory_space<vmem_shared>>)
        } else {
        }
        %dma_start3A = arith.constant 0 : i32
        %dma_start3A_71 = arith.constant 0 : i32
        %dma_start3A_72 = tpu.memref_slice %arg8[%dma_start3A, %dma_start3A_71] : memref<32x64xi32, #tpu.memory_space<vmem>> -> memref<1x64xi32, #tpu.memory_space<vmem>>
        %dma_start3A_73 = tpu.memref_squeeze %dma_start3A_72 : memref<1x64xi32, #tpu.memory_space<vmem>> -> memref<64xi32, #tpu.memory_space<vmem>>
        %dma_start3A_74 = arith.constant 0 : i32
        %dma_start3A_75 = arith.constant 0 : i32
        %dma_start3A_76 = tpu.memref_slice %arg3[%dma_start3A_74, %dma_start3A_75] : memref<10240x128xf32, #tpu.memory_space<hbm>> -> memref<10240x128xf32, #tpu.memory_space<hbm>>
        tpu.enqueue_indirect_dma source(%dma_start3A_76 : memref<10240x128xf32, #tpu.memory_space<hbm>>) target(%arg10 : memref<64x128xf32, #tpu.memory_space<vmem>>) offsets(%dma_start3A_73 : memref<64xi32, #tpu.memory_space<vmem>>) semaphore(%arg15 : memref<!tpu.dma_semaphore, #tpu.memory_space<semaphore_mem>>)
        %gt3A_77 = arith.constant 0 : i32
        %gt3A_78 = arith.cmpi sgt, %add3A_62, %gt3A_77 : i32
        %convert_element_type3A_79 = arith.extui %gt3A_78 : i1 to i32
        %cond3A_80 = arith.constant 0 : i32
        %cond3A_81 = arith.cmpi ne, %convert_element_type3A_79, %cond3A_80 : i32
        scf.if %cond3A_81 {
          %dma_wait3A_118 = arith.constant 0 : i32
          %dma_wait3A_119 = arith.constant 0 : i32
          %dma_wait3A_120 = tpu.memref_slice %arg14[%dma_wait3A_118, %dma_wait3A_119] : memref<10240x128xf32, #tpu.memory_space<vmem_shared>> -> memref<64x128xf32, #tpu.memory_space<vmem_shared>>
          %dma_wait3A_121 = arith.constant 0 : i32
          %dma_wait3A_122 = arith.constant 0 : i32
          %dma_wait3A_123 = tpu.memref_slice %arg3[%dma_wait3A_121, %dma_wait3A_122] : memref<10240x128xf32, #tpu.memory_space<hbm>> -> memref<64x128xf32, #tpu.memory_space<hbm>>
          tpu.wait_dma2 semaphore(%arg20 : memref<!tpu.dma_semaphore, #tpu.memory_space<semaphore_mem>>) src(%dma_wait3A_123 : memref<64x128xf32, #tpu.memory_space<hbm>>) dst(%dma_wait3A_120 : memref<64x128xf32, #tpu.memory_space<vmem_shared>>)
        } else {
        }
        %dma_start3A_82 = arith.constant 1 : i32
        %dma_start3A_83 = arith.constant 0 : i32
        %dma_start3A_84 = tpu.memref_slice %arg8[%dma_start3A_82, %dma_start3A_83] : memref<32x64xi32, #tpu.memory_space<vmem>> -> memref<1x64xi32, #tpu.memory_space<vmem>>
        %dma_start3A_85 = tpu.memref_squeeze %dma_start3A_84 : memref<1x64xi32, #tpu.memory_space<vmem>> -> memref<64xi32, #tpu.memory_space<vmem>>
        %dma_start3A_86 = arith.constant 0 : i32
        %dma_start3A_87 = arith.constant 0 : i32
        %dma_start3A_88 = tpu.memref_slice %arg3[%dma_start3A_86, %dma_start3A_87] : memref<10240x128xf32, #tpu.memory_space<hbm>> -> memref<10240x128xf32, #tpu.memory_space<hbm>>
        tpu.enqueue_indirect_dma source(%dma_start3A_88 : memref<10240x128xf32, #tpu.memory_space<hbm>>) target(%arg11 : memref<64x128xf32, #tpu.memory_space<vmem>>) offsets(%dma_start3A_85 : memref<64xi32, #tpu.memory_space<vmem>>) semaphore(%arg16 : memref<!tpu.dma_semaphore, #tpu.memory_space<semaphore_mem>>)
        %gt3A_89 = arith.constant 0 : i32
        %gt3A_90 = arith.cmpi sgt, %add3A_62, %gt3A_89 : i32
        %convert_element_type3A_91 = arith.extui %gt3A_90 : i1 to i32
        %cond3A_92 = arith.constant 0 : i32
        %cond3A_93 = arith.cmpi ne, %convert_element_type3A_91, %cond3A_92 : i32
        scf.if %cond3A_93 {
          %dma_wait3A_118 = arith.constant 0 : i32
          %dma_wait3A_119 = arith.constant 0 : i32
          %dma_wait3A_120 = tpu.memref_slice %arg14[%dma_wait3A_118, %dma_wait3A_119] : memref<10240x128xf32, #tpu.memory_space<vmem_shared>> -> memref<64x128xf32, #tpu.memory_space<vmem_shared>>
          %dma_wait3A_121 = arith.constant 0 : i32
          %dma_wait3A_122 = arith.constant 0 : i32
          %dma_wait3A_123 = tpu.memref_slice %arg3[%dma_wait3A_121, %dma_wait3A_122] : memref<10240x128xf32, #tpu.memory_space<hbm>> -> memref<64x128xf32, #tpu.memory_space<hbm>>
          tpu.wait_dma2 semaphore(%arg21 : memref<!tpu.dma_semaphore, #tpu.memory_space<semaphore_mem>>) src(%dma_wait3A_123 : memref<64x128xf32, #tpu.memory_space<hbm>>) dst(%dma_wait3A_120 : memref<64x128xf32, #tpu.memory_space<vmem_shared>>)
        } else {
        }
        %dma_start3A_94 = arith.constant 2 : i32
        %dma_start3A_95 = arith.constant 0 : i32
        %dma_start3A_96 = tpu.memref_slice %arg8[%dma_start3A_94, %dma_start3A_95] : memref<32x64xi32, #tpu.memory_space<vmem>> -> memref<1x64xi32, #tpu.memory_space<vmem>>
        %dma_start3A_97 = tpu.memref_squeeze %dma_start3A_96 : memref<1x64xi32, #tpu.memory_space<vmem>> -> memref<64xi32, #tpu.memory_space<vmem>>
        %dma_start3A_98 = arith.constant 0 : i32
        %dma_start3A_99 = arith.constant 0 : i32
        %dma_start3A_100 = tpu.memref_slice %arg3[%dma_start3A_98, %dma_start3A_99] : memref<10240x128xf32, #tpu.memory_space<hbm>> -> memref<10240x128xf32, #tpu.memory_space<hbm>>
        tpu.enqueue_indirect_dma source(%dma_start3A_100 : memref<10240x128xf32, #tpu.memory_space<hbm>>) target(%arg12 : memref<64x128xf32, #tpu.memory_space<vmem>>) offsets(%dma_start3A_97 : memref<64xi32, #tpu.memory_space<vmem>>) semaphore(%arg17 : memref<!tpu.dma_semaphore, #tpu.memory_space<semaphore_mem>>)
        %gt3A_101 = arith.constant 0 : i32
        %gt3A_102 = arith.cmpi sgt, %add3A_62, %gt3A_101 : i32
        %convert_element_type3A_103 = arith.extui %gt3A_102 : i1 to i32
        %cond3A_104 = arith.constant 0 : i32
        %cond3A_105 = arith.cmpi ne, %convert_element_type3A_103, %cond3A_104 : i32
        scf.if %cond3A_105 {
          %dma_wait3A_118 = arith.constant 0 : i32
          %dma_wait3A_119 = arith.constant 0 : i32
          %dma_wait3A_120 = tpu.memref_slice %arg14[%dma_wait3A_118, %dma_wait3A_119] : memref<10240x128xf32, #tpu.memory_space<vmem_shared>> -> memref<64x128xf32, #tpu.memory_space<vmem_shared>>
          %dma_wait3A_121 = arith.constant 0 : i32
          %dma_wait3A_122 = arith.constant 0 : i32
          %dma_wait3A_123 = tpu.memref_slice %arg3[%dma_wait3A_121, %dma_wait3A_122] : memref<10240x128xf32, #tpu.memory_space<hbm>> -> memref<64x128xf32, #tpu.memory_space<hbm>>
          tpu.wait_dma2 semaphore(%arg22 : memref<!tpu.dma_semaphore, #tpu.memory_space<semaphore_mem>>) src(%dma_wait3A_123 : memref<64x128xf32, #tpu.memory_space<hbm>>) dst(%dma_wait3A_120 : memref<64x128xf32, #tpu.memory_space<vmem_shared>>)
        } else {
        }
        %dma_start3A_106 = arith.constant 3 : i32
        %dma_start3A_107 = arith.constant 0 : i32
        %dma_start3A_108 = tpu.memref_slice %arg8[%dma_start3A_106, %dma_start3A_107] : memref<32x64xi32, #tpu.memory_space<vmem>> -> memref<1x64xi32, #tpu.memory_space<vmem>>
        %dma_start3A_109 = tpu.memref_squeeze %dma_start3A_108 : memref<1x64xi32, #tpu.memory_space<vmem>> -> memref<64xi32, #tpu.memory_space<vmem>>
        %dma_start3A_110 = arith.constant 0 : i32
        %dma_start3A_111 = arith.constant 0 : i32
        %dma_start3A_112 = tpu.memref_slice %arg3[%dma_start3A_110, %dma_start3A_111] : memref<10240x128xf32, #tpu.memory_space<hbm>> -> memref<10240x128xf32, #tpu.memory_space<hbm>>
        tpu.enqueue_indirect_dma source(%dma_start3A_112 : memref<10240x128xf32, #tpu.memory_space<hbm>>) target(%arg13 : memref<64x128xf32, #tpu.memory_space<vmem>>) offsets(%dma_start3A_109 : memref<64xi32, #tpu.memory_space<vmem>>) semaphore(%arg18 : memref<!tpu.dma_semaphore, #tpu.memory_space<semaphore_mem>>)
        %scan3A_113 = arith.constant 0 : i32
        %scan3A_114 = arith.constant 8 : i32
        %scan3A_115 = arith.addi %scan3A_113, %scan3A_114 : i32
        %scan3A_116 = arith.constant 1 : i32
        scf.for %scan3A_118 = %scan3A_113 to %scan3A_115 step %scan3A_116  : i32 {
          %mul3A_119 = arith.constant 1 : i32
          %mul3A_120 = arith.muli %scan3A_118, %mul3A_119 : i32
          %add3A_121 = arith.constant 0 : i32
          %add3A_122 = arith.addi %add3A_121, %mul3A_120 : i32
          %mul3A_123 = arith.constant 4 : i32
          %mul3A_124 = arith.muli %mul3A_123, %add3A_122 : i32
          %add3A_125 = arith.constant 0 : i32
          %add3A_126 = arith.addi %mul3A_124, %add3A_125 : i32
          %dma_wait3A_127 = arith.constant 0 : i32
          %dma_wait3A_128 = arith.constant 0 : i32
          %dma_wait3A_129 = tpu.memref_slice %arg3[%dma_wait3A_127, %dma_wait3A_128] : memref<10240x128xf32, #tpu.memory_space<hbm>> -> memref<64x128xf32, #tpu.memory_space<hbm>>
          %dma_wait3A_130 = arith.constant 0 : i32
          %dma_wait3A_131 = arith.constant 0 : i32
          %dma_wait3A_132 = tpu.memref_slice %arg3[%dma_wait3A_130, %dma_wait3A_131] : memref<10240x128xf32, #tpu.memory_space<hbm>> -> memref<64x128xf32, #tpu.memory_space<hbm>>
          tpu.wait_dma2 semaphore(%arg15 : memref<!tpu.dma_semaphore, #tpu.memory_space<semaphore_mem>>) src(%dma_wait3A_132 : memref<64x128xf32, #tpu.memory_space<hbm>>) dst(%arg10 : memref<64x128xf32, #tpu.memory_space<vmem>>)
          %dma_start3A_133 = arith.constant 0 : i32
          %dma_start3A_134 = tpu.memref_slice %arg9[%add3A_126, %dma_start3A_133] : memref<32x64xi32, #tpu.memory_space<vmem>> -> memref<1x64xi32, #tpu.memory_space<vmem>>
          %dma_start3A_135 = tpu.memref_squeeze %dma_start3A_134 : memref<1x64xi32, #tpu.memory_space<vmem>> -> memref<64xi32, #tpu.memory_space<vmem>>
          %dma_start3A_136 = arith.constant 0 : i32
          %dma_start3A_137 = arith.constant 0 : i32
          %dma_start3A_138 = tpu.memref_slice %arg14[%dma_start3A_136, %dma_start3A_137] : memref<10240x128xf32, #tpu.memory_space<vmem_shared>> -> memref<10240x128xf32, #tpu.memory_space<vmem_shared>>
          tpu.enqueue_indirect_dma source(%arg10 : memref<64x128xf32, #tpu.memory_space<vmem>>) target(%dma_start3A_138 : memref<10240x128xf32, #tpu.memory_space<vmem_shared>>) offsets(%dma_start3A_135 : memref<64xi32, #tpu.memory_space<vmem>>) semaphore(%arg19 : memref<!tpu.dma_semaphore, #tpu.memory_space<semaphore_mem>>) {add = true}
          %add3A_139 = arith.constant 4 : i32
          %add3A_140 = arith.addi %add3A_126, %add3A_139 : i32
          %sub3A = arith.constant 1 : i32
          %sub3A_141 = arith.subi %add3A_140, %sub3A : i32
          %ge3A = arith.constant 1 : i32
          %ge3A_142 = arith.cmpi sge, %add3A_126, %ge3A : i32
          %lt3A = arith.constant 32 : i32
          %lt3A_143 = arith.cmpi slt, %sub3A_141, %lt3A : i32
          %and3A = arith.andi %ge3A_142, %lt3A_143 : i1
          %convert_element_type3A_144 = arith.extui %and3A : i1 to i32
          %cond3A_145 = arith.constant 0 : i32
          %cond3A_146 = arith.cmpi ne, %convert_element_type3A_144, %cond3A_145 : i32
          scf.if %cond3A_146 {
            %dma_wait3A_231 = arith.constant 0 : i32
            %dma_wait3A_232 = arith.constant 0 : i32
            %dma_wait3A_233 = tpu.memref_slice %arg14[%dma_wait3A_231, %dma_wait3A_232] : memref<10240x128xf32, #tpu.memory_space<vmem_shared>> -> memref<64x128xf32, #tpu.memory_space<vmem_shared>>
            %dma_wait3A_234 = arith.constant 0 : i32
            %dma_wait3A_235 = arith.constant 0 : i32
            %dma_wait3A_236 = tpu.memref_slice %arg3[%dma_wait3A_234, %dma_wait3A_235] : memref<10240x128xf32, #tpu.memory_space<hbm>> -> memref<64x128xf32, #tpu.memory_space<hbm>>
            tpu.wait_dma2 semaphore(%arg22 : memref<!tpu.dma_semaphore, #tpu.memory_space<semaphore_mem>>) src(%dma_wait3A_236 : memref<64x128xf32, #tpu.memory_space<hbm>>) dst(%dma_wait3A_233 : memref<64x128xf32, #tpu.memory_space<vmem_shared>>)
            %dma_start3A_237 = arith.constant 0 : i32
            %dma_start3A_238 = tpu.memref_slice %arg8[%sub3A_141, %dma_start3A_237] : memref<32x64xi32, #tpu.memory_space<vmem>> -> memref<1x64xi32, #tpu.memory_space<vmem>>
            %dma_start3A_239 = tpu.memref_squeeze %dma_start3A_238 : memref<1x64xi32, #tpu.memory_space<vmem>> -> memref<64xi32, #tpu.memory_space<vmem>>
            %dma_start3A_240 = arith.constant 0 : i32
            %dma_start3A_241 = arith.constant 0 : i32
            %dma_start3A_242 = tpu.memref_slice %arg3[%dma_start3A_240, %dma_start3A_241] : memref<10240x128xf32, #tpu.memory_space<hbm>> -> memref<10240x128xf32, #tpu.memory_space<hbm>>
            tpu.enqueue_indirect_dma source(%dma_start3A_242 : memref<10240x128xf32, #tpu.memory_space<hbm>>) target(%arg13 : memref<64x128xf32, #tpu.memory_space<vmem>>) offsets(%dma_start3A_239 : memref<64xi32, #tpu.memory_space<vmem>>) semaphore(%arg18 : memref<!tpu.dma_semaphore, #tpu.memory_space<semaphore_mem>>)
          } else {
          }
          %mul3A_147 = arith.constant 4 : i32
          %mul3A_148 = arith.muli %mul3A_147, %add3A_122 : i32
          %add3A_149 = arith.constant 1 : i32
          %add3A_150 = arith.addi %mul3A_148, %add3A_149 : i32
          %dma_wait3A_151 = arith.constant 0 : i32
          %dma_wait3A_152 = arith.constant 0 : i32
          %dma_wait3A_153 = tpu.memref_slice %arg3[%dma_wait3A_151, %dma_wait3A_152] : memref<10240x128xf32, #tpu.memory_space<hbm>> -> memref<64x128xf32, #tpu.memory_space<hbm>>
          %dma_wait3A_154 = arith.constant 0 : i32
          %dma_wait3A_155 = arith.constant 0 : i32
          %dma_wait3A_156 = tpu.memref_slice %arg3[%dma_wait3A_154, %dma_wait3A_155] : memref<10240x128xf32, #tpu.memory_space<hbm>> -> memref<64x128xf32, #tpu.memory_space<hbm>>
          tpu.wait_dma2 semaphore(%arg16 : memref<!tpu.dma_semaphore, #tpu.memory_space<semaphore_mem>>) src(%dma_wait3A_156 : memref<64x128xf32, #tpu.memory_space<hbm>>) dst(%arg11 : memref<64x128xf32, #tpu.memory_space<vmem>>)
          %dma_start3A_157 = arith.constant 0 : i32
          %dma_start3A_158 = tpu.memref_slice %arg9[%add3A_150, %dma_start3A_157] : memref<32x64xi32, #tpu.memory_space<vmem>> -> memref<1x64xi32, #tpu.memory_space<vmem>>
          %dma_start3A_159 = tpu.memref_squeeze %dma_start3A_158 : memref<1x64xi32, #tpu.memory_space<vmem>> -> memref<64xi32, #tpu.memory_space<vmem>>
          %dma_start3A_160 = arith.constant 0 : i32
          %dma_start3A_161 = arith.constant 0 : i32
          %dma_start3A_162 = tpu.memref_slice %arg14[%dma_start3A_160, %dma_start3A_161] : memref<10240x128xf32, #tpu.memory_space<vmem_shared>> -> memref<10240x128xf32, #tpu.memory_space<vmem_shared>>
          tpu.enqueue_indirect_dma source(%arg11 : memref<64x128xf32, #tpu.memory_space<vmem>>) target(%dma_start3A_162 : memref<10240x128xf32, #tpu.memory_space<vmem_shared>>) offsets(%dma_start3A_159 : memref<64xi32, #tpu.memory_space<vmem>>) semaphore(%arg20 : memref<!tpu.dma_semaphore, #tpu.memory_space<semaphore_mem>>) {add = true}
          %add3A_163 = arith.constant 4 : i32
          %add3A_164 = arith.addi %add3A_150, %add3A_163 : i32
          %sub3A_165 = arith.constant 1 : i32
          %sub3A_166 = arith.subi %add3A_164, %sub3A_165 : i32
          %ge3A_167 = arith.constant 1 : i32
          %ge3A_168 = arith.cmpi sge, %add3A_150, %ge3A_167 : i32
          %lt3A_169 = arith.constant 32 : i32
          %lt3A_170 = arith.cmpi slt, %sub3A_166, %lt3A_169 : i32
          %and3A_171 = arith.andi %ge3A_168, %lt3A_170 : i1
          %convert_element_type3A_172 = arith.extui %and3A_171 : i1 to i32
          %cond3A_173 = arith.constant 0 : i32
          %cond3A_174 = arith.cmpi ne, %convert_element_type3A_172, %cond3A_173 : i32
          scf.if %cond3A_174 {
            %dma_wait3A_231 = arith.constant 0 : i32
            %dma_wait3A_232 = arith.constant 0 : i32
            %dma_wait3A_233 = tpu.memref_slice %arg14[%dma_wait3A_231, %dma_wait3A_232] : memref<10240x128xf32, #tpu.memory_space<vmem_shared>> -> memref<64x128xf32, #tpu.memory_space<vmem_shared>>
            %dma_wait3A_234 = arith.constant 0 : i32
            %dma_wait3A_235 = arith.constant 0 : i32
            %dma_wait3A_236 = tpu.memref_slice %arg3[%dma_wait3A_234, %dma_wait3A_235] : memref<10240x128xf32, #tpu.memory_space<hbm>> -> memref<64x128xf32, #tpu.memory_space<hbm>>
            tpu.wait_dma2 semaphore(%arg19 : memref<!tpu.dma_semaphore, #tpu.memory_space<semaphore_mem>>) src(%dma_wait3A_236 : memref<64x128xf32, #tpu.memory_space<hbm>>) dst(%dma_wait3A_233 : memref<64x128xf32, #tpu.memory_space<vmem_shared>>)
            %dma_start3A_237 = arith.constant 0 : i32
            %dma_start3A_238 = tpu.memref_slice %arg8[%sub3A_166, %dma_start3A_237] : memref<32x64xi32, #tpu.memory_space<vmem>> -> memref<1x64xi32, #tpu.memory_space<vmem>>
            %dma_start3A_239 = tpu.memref_squeeze %dma_start3A_238 : memref<1x64xi32, #tpu.memory_space<vmem>> -> memref<64xi32, #tpu.memory_space<vmem>>
            %dma_start3A_240 = arith.constant 0 : i32
            %dma_start3A_241 = arith.constant 0 : i32
            %dma_start3A_242 = tpu.memref_slice %arg3[%dma_start3A_240, %dma_start3A_241] : memref<10240x128xf32, #tpu.memory_space<hbm>> -> memref<10240x128xf32, #tpu.memory_space<hbm>>
            tpu.enqueue_indirect_dma source(%dma_start3A_242 : memref<10240x128xf32, #tpu.memory_space<hbm>>) target(%arg10 : memref<64x128xf32, #tpu.memory_space<vmem>>) offsets(%dma_start3A_239 : memref<64xi32, #tpu.memory_space<vmem>>) semaphore(%arg15 : memref<!tpu.dma_semaphore, #tpu.memory_space<semaphore_mem>>)
          } else {
          }
          %mul3A_175 = arith.constant 4 : i32
          %mul3A_176 = arith.muli %mul3A_175, %add3A_122 : i32
          %add3A_177 = arith.constant 2 : i32
          %add3A_178 = arith.addi %mul3A_176, %add3A_177 : i32
          %dma_wait3A_179 = arith.constant 0 : i32
          %dma_wait3A_180 = arith.constant 0 : i32
          %dma_wait3A_181 = tpu.memref_slice %arg3[%dma_wait3A_179, %dma_wait3A_180] : memref<10240x128xf32, #tpu.memory_space<hbm>> -> memref<64x128xf32, #tpu.memory_space<hbm>>
          %dma_wait3A_182 = arith.constant 0 : i32
          %dma_wait3A_183 = arith.constant 0 : i32
          %dma_wait3A_184 = tpu.memref_slice %arg3[%dma_wait3A_182, %dma_wait3A_183] : memref<10240x128xf32, #tpu.memory_space<hbm>> -> memref<64x128xf32, #tpu.memory_space<hbm>>
          tpu.wait_dma2 semaphore(%arg17 : memref<!tpu.dma_semaphore, #tpu.memory_space<semaphore_mem>>) src(%dma_wait3A_184 : memref<64x128xf32, #tpu.memory_space<hbm>>) dst(%arg12 : memref<64x128xf32, #tpu.memory_space<vmem>>)
          %dma_start3A_185 = arith.constant 0 : i32
          %dma_start3A_186 = tpu.memref_slice %arg9[%add3A_178, %dma_start3A_185] : memref<32x64xi32, #tpu.memory_space<vmem>> -> memref<1x64xi32, #tpu.memory_space<vmem>>
          %dma_start3A_187 = tpu.memref_squeeze %dma_start3A_186 : memref<1x64xi32, #tpu.memory_space<vmem>> -> memref<64xi32, #tpu.memory_space<vmem>>
          %dma_start3A_188 = arith.constant 0 : i32
          %dma_start3A_189 = arith.constant 0 : i32
          %dma_start3A_190 = tpu.memref_slice %arg14[%dma_start3A_188, %dma_start3A_189] : memref<10240x128xf32, #tpu.memory_space<vmem_shared>> -> memref<10240x128xf32, #tpu.memory_space<vmem_shared>>
          tpu.enqueue_indirect_dma source(%arg12 : memref<64x128xf32, #tpu.memory_space<vmem>>) target(%dma_start3A_190 : memref<10240x128xf32, #tpu.memory_space<vmem_shared>>) offsets(%dma_start3A_187 : memref<64xi32, #tpu.memory_space<vmem>>) semaphore(%arg21 : memref<!tpu.dma_semaphore, #tpu.memory_space<semaphore_mem>>) {add = true}
          %add3A_191 = arith.constant 4 : i32
          %add3A_192 = arith.addi %add3A_178, %add3A_191 : i32
          %sub3A_193 = arith.constant 1 : i32
          %sub3A_194 = arith.subi %add3A_192, %sub3A_193 : i32
          %ge3A_195 = arith.constant 1 : i32
          %ge3A_196 = arith.cmpi sge, %add3A_178, %ge3A_195 : i32
          %lt3A_197 = arith.constant 32 : i32
          %lt3A_198 = arith.cmpi slt, %sub3A_194, %lt3A_197 : i32
          %and3A_199 = arith.andi %ge3A_196, %lt3A_198 : i1
          %convert_element_type3A_200 = arith.extui %and3A_199 : i1 to i32
          %cond3A_201 = arith.constant 0 : i32
          %cond3A_202 = arith.cmpi ne, %convert_element_type3A_200, %cond3A_201 : i32
          scf.if %cond3A_202 {
            %dma_wait3A_231 = arith.constant 0 : i32
            %dma_wait3A_232 = arith.constant 0 : i32
            %dma_wait3A_233 = tpu.memref_slice %arg14[%dma_wait3A_231, %dma_wait3A_232] : memref<10240x128xf32, #tpu.memory_space<vmem_shared>> -> memref<64x128xf32, #tpu.memory_space<vmem_shared>>
            %dma_wait3A_234 = arith.constant 0 : i32
            %dma_wait3A_235 = arith.constant 0 : i32
            %dma_wait3A_236 = tpu.memref_slice %arg3[%dma_wait3A_234, %dma_wait3A_235] : memref<10240x128xf32, #tpu.memory_space<hbm>> -> memref<64x128xf32, #tpu.memory_space<hbm>>
            tpu.wait_dma2 semaphore(%arg20 : memref<!tpu.dma_semaphore, #tpu.memory_space<semaphore_mem>>) src(%dma_wait3A_236 : memref<64x128xf32, #tpu.memory_space<hbm>>) dst(%dma_wait3A_233 : memref<64x128xf32, #tpu.memory_space<vmem_shared>>)
            %dma_start3A_237 = arith.constant 0 : i32
            %dma_start3A_238 = tpu.memref_slice %arg8[%sub3A_194, %dma_start3A_237] : memref<32x64xi32, #tpu.memory_space<vmem>> -> memref<1x64xi32, #tpu.memory_space<vmem>>
            %dma_start3A_239 = tpu.memref_squeeze %dma_start3A_238 : memref<1x64xi32, #tpu.memory_space<vmem>> -> memref<64xi32, #tpu.memory_space<vmem>>
            %dma_start3A_240 = arith.constant 0 : i32
            %dma_start3A_241 = arith.constant 0 : i32
            %dma_start3A_242 = tpu.memref_slice %arg3[%dma_start3A_240, %dma_start3A_241] : memref<10240x128xf32, #tpu.memory_space<hbm>> -> memref<10240x128xf32, #tpu.memory_space<hbm>>
            tpu.enqueue_indirect_dma source(%dma_start3A_242 : memref<10240x128xf32, #tpu.memory_space<hbm>>) target(%arg11 : memref<64x128xf32, #tpu.memory_space<vmem>>) offsets(%dma_start3A_239 : memref<64xi32, #tpu.memory_space<vmem>>) semaphore(%arg16 : memref<!tpu.dma_semaphore, #tpu.memory_space<semaphore_mem>>)
          } else {
          }
          %mul3A_203 = arith.constant 4 : i32
          %mul3A_204 = arith.muli %mul3A_203, %add3A_122 : i32
          %add3A_205 = arith.constant 3 : i32
          %add3A_206 = arith.addi %mul3A_204, %add3A_205 : i32
          %dma_wait3A_207 = arith.constant 0 : i32
          %dma_wait3A_208 = arith.constant 0 : i32
          %dma_wait3A_209 = tpu.memref_slice %arg3[%dma_wait3A_207, %dma_wait3A_208] : memref<10240x128xf32, #tpu.memory_space<hbm>> -> memref<64x128xf32, #tpu.memory_space<hbm>>
          %dma_wait3A_210 = arith.constant 0 : i32
          %dma_wait3A_211 = arith.constant 0 : i32
          %dma_wait3A_212 = tpu.memref_slice %arg3[%dma_wait3A_210, %dma_wait3A_211] : memref<10240x128xf32, #tpu.memory_space<hbm>> -> memref<64x128xf32, #tpu.memory_space<hbm>>
          tpu.wait_dma2 semaphore(%arg18 : memref<!tpu.dma_semaphore, #tpu.memory_space<semaphore_mem>>) src(%dma_wait3A_212 : memref<64x128xf32, #tpu.memory_space<hbm>>) dst(%arg13 : memref<64x128xf32, #tpu.memory_space<vmem>>)
          %dma_start3A_213 = arith.constant 0 : i32
          %dma_start3A_214 = tpu.memref_slice %arg9[%add3A_206, %dma_start3A_213] : memref<32x64xi32, #tpu.memory_space<vmem>> -> memref<1x64xi32, #tpu.memory_space<vmem>>
          %dma_start3A_215 = tpu.memref_squeeze %dma_start3A_214 : memref<1x64xi32, #tpu.memory_space<vmem>> -> memref<64xi32, #tpu.memory_space<vmem>>
          %dma_start3A_216 = arith.constant 0 : i32
          %dma_start3A_217 = arith.constant 0 : i32
          %dma_start3A_218 = tpu.memref_slice %arg14[%dma_start3A_216, %dma_start3A_217] : memref<10240x128xf32, #tpu.memory_space<vmem_shared>> -> memref<10240x128xf32, #tpu.memory_space<vmem_shared>>
          tpu.enqueue_indirect_dma source(%arg13 : memref<64x128xf32, #tpu.memory_space<vmem>>) target(%dma_start3A_218 : memref<10240x128xf32, #tpu.memory_space<vmem_shared>>) offsets(%dma_start3A_215 : memref<64xi32, #tpu.memory_space<vmem>>) semaphore(%arg22 : memref<!tpu.dma_semaphore, #tpu.memory_space<semaphore_mem>>) {add = true}
          %add3A_219 = arith.constant 4 : i32
          %add3A_220 = arith.addi %add3A_206, %add3A_219 : i32
          %sub3A_221 = arith.constant 1 : i32
          %sub3A_222 = arith.subi %add3A_220, %sub3A_221 : i32
          %ge3A_223 = arith.constant 1 : i32
          %ge3A_224 = arith.cmpi sge, %add3A_206, %ge3A_223 : i32
          %lt3A_225 = arith.constant 32 : i32
          %lt3A_226 = arith.cmpi slt, %sub3A_222, %lt3A_225 : i32
          %and3A_227 = arith.andi %ge3A_224, %lt3A_226 : i1
          %convert_element_type3A_228 = arith.extui %and3A_227 : i1 to i32
          %cond3A_229 = arith.constant 0 : i32
          %cond3A_230 = arith.cmpi ne, %convert_element_type3A_228, %cond3A_229 : i32
          scf.if %cond3A_230 {
            %dma_wait3A_231 = arith.constant 0 : i32
            %dma_wait3A_232 = arith.constant 0 : i32
            %dma_wait3A_233 = tpu.memref_slice %arg14[%dma_wait3A_231, %dma_wait3A_232] : memref<10240x128xf32, #tpu.memory_space<vmem_shared>> -> memref<64x128xf32, #tpu.memory_space<vmem_shared>>
            %dma_wait3A_234 = arith.constant 0 : i32
            %dma_wait3A_235 = arith.constant 0 : i32
            %dma_wait3A_236 = tpu.memref_slice %arg3[%dma_wait3A_234, %dma_wait3A_235] : memref<10240x128xf32, #tpu.memory_space<hbm>> -> memref<64x128xf32, #tpu.memory_space<hbm>>
            tpu.wait_dma2 semaphore(%arg21 : memref<!tpu.dma_semaphore, #tpu.memory_space<semaphore_mem>>) src(%dma_wait3A_236 : memref<64x128xf32, #tpu.memory_space<hbm>>) dst(%dma_wait3A_233 : memref<64x128xf32, #tpu.memory_space<vmem_shared>>)
            %dma_start3A_237 = arith.constant 0 : i32
            %dma_start3A_238 = tpu.memref_slice %arg8[%sub3A_222, %dma_start3A_237] : memref<32x64xi32, #tpu.memory_space<vmem>> -> memref<1x64xi32, #tpu.memory_space<vmem>>
            %dma_start3A_239 = tpu.memref_squeeze %dma_start3A_238 : memref<1x64xi32, #tpu.memory_space<vmem>> -> memref<64xi32, #tpu.memory_space<vmem>>
            %dma_start3A_240 = arith.constant 0 : i32
            %dma_start3A_241 = arith.constant 0 : i32
            %dma_start3A_242 = tpu.memref_slice %arg3[%dma_start3A_240, %dma_start3A_241] : memref<10240x128xf32, #tpu.memory_space<hbm>> -> memref<10240x128xf32, #tpu.memory_space<hbm>>
            tpu.enqueue_indirect_dma source(%dma_start3A_242 : memref<10240x128xf32, #tpu.memory_space<hbm>>) target(%arg12 : memref<64x128xf32, #tpu.memory_space<vmem>>) offsets(%dma_start3A_239 : memref<64xi32, #tpu.memory_space<vmem>>) semaphore(%arg17 : memref<!tpu.dma_semaphore, #tpu.memory_space<semaphore_mem>>)
          } else {
          }
        }
        %scan3A_117 = arith.constant 8 : i32
      }
      %scan3A_34 = arith.constant 5 : i32
      %dma_wait3A = arith.constant 0 : i32
      %dma_wait3A_35 = arith.constant 0 : i32
      %dma_wait3A_36 = tpu.memref_slice %arg14[%dma_wait3A, %dma_wait3A_35] : memref<10240x128xf32, #tpu.memory_space<vmem_shared>> -> memref<64x128xf32, #tpu.memory_space<vmem_shared>>
      %dma_wait3A_37 = arith.constant 0 : i32
      %dma_wait3A_38 = arith.constant 0 : i32
      %dma_wait3A_39 = tpu.memref_slice %arg3[%dma_wait3A_37, %dma_wait3A_38] : memref<10240x128xf32, #tpu.memory_space<hbm>> -> memref<64x128xf32, #tpu.memory_space<hbm>>
      tpu.wait_dma2 semaphore(%arg19 : memref<!tpu.dma_semaphore, #tpu.memory_space<semaphore_mem>>) src(%dma_wait3A_39 : memref<64x128xf32, #tpu.memory_space<hbm>>) dst(%dma_wait3A_36 : memref<64x128xf32, #tpu.memory_space<vmem_shared>>)
      %dma_wait3A_40 = arith.constant 0 : i32
      %dma_wait3A_41 = arith.constant 0 : i32
      %dma_wait3A_42 = tpu.memref_slice %arg14[%dma_wait3A_40, %dma_wait3A_41] : memref<10240x128xf32, #tpu.memory_space<vmem_shared>> -> memref<64x128xf32, #tpu.memory_space<vmem_shared>>
      %dma_wait3A_43 = arith.constant 0 : i32
      %dma_wait3A_44 = arith.constant 0 : i32
      %dma_wait3A_45 = tpu.memref_slice %arg3[%dma_wait3A_43, %dma_wait3A_44] : memref<10240x128xf32, #tpu.memory_space<hbm>> -> memref<64x128xf32, #tpu.memory_space<hbm>>
      tpu.wait_dma2 semaphore(%arg20 : memref<!tpu.dma_semaphore, #tpu.memory_space<semaphore_mem>>) src(%dma_wait3A_45 : memref<64x128xf32, #tpu.memory_space<hbm>>) dst(%dma_wait3A_42 : memref<64x128xf32, #tpu.memory_space<vmem_shared>>)
      %dma_wait3A_46 = arith.constant 0 : i32
      %dma_wait3A_47 = arith.constant 0 : i32
      %dma_wait3A_48 = tpu.memref_slice %arg14[%dma_wait3A_46, %dma_wait3A_47] : memref<10240x128xf32, #tpu.memory_space<vmem_shared>> -> memref<64x128xf32, #tpu.memory_space<vmem_shared>>
      %dma_wait3A_49 = arith.constant 0 : i32
      %dma_wait3A_50 = arith.constant 0 : i32
      %dma_wait3A_51 = tpu.memref_slice %arg3[%dma_wait3A_49, %dma_wait3A_50] : memref<10240x128xf32, #tpu.memory_space<hbm>> -> memref<64x128xf32, #tpu.memory_space<hbm>>
      tpu.wait_dma2 semaphore(%arg21 : memref<!tpu.dma_semaphore, #tpu.memory_space<semaphore_mem>>) src(%dma_wait3A_51 : memref<64x128xf32, #tpu.memory_space<hbm>>) dst(%dma_wait3A_48 : memref<64x128xf32, #tpu.memory_space<vmem_shared>>)
      %dma_wait3A_52 = arith.constant 0 : i32
      %dma_wait3A_53 = arith.constant 0 : i32
      %dma_wait3A_54 = tpu.memref_slice %arg14[%dma_wait3A_52, %dma_wait3A_53] : memref<10240x128xf32, #tpu.memory_space<vmem_shared>> -> memref<64x128xf32, #tpu.memory_space<vmem_shared>>
      %dma_wait3A_55 = arith.constant 0 : i32
      %dma_wait3A_56 = arith.constant 0 : i32
      %dma_wait3A_57 = tpu.memref_slice %arg3[%dma_wait3A_55, %dma_wait3A_56] : memref<10240x128xf32, #tpu.memory_space<hbm>> -> memref<64x128xf32, #tpu.memory_space<hbm>>
      tpu.wait_dma2 semaphore(%arg22 : memref<!tpu.dma_semaphore, #tpu.memory_space<semaphore_mem>>) src(%dma_wait3A_57 : memref<64x128xf32, #tpu.memory_space<hbm>>) dst(%dma_wait3A_54 : memref<64x128xf32, #tpu.memory_space<vmem_shared>>)
    } else {
    }
    %barrier3A_19 = arith.constant 0 : index
    tpu.barrier barrier_id(%barrier3A_19)
    %eq3A_20 = arith.constant 0 : i32
    %eq3A_21 = arith.cmpi eq, %arg0, %eq3A_20 : i32
    %convert_element_type3A_22 = arith.extui %eq3A_21 : i1 to i32
    %cond3A_23 = arith.constant 0 : i32
    %cond3A_24 = arith.cmpi ne, %convert_element_type3A_22, %cond3A_23 : i32
    scf.if %cond3A_24 {
      "tpu.region"() ({
        %run_scoped3A = tpu.sem_alloc : memref<!tpu.dma_semaphore, #tpu.memory_space<semaphore_mem>>
        %dma_start3A = arith.constant 0 : i32
        %dma_start3A_30 = tpu.memref_slice %arg6[%mul3A_2, %dma_start3A] : memref<10240x128xf32, #tpu.memory_space<hbm>> -> memref<640x128xf32, #tpu.memory_space<hbm>>
        %dma_start3A_31 = arith.constant 0 : i32
        %dma_start3A_32 = tpu.memref_slice %arg14[%mul3A_2, %dma_start3A_31] : memref<10240x128xf32, #tpu.memory_space<vmem_shared>> -> memref<640x128xf32, #tpu.memory_space<vmem_shared>>
        tpu.enqueue_dma source(%dma_start3A_32 : memref<640x128xf32, #tpu.memory_space<vmem_shared>>) target(%dma_start3A_30 : memref<640x128xf32, #tpu.memory_space<hbm>>) target_semaphore(%run_scoped3A : memref<!tpu.dma_semaphore, #tpu.memory_space<semaphore_mem>>)
        %dma_wait3A = arith.constant 0 : i32
        %dma_wait3A_33 = tpu.memref_slice %arg6[%mul3A_2, %dma_wait3A] : memref<10240x128xf32, #tpu.memory_space<hbm>> -> memref<640x128xf32, #tpu.memory_space<hbm>>
        %dma_wait3A_34 = arith.constant 0 : i32
        %dma_wait3A_35 = tpu.memref_slice %arg14[%mul3A_2, %dma_wait3A_34] : memref<10240x128xf32, #tpu.memory_space<vmem_shared>> -> memref<640x128xf32, #tpu.memory_space<vmem_shared>>
        tpu.wait_dma2 semaphore(%run_scoped3A : memref<!tpu.dma_semaphore, #tpu.memory_space<semaphore_mem>>) src(%dma_wait3A_35 : memref<640x128xf32, #tpu.memory_space<vmem_shared>>) dst(%dma_wait3A_33 : memref<640x128xf32, #tpu.memory_space<hbm>>)
        tpu.yield
      }) : () -> ()
    } else {
    }
    %eq3A_25 = arith.constant 1 : i32
    %eq3A_26 = arith.cmpi eq, %arg0, %eq3A_25 : i32
    %convert_element_type3A_27 = arith.extui %eq3A_26 : i1 to i32
    %cond3A_28 = arith.constant 0 : i32
    %cond3A_29 = arith.cmpi ne, %convert_element_type3A_27, %cond3A_28 : i32
    scf.if %cond3A_29 {
      "tpu.region"() ({
        %run_scoped3A = tpu.sem_alloc : memref<!tpu.dma_semaphore, #tpu.memory_space<semaphore_mem>>
        %dma_start3A = arith.constant 0 : i32
        %dma_start3A_30 = tpu.memref_slice %arg7[%mul3A_2, %dma_start3A] : memref<10240x128xf32, #tpu.memory_space<hbm>> -> memref<640x128xf32, #tpu.memory_space<hbm>>
        %dma_start3A_31 = arith.constant 0 : i32
        %dma_start3A_32 = tpu.memref_slice %arg14[%mul3A_2, %dma_start3A_31] : memref<10240x128xf32, #tpu.memory_space<vmem_shared>> -> memref<640x128xf32, #tpu.memory_space<vmem_shared>>
        tpu.enqueue_dma source(%dma_start3A_32 : memref<640x128xf32, #tpu.memory_space<vmem_shared>>) target(%dma_start3A_30 : memref<640x128xf32, #tpu.memory_space<hbm>>) target_semaphore(%run_scoped3A : memref<!tpu.dma_semaphore, #tpu.memory_space<semaphore_mem>>)
        %dma_wait3A = arith.constant 0 : i32
        %dma_wait3A_33 = tpu.memref_slice %arg7[%mul3A_2, %dma_wait3A] : memref<10240x128xf32, #tpu.memory_space<hbm>> -> memref<640x128xf32, #tpu.memory_space<hbm>>
        %dma_wait3A_34 = arith.constant 0 : i32
        %dma_wait3A_35 = tpu.memref_slice %arg14[%mul3A_2, %dma_wait3A_34] : memref<10240x128xf32, #tpu.memory_space<vmem_shared>> -> memref<640x128xf32, #tpu.memory_space<vmem_shared>>
        tpu.wait_dma2 semaphore(%run_scoped3A : memref<!tpu.dma_semaphore, #tpu.memory_space<semaphore_mem>>) src(%dma_wait3A_35 : memref<640x128xf32, #tpu.memory_space<vmem_shared>>) dst(%dma_wait3A_33 : memref<640x128xf32, #tpu.memory_space<hbm>>)
        tpu.yield
      }) : () -> ()
    } else {
    }
    return
  }
}

module attributes {stable_mosaic.version = 14 : i64} {
  func.func @_dense1_body(%arg0: i32, %arg1: memref<512x128xf32, #tpu.memory_space<vmem>>, %arg2: memref<128x256xf32, #tpu.memory_space<vmem>>, %arg3: memref<1x256xf32, #tpu.memory_space<vmem>>, %arg4: memref<256x256xf32, #tpu.memory_space<vmem>>, %arg5: memref<512x256xf32, #tpu.memory_space<vmem>>) attributes {dimension_semantics = [#tpu.dimension_semantics<arbitrary>], iteration_bounds = array<i64: 20>, scalar_prefetch = 0 : i64, scratch_operands = 0 : i64, tpu.core_type = #tpu.core_type<tc>, window_params = [{transform_indices = @transform_0, window_bounds = array<i64: 512, 128>}, {pipeline_mode = #tpu.pipeline_mode<synchronous>, transform_indices = @transform_1, window_bounds = array<i64: 128, 256>}, {pipeline_mode = #tpu.pipeline_mode<synchronous>, transform_indices = @transform_2, window_bounds = array<i64: 1, 256>}, {pipeline_mode = #tpu.pipeline_mode<synchronous>, transform_indices = @transform_3, window_bounds = array<i64: 256, 256>}, {transform_indices = @transform_4, window_bounds = array<i64: 512, 256>}]} {
    %get3A = arith.constant 0 : index
    %get3A_0 = arith.constant 0 : index
    %get3A_1 = vector.load %arg1[%get3A, %get3A_0] : memref<512x128xf32, #tpu.memory_space<vmem>>, vector<512x128xf32>
    %get3A_2 = arith.constant 0 : index
    %get3A_3 = arith.constant 0 : index
    %get3A_4 = vector.load %arg2[%get3A_2, %get3A_3] : memref<128x256xf32, #tpu.memory_space<vmem>>, vector<128x256xf32>
    %dot_general3A = arith.constant dense<0.000000e+00> : vector<512x256xf32>
    %dot_general3A_5 = tpu.matmul %get3A_1, %get3A_4, %dot_general3A {dimension_numbers = #tpu.dot_dimension_numbers<[1], [0], [0], [1], [0, 0, 1, 1], [], []>, transpose_lhs_hint = false} : vector<512x128xf32>, vector<128x256xf32>, vector<512x256xf32> -> vector<512x256xf32>
    %get3A_6 = arith.constant 0 : index
    %get3A_7 = arith.constant 0 : index
    %get3A_8 = vector.load %arg3[%get3A_6, %get3A_7] : memref<1x256xf32, #tpu.memory_space<vmem>>, vector<1x256xf32>
    %add3A = vector.broadcast %get3A_8 : vector<1x256xf32> to vector<512x256xf32>
    %add3A_9 = arith.addf %dot_general3A_5, %add3A : vector<512x256xf32>
    %mul3A = arith.constant 2.000000e-01 : f32
    %mul3A_10 = vector.broadcast %mul3A : f32 to vector<512x256xf32>
    %mul3A_11 = arith.mulf %mul3A_10, %add3A_9 : vector<512x256xf32>
    %max3A = arith.maximumf %add3A_9, %mul3A_11 : vector<512x256xf32>
    %get3A_12 = arith.constant 0 : index
    %get3A_13 = arith.constant 0 : index
    %get3A_14 = vector.load %arg4[%get3A_12, %get3A_13] : memref<256x256xf32, #tpu.memory_space<vmem>>, vector<256x256xf32>
    %dot_general3A_15 = arith.constant dense<0.000000e+00> : vector<512x256xf32>
    %dot_general3A_16 = tpu.matmul %max3A, %get3A_14, %dot_general3A_15 {dimension_numbers = #tpu.dot_dimension_numbers<[1], [0], [0], [1], [0, 0, 1, 1], [], []>, transpose_lhs_hint = false} : vector<512x256xf32>, vector<256x256xf32>, vector<512x256xf32> -> vector<512x256xf32>
    %swap3A = arith.constant 0 : index
    %swap3A_17 = arith.constant 0 : index
    %swap3A_18 = vector.load %arg5[%swap3A, %swap3A_17] : memref<512x256xf32, #tpu.memory_space<vmem>>, vector<512x256xf32>
    tpu.vector_store %arg5[%swap3A, %swap3A_17], %dot_general3A_16 {strides = array<i32>} : memref<512x256xf32, #tpu.memory_space<vmem>>, vector<512x256xf32>,
    return
  }
  func.func @transform_0(%arg0: i32) -> (i32, i32) {
    %c0_i32 = arith.constant 0 : i32
    %c0_i32_0 = arith.constant 0 : i32
    return %arg0, %c0_i32 : i32, i32
  }
  func.func @transform_1(%arg0: i32) -> (i32, i32) {
    %c0_i32 = arith.constant 0 : i32
    %c0_i32_0 = arith.constant 0 : i32
    %c0_i32_1 = arith.constant 0 : i32
    return %c0_i32, %c0_i32_0 : i32, i32
  }
  func.func @transform_2(%arg0: i32) -> (i32, i32) {
    %c0_i32 = arith.constant 0 : i32
    %c0_i32_0 = arith.constant 0 : i32
    %c0_i32_1 = arith.constant 0 : i32
    return %c0_i32, %c0_i32_0 : i32, i32
  }
  func.func @transform_3(%arg0: i32) -> (i32, i32) {
    %c0_i32 = arith.constant 0 : i32
    %c0_i32_0 = arith.constant 0 : i32
    %c0_i32_1 = arith.constant 0 : i32
    return %c0_i32, %c0_i32_0 : i32, i32
  }
  func.func @transform_4(%arg0: i32) -> (i32, i32) {
    %c0_i32 = arith.constant 0 : i32
    %c0_i32_0 = arith.constant 0 : i32
    return %arg0, %c0_i32 : i32, i32
  }
}

module attributes {stable_mosaic.version = 14 : i64} {
  func.func @_scale_body(%arg0: i32, %arg1: memref<512x256xf32, #tpu.memory_space<vmem>>, %arg2: memref<512x16xf32, #tpu.memory_space<vmem>>, %arg3: memref<512x16xf32, #tpu.memory_space<vmem>>, %arg4: memref<512x128xf32, #tpu.memory_space<vmem>>, %arg5: memref<512x128xf32, #tpu.memory_space<vmem>>) attributes {dimension_semantics = [#tpu.dimension_semantics<arbitrary>], iteration_bounds = array<i64: 20>, scalar_prefetch = 0 : i64, scratch_operands = 0 : i64, tpu.core_type = #tpu.core_type<tc>, window_params = [{transform_indices = @transform_0, window_bounds = array<i64: 512, 256>}, {transform_indices = @transform_1, window_bounds = array<i64: 512, 16>}, {transform_indices = @transform_2, window_bounds = array<i64: 512, 16>}, {transform_indices = @transform_3, window_bounds = array<i64: 512, 128>}, {transform_indices = @transform_4, window_bounds = array<i64: 512, 128>}]} {
    %get3A = arith.constant 0 : index
    %get3A_0 = arith.constant 0 : index
    %get3A_1 = vector.load %arg1[%get3A, %get3A_0] : memref<512x256xf32, #tpu.memory_space<vmem>>, vector<512x256xf32>
    %get3A_2 = arith.constant 0 : index
    %get3A_3 = arith.constant 0 : index
    %get3A_4 = vector.load %arg2[%get3A_2, %get3A_3] : memref<512x16xf32, #tpu.memory_space<vmem>>, vector<512x1xf32>
    %get3A_5 = arith.constant 0 : index
    %get3A_6 = arith.constant 0 : index
    %get3A_7 = vector.load %arg3[%get3A_5, %get3A_6] : memref<512x16xf32, #tpu.memory_space<vmem>>, vector<512x1xf32>
    %add3A = arith.addf %get3A_4, %get3A_7 : vector<512x1xf32>
    %add3A_8 = arith.constant 1.000000e+00 : f32
    %add3A_9 = vector.broadcast %add3A_8 : f32 to vector<512x1xf32>
    %add3A_10 = arith.addf %add3A, %add3A_9 : vector<512x1xf32>
    %rsqrt3A = math.rsqrt %add3A_10 : vector<512x1xf32>
    %mul3A = vector.broadcast %rsqrt3A : vector<512x1xf32> to vector<512x256xf32>
    %mul3A_11 = arith.mulf %get3A_1, %mul3A : vector<512x256xf32>
    %slice3A = vector.extract_strided_slice %mul3A_11 {offsets = [0, 0], sizes = [512, 128], strides = [1, 1]} : vector<512x256xf32> to vector<512x128xf32>
    %swap3A = arith.constant 0 : index
    %swap3A_12 = arith.constant 0 : index
    %swap3A_13 = vector.load %arg4[%swap3A, %swap3A_12] : memref<512x128xf32, #tpu.memory_space<vmem>>, vector<512x128xf32>
    tpu.vector_store %arg4[%swap3A, %swap3A_12], %slice3A {strides = array<i32>} : memref<512x128xf32, #tpu.memory_space<vmem>>, vector<512x128xf32>,
    %slice3A_14 = vector.extract_strided_slice %mul3A_11 {offsets = [0, 128], sizes = [512, 128], strides = [1, 1]} : vector<512x256xf32> to vector<512x128xf32>
    %swap3A_15 = arith.constant 0 : index
    %swap3A_16 = arith.constant 0 : index
    %swap3A_17 = vector.load %arg5[%swap3A_15, %swap3A_16] : memref<512x128xf32, #tpu.memory_space<vmem>>, vector<512x128xf32>
    tpu.vector_store %arg5[%swap3A_15, %swap3A_16], %slice3A_14 {strides = array<i32>} : memref<512x128xf32, #tpu.memory_space<vmem>>, vector<512x128xf32>,
    return
  }
  func.func @transform_0(%arg0: i32) -> (i32, i32) {
    %c0_i32 = arith.constant 0 : i32
    %c0_i32_0 = arith.constant 0 : i32
    return %arg0, %c0_i32 : i32, i32
  }
  func.func @transform_1(%arg0: i32) -> (i32, i32) {
    %c0_i32 = arith.constant 0 : i32
    %c0_i32_0 = arith.constant 0 : i32
    return %arg0, %c0_i32 : i32, i32
  }
  func.func @transform_2(%arg0: i32) -> (i32, i32) {
    %c0_i32 = arith.constant 0 : i32
    %c0_i32_0 = arith.constant 0 : i32
    return %arg0, %c0_i32 : i32, i32
  }
  func.func @transform_3(%arg0: i32) -> (i32, i32) {
    %c0_i32 = arith.constant 0 : i32
    %c0_i32_0 = arith.constant 0 : i32
    return %arg0, %c0_i32 : i32, i32
  }
  func.func @transform_4(%arg0: i32) -> (i32, i32) {
    %c0_i32 = arith.constant 0 : i32
    %c0_i32_0 = arith.constant 0 : i32
    return %arg0, %c0_i32 : i32, i32
  }
}

module attributes {stable_mosaic.version = 14 : i64} {
  func.func @_final_body(%arg0: i32, %arg1: memref<512x128xf32, #tpu.memory_space<vmem>>, %arg2: memref<512x128xf32, #tpu.memory_space<vmem>>, %arg3: memref<512x128xf32, #tpu.memory_space<vmem>>, %arg4: memref<512x16xf32, #tpu.memory_space<vmem>>, %arg5: memref<512x16xf32, #tpu.memory_space<vmem>>, %arg6: memref<1x128xf32, #tpu.memory_space<vmem>>, %arg7: memref<512x128xf32, #tpu.memory_space<vmem>>) attributes {dimension_semantics = [#tpu.dimension_semantics<arbitrary>], iteration_bounds = array<i64: 20>, scalar_prefetch = 0 : i64, scratch_operands = 0 : i64, tpu.core_type = #tpu.core_type<tc>, window_params = [{transform_indices = @transform_0, window_bounds = array<i64: 512, 128>}, {transform_indices = @transform_1, window_bounds = array<i64: 512, 128>}, {transform_indices = @transform_2, window_bounds = array<i64: 512, 128>}, {transform_indices = @transform_3, window_bounds = array<i64: 512, 16>}, {transform_indices = @transform_4, window_bounds = array<i64: 512, 16>}, {pipeline_mode = #tpu.pipeline_mode<synchronous>, transform_indices = @transform_5, window_bounds = array<i64: 1, 128>}, {transform_indices = @transform_6, window_bounds = array<i64: 512, 128>}]} {
    %get3A = arith.constant 0 : index
    %get3A_0 = arith.constant 0 : index
    %get3A_1 = vector.load %arg1[%get3A, %get3A_0] : memref<512x128xf32, #tpu.memory_space<vmem>>, vector<512x128xf32>
    %get3A_2 = arith.constant 0 : index
    %get3A_3 = arith.constant 0 : index
    %get3A_4 = vector.load %arg2[%get3A_2, %get3A_3] : memref<512x128xf32, #tpu.memory_space<vmem>>, vector<512x128xf32>
    %add3A = arith.addf %get3A_1, %get3A_4 : vector<512x128xf32>
    %get3A_5 = arith.constant 0 : index
    %get3A_6 = arith.constant 0 : index
    %get3A_7 = vector.load %arg3[%get3A_5, %get3A_6] : memref<512x128xf32, #tpu.memory_space<vmem>>, vector<512x128xf32>
    %add3A_8 = arith.addf %add3A, %get3A_7 : vector<512x128xf32>
    %get3A_9 = arith.constant 0 : index
    %get3A_10 = arith.constant 0 : index
    %get3A_11 = vector.load %arg4[%get3A_9, %get3A_10] : memref<512x16xf32, #tpu.memory_space<vmem>>, vector<512x1xf32>
    %get3A_12 = arith.constant 0 : index
    %get3A_13 = arith.constant 0 : index
    %get3A_14 = vector.load %arg5[%get3A_12, %get3A_13] : memref<512x16xf32, #tpu.memory_space<vmem>>, vector<512x1xf32>
    %add3A_15 = arith.addf %get3A_11, %get3A_14 : vector<512x1xf32>
    %add3A_16 = arith.constant 1.000000e+00 : f32
    %add3A_17 = vector.broadcast %add3A_16 : f32 to vector<512x1xf32>
    %add3A_18 = arith.addf %add3A_15, %add3A_17 : vector<512x1xf32>
    %rsqrt3A = math.rsqrt %add3A_18 : vector<512x1xf32>
    %mul3A = vector.broadcast %rsqrt3A : vector<512x1xf32> to vector<512x128xf32>
    %mul3A_19 = arith.mulf %add3A_8, %mul3A : vector<512x128xf32>
    %get3A_20 = arith.constant 0 : index
    %get3A_21 = arith.constant 0 : index
    %get3A_22 = vector.load %arg6[%get3A_20, %get3A_21] : memref<1x128xf32, #tpu.memory_space<vmem>>, vector<1x128xf32>
    %add3A_23 = vector.broadcast %get3A_22 : vector<1x128xf32> to vector<512x128xf32>
    %add3A_24 = arith.addf %mul3A_19, %add3A_23 : vector<512x128xf32>
    %iota3A = tpu.iota {dimensions = array<i32: 1>} : vector<512x128xi32>
    %lt3A = arith.constant 40 : i32
    %lt3A_25 = vector.broadcast %lt3A : i32 to vector<512x128xi32>
    %lt3A_26 = arith.cmpi slt, %iota3A, %lt3A_25 : vector<512x128xi32>
    %jit3A = arith.constant 0xFF800000 : f32
    %broadcast_in_dim3A = vector.broadcast %jit3A : f32 to vector<512x128xf32>
    %select_n3A = arith.select %lt3A_26, %add3A_24, %broadcast_in_dim3A : vector<512x128xi1>, vector<512x128xf32>
    %reduce_max3A = arith.constant dense<0xFF800000> : vector<512xf32>
    %reduce_max3A_27 = vector.multi_reduction <maximumf>, %select_n3A, %reduce_max3A [1] : vector<512x128xf32> to vector<512xf32>
    %broadcast_in_dim3A_28 = vector.shape_cast %reduce_max3A_27 : vector<512xf32> to vector<512x1xf32>
    %sub3A = vector.broadcast %broadcast_in_dim3A_28 : vector<512x1xf32> to vector<512x128xf32>
    %sub3A_29 = arith.subf %add3A_24, %sub3A : vector<512x128xf32>
    %exp3A = math.exp %sub3A_29 : vector<512x128xf32>
    %jit3A_30 = arith.constant 0.000000e+00 : f32
    %broadcast_in_dim3A_31 = vector.broadcast %jit3A_30 : f32 to vector<512x128xf32>
    %select_n3A_32 = arith.select %lt3A_26, %exp3A, %broadcast_in_dim3A_31 : vector<512x128xi1>, vector<512x128xf32>
    %reduce_sum3A = arith.constant dense<0.000000e+00> : vector<512xf32>
    %reduce_sum3A_33 = vector.multi_reduction <add>, %select_n3A_32, %reduce_sum3A [1] : vector<512x128xf32> to vector<512xf32>
    %broadcast_in_dim3A_34 = vector.shape_cast %reduce_sum3A_33 : vector<512xf32> to vector<512x1xf32>
    %log3A = math.log %broadcast_in_dim3A_34 : vector<512x1xf32>
    %add3A_35 = arith.addf %log3A, %broadcast_in_dim3A_28 : vector<512x1xf32>
    %sub3A_36 = vector.broadcast %add3A_35 : vector<512x1xf32> to vector<512x128xf32>
    %sub3A_37 = arith.subf %add3A_24, %sub3A_36 : vector<512x128xf32>
    %swap3A = arith.constant 0 : index
    %swap3A_38 = arith.constant 0 : index
    %swap3A_39 = vector.load %arg7[%swap3A, %swap3A_38] : memref<512x128xf32, #tpu.memory_space<vmem>>, vector<512x128xf32>
    tpu.vector_store %arg7[%swap3A, %swap3A_38], %sub3A_37 {strides = array<i32>} : memref<512x128xf32, #tpu.memory_space<vmem>>, vector<512x128xf32>,
    return
  }
  func.func @transform_0(%arg0: i32) -> (i32, i32) {
    %c0_i32 = arith.constant 0 : i32
    %c0_i32_0 = arith.constant 0 : i32
    return %arg0, %c0_i32 : i32, i32
  }
  func.func @transform_1(%arg0: i32) -> (i32, i32) {
    %c0_i32 = arith.constant 0 : i32
    %c0_i32_0 = arith.constant 0 : i32
    return %arg0, %c0_i32 : i32, i32
  }
  func.func @transform_2(%arg0: i32) -> (i32, i32) {
    %c0_i32 = arith.constant 0 : i32
    %c0_i32_0 = arith.constant 0 : i32
    return %arg0, %c0_i32 : i32, i32
  }
  func.func @transform_3(%arg0: i32) -> (i32, i32) {
    %c0_i32 = arith.constant 0 : i32
    %c0_i32_0 = arith.constant 0 : i32
    return %arg0, %c0_i32 : i32, i32
  }
  func.func @transform_4(%arg0: i32) -> (i32, i32) {
    %c0_i32 = arith.constant 0 : i32
    %c0_i32_0 = arith.constant 0 : i32
    return %arg0, %c0_i32 : i32, i32
  }
  func.func @transform_5(%arg0: i32) -> (i32, i32) {
    %c0_i32 = arith.constant 0 : i32
    %c0_i32_0 = arith.constant 0 : i32
    %c0_i32_1 = arith.constant 0 : i32
    return %c0_i32, %c0_i32_0 : i32, i32
  }
  func.func @transform_6(%arg0: i32) -> (i32, i32) {
    %c0_i32 = arith.constant 0 : i32
    %c0_i32_0 = arith.constant 0 : i32
    return %arg0, %c0_i32 : i32, i32
  }
}

module attributes {stable_mosaic.version = 14 : i64} {
  func.func @_dense2_body(%arg0: i32, %arg1: memref<512x128xf32, #tpu.memory_space<vmem>>, %arg2: memref<512x128xf32, #tpu.memory_space<vmem>>, %arg3: memref<512x128xf32, #tpu.memory_space<vmem>>, %arg4: memref<512x128xf32, #tpu.memory_space<vmem>>, %arg5: memref<512x16xf32, #tpu.memory_space<vmem>>, %arg6: memref<512x16xf32, #tpu.memory_space<vmem>>, %arg7: memref<1x256xf32, #tpu.memory_space<vmem>>, %arg8: memref<256x128xf32, #tpu.memory_space<vmem>>, %arg9: memref<512x128xf32, #tpu.memory_space<vmem>>, %arg10: memref<512x128xf32, #tpu.memory_space<vmem>>) attributes {dimension_semantics = [#tpu.dimension_semantics<arbitrary>], iteration_bounds = array<i64: 20>, scalar_prefetch = 0 : i64, scratch_operands = 0 : i64, tpu.core_type = #tpu.core_type<tc>, window_params = [{transform_indices = @transform_0, window_bounds = array<i64: 512, 128>}, {transform_indices = @transform_1, window_bounds = array<i64: 512, 128>}, {transform_indices = @transform_2, window_bounds = array<i64: 512, 128>}, {transform_indices = @transform_3, window_bounds = array<i64: 512, 128>}, {transform_indices = @transform_4, window_bounds = array<i64: 512, 16>}, {transform_indices = @transform_5, window_bounds = array<i64: 512, 16>}, {pipeline_mode = #tpu.pipeline_mode<synchronous>, transform_indices = @transform_6, window_bounds = array<i64: 1, 256>}, {pipeline_mode = #tpu.pipeline_mode<synchronous>, transform_indices = @transform_7, window_bounds = array<i64: 256, 128>}, {transform_indices = @transform_8, window_bounds = array<i64: 512, 128>}, {transform_indices = @transform_9, window_bounds = array<i64: 512, 128>}]} {
    %get3A = arith.constant 0 : index
    %get3A_0 = arith.constant 0 : index
    %get3A_1 = vector.load %arg5[%get3A, %get3A_0] : memref<512x16xf32, #tpu.memory_space<vmem>>, vector<512x1xf32>
    %get3A_2 = arith.constant 0 : index
    %get3A_3 = arith.constant 0 : index
    %get3A_4 = vector.load %arg6[%get3A_2, %get3A_3] : memref<512x16xf32, #tpu.memory_space<vmem>>, vector<512x1xf32>
    %add3A = arith.addf %get3A_1, %get3A_4 : vector<512x1xf32>
    %add3A_5 = arith.constant 1.000000e+00 : f32
    %add3A_6 = vector.broadcast %add3A_5 : f32 to vector<512x1xf32>
    %add3A_7 = arith.addf %add3A, %add3A_6 : vector<512x1xf32>
    %rsqrt3A = math.rsqrt %add3A_7 : vector<512x1xf32>
    %get3A_8 = arith.constant 0 : index
    %get3A_9 = arith.constant 0 : index
    %get3A_10 = vector.load %arg1[%get3A_8, %get3A_9] : memref<512x128xf32, #tpu.memory_space<vmem>>, vector<512x128xf32>
    %get3A_11 = arith.constant 0 : index
    %get3A_12 = arith.constant 0 : index
    %get3A_13 = vector.load %arg3[%get3A_11, %get3A_12] : memref<512x128xf32, #tpu.memory_space<vmem>>, vector<512x128xf32>
    %add3A_14 = arith.addf %get3A_10, %get3A_13 : vector<512x128xf32>
    %get3A_15 = arith.constant 0 : index
    %get3A_16 = arith.constant 0 : index
    %get3A_17 = vector.load %arg2[%get3A_15, %get3A_16] : memref<512x128xf32, #tpu.memory_space<vmem>>, vector<512x128xf32>
    %get3A_18 = arith.constant 0 : index
    %get3A_19 = arith.constant 0 : index
    %get3A_20 = vector.load %arg4[%get3A_18, %get3A_19] : memref<512x128xf32, #tpu.memory_space<vmem>>, vector<512x128xf32>
    %add3A_21 = arith.addf %get3A_17, %get3A_20 : vector<512x128xf32>
    %concatenate3A = tpu.concatenate %add3A_14, %add3A_21 in 1 : vector<512x128xf32>, vector<512x128xf32> -> vector<512x256xf32>
    %mul3A = vector.broadcast %rsqrt3A : vector<512x1xf32> to vector<512x256xf32>
    %mul3A_22 = arith.mulf %concatenate3A, %mul3A : vector<512x256xf32>
    %get3A_23 = arith.constant 0 : index
    %get3A_24 = arith.constant 0 : index
    %get3A_25 = vector.load %arg7[%get3A_23, %get3A_24] : memref<1x256xf32, #tpu.memory_space<vmem>>, vector<1x256xf32>
    %add3A_26 = vector.broadcast %get3A_25 : vector<1x256xf32> to vector<512x256xf32>
    %add3A_27 = arith.addf %mul3A_22, %add3A_26 : vector<512x256xf32>
    %mul3A_28 = arith.constant 2.000000e-01 : f32
    %mul3A_29 = vector.broadcast %mul3A_28 : f32 to vector<512x256xf32>
    %mul3A_30 = arith.mulf %mul3A_29, %add3A_27 : vector<512x256xf32>
    %max3A = arith.maximumf %add3A_27, %mul3A_30 : vector<512x256xf32>
    %get3A_31 = arith.constant 0 : index
    %get3A_32 = arith.constant 0 : index
    %get3A_33 = vector.load %arg8[%get3A_31, %get3A_32] : memref<256x128xf32, #tpu.memory_space<vmem>>, vector<256x128xf32>
    %dot_general3A = arith.constant dense<0.000000e+00> : vector<512x128xf32>
    %dot_general3A_34 = tpu.matmul %max3A, %get3A_33, %dot_general3A {dimension_numbers = #tpu.dot_dimension_numbers<[1], [0], [0], [1], [0, 0, 1, 1], [], []>, transpose_lhs_hint = false} : vector<512x256xf32>, vector<256x128xf32>, vector<512x128xf32> -> vector<512x128xf32>
    %mul3A_35 = vector.broadcast %rsqrt3A : vector<512x1xf32> to vector<512x128xf32>
    %mul3A_36 = arith.mulf %dot_general3A_34, %mul3A_35 : vector<512x128xf32>
    %swap3A = arith.constant 0 : index
    %swap3A_37 = arith.constant 0 : index
    %swap3A_38 = vector.load %arg9[%swap3A, %swap3A_37] : memref<512x128xf32, #tpu.memory_space<vmem>>, vector<512x128xf32>
    tpu.vector_store %arg9[%swap3A, %swap3A_37], %mul3A_36 {strides = array<i32>} : memref<512x128xf32, #tpu.memory_space<vmem>>, vector<512x128xf32>,
    %swap3A_39 = arith.constant 0 : index
    %swap3A_40 = arith.constant 0 : index
    %swap3A_41 = vector.load %arg10[%swap3A_39, %swap3A_40] : memref<512x128xf32, #tpu.memory_space<vmem>>, vector<512x128xf32>
    tpu.vector_store %arg10[%swap3A_39, %swap3A_40], %mul3A_36 {strides = array<i32>} : memref<512x128xf32, #tpu.memory_space<vmem>>, vector<512x128xf32>,
    return
  }
  func.func @transform_0(%arg0: i32) -> (i32, i32) {
    %c0_i32 = arith.constant 0 : i32
    %c0_i32_0 = arith.constant 0 : i32
    return %arg0, %c0_i32 : i32, i32
  }
  func.func @transform_1(%arg0: i32) -> (i32, i32) {
    %c0_i32 = arith.constant 0 : i32
    %c0_i32_0 = arith.constant 0 : i32
    return %arg0, %c0_i32 : i32, i32
  }
  func.func @transform_2(%arg0: i32) -> (i32, i32) {
    %c0_i32 = arith.constant 0 : i32
    %c0_i32_0 = arith.constant 0 : i32
    return %arg0, %c0_i32 : i32, i32
  }
  func.func @transform_3(%arg0: i32) -> (i32, i32) {
    %c0_i32 = arith.constant 0 : i32
    %c0_i32_0 = arith.constant 0 : i32
    return %arg0, %c0_i32 : i32, i32
  }
  func.func @transform_4(%arg0: i32) -> (i32, i32) {
    %c0_i32 = arith.constant 0 : i32
    %c0_i32_0 = arith.constant 0 : i32
    return %arg0, %c0_i32 : i32, i32
  }
  func.func @transform_5(%arg0: i32) -> (i32, i32) {
    %c0_i32 = arith.constant 0 : i32
    %c0_i32_0 = arith.constant 0 : i32
    return %arg0, %c0_i32 : i32, i32
  }
  func.func @transform_6(%arg0: i32) -> (i32, i32) {
    %c0_i32 = arith.constant 0 : i32
    %c0_i32_0 = arith.constant 0 : i32
    %c0_i32_1 = arith.constant 0 : i32
    return %c0_i32, %c0_i32_0 : i32, i32
  }
  func.func @transform_7(%arg0: i32) -> (i32, i32) {
    %c0_i32 = arith.constant 0 : i32
    %c0_i32_0 = arith.constant 0 : i32
    %c0_i32_1 = arith.constant 0 : i32
    return %c0_i32, %c0_i32_0 : i32, i32
  }
  func.func @transform_8(%arg0: i32) -> (i32, i32) {
    %c0_i32 = arith.constant 0 : i32
    %c0_i32_0 = arith.constant 0 : i32
    return %arg0, %c0_i32 : i32, i32
  }
  func.func @transform_9(%arg0: i32) -> (i32, i32) {
    %c0_i32 = arith.constant 0 : i32
    %c0_i32_0 = arith.constant 0 : i32
    return %arg0, %c0_i32 : i32, i32
  }
}

</mosaic_0001>

<sc_bundles>
// kernel: kernel.12.cloned.1.call-start
scs
__scs_entry_jumppad:
0x0: {  	(pc) =	sbr.rel $0x88, $3  }
0x1: {  	(tag) =	ssettag $0x0;
	lr =	simm.s32 $0x1  }
0x2: {  	[smem:$0x3F99] =	sst lr;
	_ =	strace $0xD0000000  }
0x3: {  	_ = 	snop  }
0x4: {  	_ = 	snop  }
0x5: {  	_ = 	snop  }
0x6: {  	_ = 	snop  }
0x7: {  	_ = 	snop  }
__scs_overlays_trampoline_lowered:
0x8: {  	[smem:$0x3FA8] =	sst s0  }
0x9: {  	[smem:$0x3FA9] =	sst s1  }
0xa: {  	[smem:$0x3FAA] =	sst s2  }
0xb: {  	[smem:$0x3FAB] =	sst s3  }
0xc: {  	[smem:$0x3FAC] =	sst s4  }
0xd: {  	[smem:$0x3FAD] =	sst s5  }
0xe: {  	[smem:$0x3FAE] =	sst s6  }
0xf: {  	[smem:$0x3FAF] =	sst s7  }
0x10: {  	[smem:$0x3FB0] =	sst s8  }
0x11: {  	[smem:$0x3FB1] =	sst s9;
	s0 =	simm.s32 @!p0 $0x0  }
0x12: {  	s1 =	sld [smem:$0x3F97];
	s0 =	simm.s32 @p0 $0x1  }
0x13: {  	[smem:$0x3FB2] =	sst s0;
	s0 =	simm.s32 @!p1 $0x0  }
0x14: {  	s2 =	sld [smem:$0x3F96];
	s0 =	simm.s32 @p1 $0x1  }
0x15: {  	[smem:$0x3FB3] =	sst s0;
	s0 =	simm.s32 @!p2 $0x0  }
0x16: {  	s3 =	sld [smem:$0x3FDB];
	s0 =	simm.s32 @p2 $0x1  }
0x17: {  	s4 =	simm.s32 $0x1BF5;
	[smem:$0x3FB5] =	sst s0  }
0x18: {  	s0 =	sld [smem:$0x3F98];
	_ =	swait.ge [sflag:s4], $0x0  }
0x19: {  	s7 =	sld [smem:$0x3F99]  }
0x1a: {  	s8 =	sadd.s32 $0xFFFFE003, lr  }
0x1b: {  	s9 =	sadd.s32 $0xFFFFFEF7, lr;
	s5 =	simm.s32 $0xFFFFFFFF;
	p2 =	slt.u32 s8, $0xFFFFF086  }
0x1c: {  	p1 =	slt.u32 s9, $0xF7A;
	s5 =	simm.s32 @!p2 $0x0  }
0x1d: {  	s5 =	simm.s32 @p1 $0x1;
	p0 =	seq.s32 s7, s2  }
0x1e: {  	s7 =	smul.u32 @!p0 $0xF7A, s2;
	p2 =	seq.s32 @!p0 s5, $0x0  }
0x1f: {  	s9 =	smul.u32 $0xF7A, s1;
	s8 =	simm.s32 @!p0 $0x1BF5;
	p2 =	por !p2, p0  }
0x20: {  	[sflag:s8] =	ssyncset.s32 @!p0 $0xFFFFF086;
	s6 =	sadd.s32 @!p0 s3, s7;
	s7 =	simm.s32 @!p0 $0x108  }
0x21: {  	s3 =	sadd.s32 s3, s9;
	s6 =	sadd.s32 @!p0 $0x88, s6;
	s7 =	simm.s32 @p2 $0x1082  }
0x22: {  	[simem:s7], [sflag:s8] =	dma.local @!p0 [hbm:s6], $0xF7A  }
0x23: {  	s9 =	sor.u32 $0xD0000000, s2;
	s6 =	simm.s32 $0x108;
	_ =	swait.ge @!p0 [sflag:s8], $0x0  }
0x24: {  	s3 =	sadd.s32 $0x88, s3;
	s6 =	simm.s32 @!p1 $0x1082;
	[sflag:s4] =	ssyncset.s32 $0xFFFFF086  }
0x25: {  	[simem:s6], [sflag:s4] =	dma.local [hbm:s3], $0xF7A  }
0x26: {  	[smem:$0x3F99] =	sst s1;
	(tag) =	ssettag s2;
	_ =	strace s9  }
0x27: {  	s1 =	sld [smem:$0x3FA9]  }
0x28: {  	s2 =	sld [smem:$0x3FAA]  }
0x29: {  	s4 =	sld [smem:$0x3FAC]  }
0x2a: {  	p0 =	seq.s32 s5, $0x0;
	s5 =	sld [smem:$0x3FAD]  }
0x2b: {  	s6 =	sld [smem:$0x3FAE]  }
0x2c: {  	s7 =	sld [smem:$0x3FAF]  }
0x2d: {  	s3 =	simm.s32 $0x108;
	s8 =	sld [smem:$0x3FB0]  }
0x2e: {  	s3 =	simm.s32 @!p0 $0x1082;
	s9 =	sld [smem:$0x3FB1]  }
0x2f: {  	lr =	sadd.s32 s0, s3;
	s0 =	sld [smem:$0x3FA8]  }
0x30: {  	s3 =	sld [smem:$0x3FAB]  }
0x31: {  	[smem:$0x3FB4] =	sst s10  }
0x32: {  	s10 =	sld [smem:$0x3FB2];
	_ =	sdelay $0x3  }
0x33: {  	p0 =	seq.s32 s10, $0x1;
	s10 =	sld [smem:$0x3FB4];
	_ =	sdelay $0x3  }
0x34: {  	[smem:$0x3FB4] =	sst s10  }
0x35: {  	s10 =	sld [smem:$0x3FB3];
	_ =	sdelay $0x3  }
0x36: {  	p1 =	seq.s32 s10, $0x1;
	s10 =	sld [smem:$0x3FB4];
	_ =	sdelay $0x3  }
0x37: {  	[smem:$0x3FB4] =	sst s10  }
0x38: {  	s10 =	sld [smem:$0x3FB5]  }
0x39: {  	_ = 	snop;
	(pc) =	sbr.ind lr, $3  }
0x3a: {  	_ = 	snop  }
0x3b: {  	_ = 	snop  }
0x3c: {  	p2 =	seq.s32 s10, $0x1;
	s10 =	sld [smem:$0x3FB4]  }
0x3d: {  	_ =	shalt  }
0x3e: {  	_ =	shalt  }
0x3f: {  	_ =	shalt  }
0x40: {  	_ =	shalt  }
0x41: {  	_ =	shalt  }
0x42: {  	_ =	shalt  }
0x43: {  	_ =	shalt  }
0x44: {  	_ =	shalt  }
0x45: {  	_ =	shalt  }
0x46: {  	_ =	shalt  }
0x47: {  	_ =	shalt  }
0x48: {  	_ =	shalt  }
0x49: {  	_ =	shalt  }
0x4a: {  	_ =	shalt  }
0x4b: {  	_ =	shalt  }
0x4c: {  	_ =	shalt  }
0x4d: {  	_ =	shalt  }
0x4e: {  	_ =	shalt  }
0x4f: {  	_ =	shalt  }
0x50: {  	_ =	shalt  }
0x51: {  	_ =	shalt  }
0x52: {  	_ =	shalt  }
0x53: {  	_ =	shalt  }
0x54: {  	_ =	shalt  }
0x55: {  	_ =	shalt  }
0x56: {  	_ =	shalt  }
0x57: {  	_ =	shalt  }
0x58: {  	_ =	shalt  }
0x59: {  	_ =	shalt  }
0x5a: {  	_ =	shalt  }
0x5b: {  	_ =	shalt  }
0x5c: {  	_ =	shalt  }
0x5d: {  	_ =	shalt  }
0x5e: {  	_ =	shalt  }
0x5f: {  	_ =	shalt  }
0x60: {  	_ =	shalt  }
0x61: {  	_ =	shalt  }
0x62: {  	_ =	shalt  }
0x63: {  	_ =	shalt  }
0x64: {  	_ =	shalt  }
0x65: {  	_ =	shalt  }
0x66: {  	_ =	shalt  }
0x67: {  	_ =	shalt  }
0x68: {  	_ =	shalt  }
0x69: {  	_ =	shalt  }
0x6a: {  	_ =	shalt  }
0x6b: {  	_ =	shalt  }
0x6c: {  	_ =	shalt  }
0x6d: {  	_ =	shalt  }
0x6e: {  	_ =	shalt  }
0x6f: {  	_ =	shalt  }
0x70: {  	_ =	shalt  }
0x71: {  	_ =	shalt  }
0x72: {  	_ =	shalt  }
0x73: {  	_ =	shalt  }
0x74: {  	_ =	shalt  }
0x75: {  	_ =	shalt  }
0x76: {  	_ =	shalt  }
0x77: {  	_ =	shalt  }
0x78: {  	_ =	shalt  }
0x79: {  	_ =	shalt  }
0x7a: {  	_ =	shalt  }
0x7b: {  	_ =	shalt  }
0x7c: {  	_ =	shalt  }
0x7d: {  	_ =	shalt  }
0x7e: {  	_ =	shalt  }
0x7f: {  	_ =	shalt  }
0x80: {  	_ =	shalt  }
0x81: {  	_ =	shalt  }
0x82: {  	_ =	shalt  }
0x83: {  	_ =	shalt  }
0x84: {  	_ =	shalt  }
0x85: {  	_ =	shalt  }
0x86: {  	_ =	shalt  }
0x87: {  	_ =	shalt  }
.Lfunc_end0:
.L_simem_size_0:
called_computation.1_lowered:
.L_overlay_start_0:
0x88: {  	s2 =	sld [smem:$0x3FD9]  }
0x89: {  	s3 =	sld [smem:$0x3FFE];
	_ =	sdelay $0x1  }
0x8a: {  	s1 =	srdreg.scid  }
0x8b: {  	s0 =	sand.u32 $0x1, s1  }
0x8c: {  	s16 =	sshll.u32 s0, $0xA;
	s2 =	sadd.s32 s3, s2  }
0x8d: {  	s2 =	sadd.s32 s2, s16  }
0x8e: {  	[smem:$0x3FC0] =	sst s2  }
0x8f: {  	_ = 	snop  }
0x90: {  	(tm) =	ssettm $0x1  }
0x91: {  	s17 =	sld [smem:$0x3FFB];
	_ =	sdelay $0x3  }
0x92: {  	_ =	strace s17  }
0x93: {  	s2 =	sld [smem:$0x3FFC];
	_ =	sdelay $0x3  }
0x94: {  	_ =	strace s2  }
0x95: {  	s2 =	sld [smem:$0x3FFD];
	_ =	sdelay $0x3  }
0x96: {  	_ =	strace s2  }
0x97: {  	_ =	strace $0x8FFFFFFF  }
0x98: {  	s18 =	sld [smem:$0x3FDB];
	_ =	sdelay $0x1  }
0x99: {  	s19 =	simm.s32 $_scs_section_size  }
0x9a: {  	s4 =	simm.s32 $_size__tile_overlayer_lowered;
	s5 =	simm.s32 $_tile_overlayer_lowered  }
0x9b: {  	s22 =	simm.s32 $0x1BFF;
	s21 =	sshll.u32 s5, $0x1;
	s2 =	sadd.s32 s19, s18  }
0x9c: {  	s6 =	simm.s32 $0x0;
	s20 =	sshll.u32 s4, $0x1;
	s4 =	sadd.s32 s21, s2  }
0x9d: {  	[timem:s6], [sflag:s22] =	dma.local [hbm:s4], s20  }
0x9e: {  	_ =	swait.ge [sflag:s22], s20  }
0x9f: {  	s3 =	ssub.s32 $0x0, s20;
	[sflag:s22] =	ssyncset.done $0x0  }
0xa0: {  	[sflag:s22] =	ssyncadd.s32 s3;
	_ =	sdelay $0x1  }
0xa1: {  	s23 =	simm.s32 $0x1B8B  }
0xa2: {  	_ =	swait.ge [sflag:s23], $0x1  }
0xa3: {  	[sflag:s23] =	ssyncset.done $0x0  }
0xa4: {  	s25 =	simm.s32 $0x1B8E;
	s24 =	sld [smem:$0x3FFE];
	[sflag:s23] =	ssyncadd.s32 $0xFFFFFFFF  }
0xa5: {  	s26 =	simm.s32 $execute0_lowered;
	[smem:$0x3FD2] =	sst s25  }
0xa6: {  	s4 =	sshll.u32 s26, $0x1;
	_ =	strace $0x80000049;
	[dreg:$0x1] =	wrdreg $0xFFFFFFFF  }
0xa7: {  	s28 =	simm.s32 $_size_execute0_lowered;
	s2 =	sadd.s32 s2, s4;
	[dreg:$0x0] =	wrdreg $0x0  }
0xa8: {  	s4 =	sshll.u32 s28, $0x1;
	[dreg:$0x2] =	wrdreg s2  }
0xa9: {  	[dreg:$0x3] =	wrdreg s4  }
0xaa: {  	[dreg:$0x4] =	wrdreg $0xC0  }
0xab: {  	_ =	task [dreg:s6], $0x5FFFF  }
0xac: {  	[dreg:$0x1] =	wrdreg $0xFFFFFFFF  }
0xad: {  	[dreg:$0x0] =	wrdreg $0x60  }
0xae: {  	[dreg:$0x2] =	wrdreg s24  }
0xaf: {  	[dreg:$0x3] =	wrdreg $0xA0000  }
0xb0: {  	[dreg:$0x4] =	wrdreg $0x9  }
0xb1: {  	_ =	task.clear_ibuf [dreg:s6], $0x5FFFF;
	_ =	strace $0x90000049  }
0xb2: {  	s29 =	simm.s32 $0x9;
	_ =	strace $0x8000004B  }
0xb3: {  	_ =	swait.ge [sflag:s29], $0x1  }
0xb4: {  	[sflag:s29] =	ssyncadd.s32 $0xFFFFFFFF  }
0xb5: {  	_ =	strace $0x9000004B  }
0xb6: {  	_ =	sfence  }
0xb7: {  	s30 =	sld [smem:$0x0];
	_ =	sdelay $0x2  }
0xb8: {  	s31 =	sshll.u32 s1, $0xD;
	s1 =	sshrl.u32 s1, $0x2  }
0xb9: {  	s3 =	sand.u32 $0x4000, s31;
	s1 =	sadd.s32 s1, s30  }
0xba: {  	s0 =	sor.u32 s3, s0;
	s1 =	sshll.u32 s1, $0x11  }
0xbb: {  	s0 =	sor.u32 s1, s0  }
0xbc: {  	s0 =	sadd.s32 $0x8F2B, s0  }
0xbd: {  	[sflag:s0] =	ssyncadd.remote.s32 $0x1  }
0xbe: {  	_ =	sfence.sel $0xFFFF  }
0xbf: {  	[dreg:$0x0] =	wrdreg $0xFFFFFFFF;
	(pc) =	sbr.abs _section_cstart, $3  }
0xc0: {  	[dreg:$0x1] =	wrdreg $0xFFFFFFFF  }
0xc1: {  	_ =	task.clear_ibuf [dreg:s6], $0x2FFFF;
	_ =	strace $0x9FFFFFFF  }
0xc2: {  	(tm) =	ssettm $0x7FFFFFFF  }
0xc3: {  	_ =	shalt  }
tec
execute0_lowered:
.L_overlay_start_1:
0x0: {  	(tag) =	ssettag $0x1  }
0x1: {  	s0 =	rddreg [dreg:$0x0]  }
0x2: {  	s1 =	rddreg [dreg:$0x1];
	s2 =	simm.s32 $0x0  }
0x3: {  	s3 =	srdreg.scid;
	s11 =	stileid.u32;
	s29 =	simm.s32 $0x8000  }
0x4: {  	s30 =	simm.s32 $0x1;
	s31 =	simm.s32 $0x2;
	[smem:$0x7FF] =	sst s2  }
0x5: {  	s4 =	sadd.s32 $0x7C200, s0;
	s5 =	sadd.s32 $0xA4200, s0;
	s6 =	sadd.s32 $0x68200, s0  }
0x6: {  	s3 =	sand.u32 $0x1, s3;
	s7 =	sadd.s32 $0x54200, s0;
	s9 =	smul.u32 $0x50000, s11  }
0x7: {  	s10 =	sadd.s32 $0xCC200, s0;
	s0 =	sadd.s32 $0xF4200, s0;
	s18 =	smul.u32 $0x2800, s11  }
0x8: {  	_ =	strace $0x8000004A;
	s8 =	ssub.s32 $0x2, s3;
	[dreg:$0x3] =	wrdreg s10  }
0x9: {  	[dreg:$0x4] =	wrdreg s0;
	s16 =	sshrl.u32 s8, $0x1;
	s17 =	sshrl.u32 s9, $0x2  }
0xa: {  	[dreg:$0x6] =	wrdreg s18;
	s0 =	ssub.s32 s8, s16;
	s13 =	sadd.s32 s17, s1  }
0xb: {  	s12 =	simm.s32 $0x3;
	s0 =	smax.u32 s0, $0x1;
	[dreg:$0x5] =	wrdreg s13  }
0xc: {  	s14 =	simm.s32 $0x6000;
	s19 =	sadd.s32 $0x2000, s13;
	[dreg:$0x7] =	wrdreg s0  }
0xd: {  	s15 =	simm.s32 $0x6;
	s20 =	sadd.s32 $0x4000, s13;
	[dreg:$0x8] =	wrdreg s19  }
0xe: {  	s10 =	smul.u32 $0xA000, s11;
	s21 =	sadd.s32 $0x6000, s13;
	[dreg:$0x9] =	wrdreg s20  }
0xf: {  	p0 =	sne.s32 s3, $0x0;
	s22 =	sadd.s32 $0x8000, s13;
	[dreg:$0xa] =	wrdreg s21  }
0x10: {  	s9 =	simm.s32 $0x5;
	s23 =	sadd.s32 $0xA000, s13;
	[dreg:$0xb] =	wrdreg s22  }
0x11: {  	s18 =	simm.s32 $0x1180;
	s24 =	sadd.s32 $0xC000, s13;
	[dreg:$0xc] =	wrdreg s23  }
0x12: {  	s8 =	simm.s32 $0x4000;
	s25 =	sadd.s32 $0xE000, s13;
	[dreg:$0xd] =	wrdreg s24  }
.Ltmp0:
0x13: {  	s26 =	sadd.s32 $0x10000, s13;
	[dreg:$0xe] =	wrdreg s25;
	(pc) =	sbr.rel .LBB2_1-.Ltmp0, $4  }
0x14: {  	s17 =	simm.s32 $0x4;
	s28 =	sadd.s32 $0x12000, s13;
	[dreg:$0xf] =	wrdreg s26  }
0x15: {  	s16 =	simm.s32 $0x0;
	[dreg:$0x10] =	wrdreg s28;
	s23 =	simm.s32 $0x2000  }
0x16: {  	s24 =	simm.s32 $0x9;
	s25 =	simm.s32 $0x1000;
	s26 =	simm.s32 $0x40  }
0x17: {  	v0 =	vimm.f32 $0.0e+00;
	s19 =	simm.s32 $0x7;
	s20 =	simm.s32 $0x300;
	s21 =	simm.s32 $0x8  }
.LBB2_13:
0x18: {  	s11 =	rddreg [dreg:$0x4]  }
0x19: {  	s16 =	rddreg [dreg:$0x11]  }
.LBB2_14:
0x1a: {  	_ =	swait.ge [sflag:s9], $0x400  }
0x1b: {  	[sflag:s9] =	ssyncset.done $0x0  }
0x1c: {  	[sflag:s9] =	ssyncadd.s32 $0xFFFFFC00  }
0x1d: {  	_ =	swait.ge [sflag:s15], $0x400  }
0x1e: {  	[sflag:s15] =	ssyncset.done $0x0  }
0x1f: {  	[sflag:s15] =	ssyncadd.s32 $0xFFFFFC00  }
0x20: {  	_ =	swait.ge [sflag:s19], $0x400  }
0x21: {  	[sflag:s19] =	ssyncset.done $0x0  }
0x22: {  	[sflag:s19] =	ssyncadd.s32 $0xFFFFFC00  }
0x23: {  	_ =	swait.ge [sflag:s21], $0x400  }
0x24: {  	[sflag:s21] =	ssyncset.done $0x0  }
0x25: {  	[sflag:s21] =	ssyncadd.s32 $0xFFFFFC00  }
0x26: {  	s3 =	stileid.u32;
	s0 =	rddreg [dreg:$0x6];
	[bflag:$0x0] =	sbarrier.arrive $0xFFFF  }
0x27: {  	s3 =	sshll.u32 s3, $0x6;
	s13 =	rddreg [dreg:$0x5]  }
0x28: {  	s3 =	sor.u32 $0x1C09, s3;
	s0 =	sadd.s32 s11, s0;
	s22 =	sshrl.u32 s13, $0x3  }
0x29: {  	[hbm:s0], [sflag:s3] =	dma.local [spmem:s22], $0x2800  }
0x2a: {  	_ =	swait.ge [sflag:s24], $0x2800  }
0x2b: {  	s16 =	sadd.s32 $0x1, s16;
	s28 =	rddreg [dreg:$0x7]  }
0x2c: {  	p1 =	sne.s32 s16, s28  }
.Ltmp1:
0x2d: {  	_ = 	snop;
	(pc) =	sbr.rel @!p1 .LBB2_15-.Ltmp1, $3  }
0x2e: {  	_ =	sdelay $0x1  }
0x2f: {  	[sflag:s24] =	ssyncset.done $0x0  }
0x30: {  	[sflag:s24] =	ssyncadd.s32 $0xFFFFD800  }
.LBB2_1:
0x31: {  	[dreg:$0x11] =	wrdreg s16;
	s11 =	simm.s32 $0x0;
	s22 =	simm.s32 $0x200  }
.LBB2_2:
0x32: {  	p1 =	sne.s32 s22, $0x7E00;
	[tilespmem:s11+$0x2070] =	vst v0  }
0x33: {  	[tilespmem:s11+$0x2000] =	vst v0  }
0x34: {  	[tilespmem:s11+$0x2010] =	vst v0  }
.Ltmp2:
0x35: {  	[tilespmem:s11+$0x2020] =	vst v0;
	(pc) =	sbr.rel @p1 .LBB2_2-.Ltmp2, $4  }
0x36: {  	[tilespmem:s11+$0x2030] =	vst v0  }
0x37: {  	[tilespmem:s11+$0x2040] =	vst v0  }
0x38: {  	[tilespmem:s11+$0x2050] =	vst v0  }
0x39: {  	[tilespmem:s11+$0x2060] =	vst v0;
	s11 =	sshra.s32 s22, $0x2;
	s22 =	sadd.s32 $0x200, s22  }
0x3a: {  	[tilespmem:s11+$0x2070] =	vst v0  }
0x3b: {  	[tilespmem:s11+$0x2000] =	vst v0  }
0x3c: {  	[tilespmem:s11+$0x2010] =	vst v0  }
0x3d: {  	[tilespmem:s11+$0x2020] =	vst v0  }
0x3e: {  	[tilespmem:s11+$0x2030] =	vst v0  }
0x3f: {  	[tilespmem:s11+$0x2040] =	vst v0  }
0x40: {  	[tilespmem:s11+$0x2050] =	vst v0  }
0x41: {  	[tilespmem:s11+$0x2060] =	vst v0  }
0x42: {  	[spmem:s13] =	stream.linear.scatter [tilespmem:s23], [sflag:$0x9], $0x2000, $0x38;
	[tilespmem:$0x1E000] =	vst v63  }
0x43: {  	_ =	swait.ge [sflag:s24], $0x2000  }
0x44: {  	[sflag:s24] =	ssyncset.done $0x0  }
0x45: {  	s0 =	rddreg [dreg:$0x8];
	[sflag:s24] =	ssyncadd.s32 $0xFFFFE000  }
0x46: {  	[spmem:s0] =	stream.linear.scatter [tilespmem:s23], [sflag:$0x9], $0x2000, $0x38;
	[tilespmem:$0x1E000] =	vst v63  }
0x47: {  	_ =	swait.ge [sflag:s24], $0x2000  }
0x48: {  	[sflag:s24] =	ssyncset.done $0x0  }
0x49: {  	s22 =	rddreg [dreg:$0x9];
	[sflag:s24] =	ssyncadd.s32 $0xFFFFE000  }
0x4a: {  	[spmem:s22] =	stream.linear.scatter [tilespmem:s23], [sflag:$0x9], $0x2000, $0x38;
	[tilespmem:$0x1E000] =	vst v63  }
0x4b: {  	_ =	swait.ge [sflag:s24], $0x2000  }
0x4c: {  	[sflag:s24] =	ssyncset.done $0x0  }
0x4d: {  	s28 =	rddreg [dreg:$0xa];
	[sflag:s24] =	ssyncadd.s32 $0xFFFFE000  }
0x4e: {  	[spmem:s28] =	stream.linear.scatter [tilespmem:s23], [sflag:$0x9], $0x2000, $0x38;
	[tilespmem:$0x1E000] =	vst v63  }
0x4f: {  	_ =	swait.ge [sflag:s24], $0x2000  }
0x50: {  	[sflag:s24] =	ssyncset.done $0x0  }
0x51: {  	s3 =	rddreg [dreg:$0xb];
	[sflag:s24] =	ssyncadd.s32 $0xFFFFE000  }
0x52: {  	[spmem:s3] =	stream.linear.scatter [tilespmem:s23], [sflag:$0x9], $0x2000, $0x38;
	[tilespmem:$0x1E000] =	vst v63  }
0x53: {  	_ =	swait.ge [sflag:s24], $0x2000  }
0x54: {  	[sflag:s24] =	ssyncset.done $0x0  }
0x55: {  	s11 =	rddreg [dreg:$0xc];
	[sflag:s24] =	ssyncadd.s32 $0xFFFFE000  }
0x56: {  	[spmem:s11] =	stream.linear.scatter [tilespmem:s23], [sflag:$0x9], $0x2000, $0x38;
	[tilespmem:$0x1E000] =	vst v63  }
0x57: {  	_ =	swait.ge [sflag:s24], $0x2000  }
0x58: {  	[sflag:s24] =	ssyncset.done $0x0  }
0x59: {  	s13 =	rddreg [dreg:$0xd];
	[sflag:s24] =	ssyncadd.s32 $0xFFFFE000  }
0x5a: {  	[spmem:s13] =	stream.linear.scatter [tilespmem:s23], [sflag:$0x9], $0x2000, $0x38;
	[tilespmem:$0x1E000] =	vst v63  }
0x5b: {  	_ =	swait.ge [sflag:s24], $0x2000  }
0x5c: {  	[sflag:s24] =	ssyncset.done $0x0  }
0x5d: {  	s16 =	rddreg [dreg:$0xe];
	[sflag:s24] =	ssyncadd.s32 $0xFFFFE000  }
0x5e: {  	[spmem:s16] =	stream.linear.scatter [tilespmem:s23], [sflag:$0x9], $0x2000, $0x38;
	[tilespmem:$0x1E000] =	vst v63  }
0x5f: {  	_ =	swait.ge [sflag:s24], $0x2000  }
0x60: {  	[sflag:s24] =	ssyncset.done $0x0  }
0x61: {  	s22 =	rddreg [dreg:$0xf];
	[sflag:s24] =	ssyncadd.s32 $0xFFFFE000  }
0x62: {  	[spmem:s22] =	stream.linear.scatter [tilespmem:s23], [sflag:$0x9], $0x2000, $0x38;
	[tilespmem:$0x1E000] =	vst v63  }
0x63: {  	_ =	swait.ge [sflag:s24], $0x2000  }
0x64: {  	[sflag:s24] =	ssyncset.done $0x0  }
0x65: {  	s28 =	rddreg [dreg:$0x10];
	[sflag:s24] =	ssyncadd.s32 $0xFFFFE000  }
0x66: {  	[spmem:s28] =	stream.linear.scatter [tilespmem:s23], [sflag:$0x9], $0x2000, $0x38;
	[tilespmem:$0x1E000] =	vst v63  }
.Ltmp3:
0x67: {  	_ =	swait.ge [sflag:s24], $0x2000;
	(pc) =	sbr.rel @p0 .LBB2_9-.Ltmp3, $4  }
.Ltmp4:
0x68: {  	[sflag:s24] =	ssyncset.done $0x0;
	(pc) =	sbr.rel @!p0 .LBB2_4-.Ltmp4, $4  }
0x69: {  	[sflag:s24] =	ssyncadd.s32 $0xFFFFE000  }
0x6a: {  	[bflag:$0x0] =	sbarrier.arrive $0xFFFF  }
0x6b: {  	s11 =	simm.s32 $0x0  }
0x6c: {  	_ = 	snop  }
.LBB2_7:
0x6d: {  	s11 =	sadd.s32 $0x1, s11  }
0x6e: {  	p1 =	seq.s32 s11, $0xA  }
.Ltmp5:
0x6f: {  	_ = 	snop;
	(pc) =	sbr.rel @p1 .LBB2_8-.Ltmp5, $1  }
0x70: {  	_ =	sdelay $0x3  }
.LBB2_4:
0x71: {  	s22 =	sshll.u32 s11, $0xC  }
0x72: {  	s22 =	sadd.s32 s10, s22  }
0x73: {  	s22 =	sshrl.u32 s22, $0x3  }
0x74: {  	s28 =	sadd.s32 s6, s22  }
0x75: {  	[tilespmem:s2], [sflag:$0x9] =	stream.linear.gather [hbm4b:s28+s2], $0x1000, $0x38;
	[tilespmem:$0x1E000] =	vst v63  }
0x76: {  	_ =	swait.ge [sflag:s24], $0x1000  }
0x77: {  	[sflag:s24] =	ssyncset.done $0x0  }
0x78: {  	s22 =	sadd.s32 s7, s22;
	[sflag:s24] =	ssyncadd.s32 $0xFFFFF000  }
0x79: {  	[tilespmem:s25], [sflag:$0x9] =	stream.linear.gather [hbm4b:s22+s2], $0x1000, $0x38;
	[tilespmem:$0x1E000] =	vst v63  }
0x7a: {  	p1 =	seq.s32 s11, $0x0;
	_ =	swait.ge [sflag:s24], $0x1000  }
0x7b: {  	s0 =	simm.s32 @p1 $0x2000;
	[sflag:s24] =	ssyncset.done $0x0  }
0x7c: {  	s28 =	simm.s32 @p1 $0x0;
	s22 =	simm.s32 @p1 $0x40;
	[sflag:s24] =	ssyncadd.s32 $0xFFFFF000  }
0x7d: {  	[tilespmem:s0], [sflag:$0x1] =	stream.indirect.gather @p1 [hbm4b:s4+s22], $0x80, s28, s22, $0xb8;
	[tilespmem:$0x1E000] =	vst v63  }
0x7e: {  	s0 =	simm.s32 @p1 $0x80;
	s28 =	simm.s32 @p1 $0x4000  }
0x7f: {  	[tilespmem:s28], [sflag:$0x2] =	stream.indirect.gather @p1 [hbm4b:s4+s22], $0x80, s0, s22, $0xb8;
	[tilespmem:$0x1E000] =	vst v63  }
0x80: {  	s0 =	simm.s32 @p1 $0x100;
	s28 =	simm.s32 @p1 $0x6000  }
0x81: {  	[tilespmem:s28], [sflag:$0x3] =	stream.indirect.gather @p1 [hbm4b:s4+s22], $0x80, s0, s22, $0xb8;
	[tilespmem:$0x1E000] =	vst v63  }
0x82: {  	s0 =	simm.s32 @!p1 $0x5  }
0x83: {  	_ =	swait.ge @!p1 [sflag:s0], $0x400  }
0x84: {  	s22 =	simm.s32 @!p1 $0x0;
	[sflag:s0] =	ssyncset.done @!p1 $0x0  }
0x85: {  	s28 =	simm.s32 @!p1 $0x2000;
	[sflag:s0] =	ssyncadd.s32 @!p1 $0xFFFFFC00;
	s0 =	simm.s32 @!p1 $0x40  }
0x86: {  	[tilespmem:s28], [sflag:$0x1] =	stream.indirect.gather @!p1 [hbm4b:s4+s0], $0x80, s22, s0, $0xb8;
	[tilespmem:$0x1E000] =	vst v63  }
0x87: {  	s22 =	simm.s32 @!p1 $0x6  }
0x88: {  	_ =	swait.ge @!p1 [sflag:s22], $0x400  }
0x89: {  	[sflag:s22] =	ssyncset.done @!p1 $0x0  }
0x8a: {  	s28 =	simm.s32 @!p1 $0x4000;
	[sflag:s22] =	ssyncadd.s32 @!p1 $0xFFFFFC00;
	s22 =	simm.s32 @!p1 $0x80  }
0x8b: {  	[tilespmem:s28], [sflag:$0x2] =	stream.indirect.gather @!p1 [hbm4b:s4+s0], $0x80, s22, s0, $0xb8;
	[tilespmem:$0x1E000] =	vst v63  }
0x8c: {  	s22 =	simm.s32 @!p1 $0x7  }
0x8d: {  	_ =	swait.ge @!p1 [sflag:s22], $0x400  }
0x8e: {  	[sflag:s22] =	ssyncset.done @!p1 $0x0  }
0x8f: {  	s28 =	simm.s32 @!p1 $0x6000;
	[sflag:s22] =	ssyncadd.s32 @!p1 $0xFFFFFC00;
	s22 =	simm.s32 @!p1 $0x100  }
0x90: {  	[tilespmem:s28], [sflag:$0x3] =	stream.indirect.gather @!p1 [hbm4b:s4+s0], $0x80, s22, s0, $0xb8;
	[tilespmem:$0x1E000] =	vst v63  }
0x91: {  	s0 =	simm.s32 @!p1 $0x8  }
0x92: {  	_ =	swait.ge @!p1 [sflag:s0], $0x400  }
0x93: {  	[sflag:s0] =	ssyncset.done @!p1 $0x0  }
0x94: {  	s3 =	simm.s32 $0x180;
	[sflag:s0] =	ssyncadd.s32 @!p1 $0xFFFFFC00  }
0x95: {  	[tilespmem:s29], [sflag:$0x4] =	stream.indirect.gather [hbm4b:s4+s26], $0x80, s3, s26, $0xb8;
	[tilespmem:$0x1E000] =	vst v63  }
0x96: {  	_ =	swait.ge [sflag:s30], $0x2000  }
0x97: {  	[sflag:s30] =	ssyncset.done $0x0  }
0x98: {  	[sflag:s30] =	ssyncadd.s32 $0xFFFFE000  }
0x99: {  	[spmem:s1] =	stream.indirect.scatter.add.f32 [tilespmem:s23], [sflag:$0x5], $0x80, s25, s26, $0xb8;
	[tilespmem:$0x1E000] =	vst v63  }
0x9a: {  	_ =	swait.ge [sflag:s31], $0x2000  }
0x9b: {  	[sflag:s31] =	ssyncset.done $0x0  }
0x9c: {  	s13 =	simm.s32 $0x1080;
	[sflag:s31] =	ssyncadd.s32 $0xFFFFE000  }
0x9d: {  	[spmem:s1] =	stream.indirect.scatter.add.f32 [tilespmem:s8], [sflag:$0x6], $0x80, s13, s26, $0xb8;
	[tilespmem:$0x1E000] =	vst v63  }
0x9e: {  	_ =	swait.ge [sflag:s9], $0x400  }
0x9f: {  	[sflag:s9] =	ssyncset.done $0x0  }
0xa0: {  	s16 =	simm.s32 $0x200;
	[sflag:s9] =	ssyncadd.s32 $0xFFFFFC00  }
0xa1: {  	[tilespmem:s23], [sflag:$0x1] =	stream.indirect.gather [hbm4b:s4+s26], $0x80, s16, s26, $0xb8;
	[tilespmem:$0x1E000] =	vst v63  }
0xa2: {  	_ =	swait.ge [sflag:s12], $0x2000  }
0xa3: {  	[sflag:s12] =	ssyncset.done $0x0  }
0xa4: {  	s22 =	simm.s32 $0x1100;
	[sflag:s12] =	ssyncadd.s32 $0xFFFFE000  }
0xa5: {  	[spmem:s1] =	stream.indirect.scatter.add.f32 [tilespmem:s14], [sflag:$0x7], $0x80, s22, s26, $0xb8;
	[tilespmem:$0x1E000] =	vst v63  }
0xa6: {  	_ =	swait.ge [sflag:s15], $0x400  }
0xa7: {  	[sflag:s15] =	ssyncset.done $0x0  }
0xa8: {  	s28 =	simm.s32 $0x280;
	[sflag:s15] =	ssyncadd.s32 $0xFFFFFC00  }
0xa9: {  	[tilespmem:s8], [sflag:$0x2] =	stream.indirect.gather [hbm4b:s4+s26], $0x80, s28, s26, $0xb8;
	[tilespmem:$0x1E000] =	vst v63  }
0xaa: {  	_ =	swait.ge [sflag:s17], $0x2000  }
0xab: {  	[sflag:s17] =	ssyncset.done $0x0  }
0xac: {  	[sflag:s17] =	ssyncadd.s32 $0xFFFFE000  }
0xad: {  	[spmem:s1] =	stream.indirect.scatter.add.f32 [tilespmem:s29], [sflag:$0x8], $0x80, s18, s26, $0xb8;
	[tilespmem:$0x1E000] =	vst v63  }
0xae: {  	_ =	swait.ge [sflag:s19], $0x400  }
0xaf: {  	[sflag:s19] =	ssyncset.done $0x0  }
0xb0: {  	s22 =	simm.s32 $0x0;
	[sflag:s19] =	ssyncadd.s32 $0xFFFFFC00  }
0xb1: {  	[tilespmem:s14], [sflag:$0x3] =	stream.indirect.gather [hbm4b:s4+s26], $0x80, s20, s26, $0xb8;
	[tilespmem:$0x1E000] =	vst v63  }
.LBB2_5:
0xb2: {  	_ =	swait.ge [sflag:s30], $0x2000  }
0xb3: {  	s28 =	sshra.s32 s22, $0x2;
	[sflag:s30] =	ssyncset.done $0x0  }
0xb4: {  	s0 =	sadd.s32 $0x1200, s28;
	[sflag:s30] =	ssyncadd.s32 $0xFFFFE000  }
0xb5: {  	[spmem:s1] =	stream.indirect.scatter.add.f32 [tilespmem:s23], [sflag:$0x5], $0x80, s0, s26, $0xb8;
	[tilespmem:$0x1E000] =	vst v63  }
0xb6: {  	_ =	swait.ge [sflag:s21], $0x400  }
0xb7: {  	[sflag:s21] =	ssyncset.done $0x0  }
0xb8: {  	s3 =	sadd.s32 $0x380, s28;
	[sflag:s21] =	ssyncadd.s32 $0xFFFFFC00  }
0xb9: {  	[tilespmem:s29], [sflag:$0x4] =	stream.indirect.gather [hbm4b:s4+s26], $0x80, s3, s26, $0xb8;
	[tilespmem:$0x1E000] =	vst v63  }
0xba: {  	_ =	swait.ge [sflag:s31], $0x2000  }
0xbb: {  	p1 =	seq.s32 s22, $0x3000;
	[sflag:s31] =	ssyncset.done $0x0  }
0xbc: {  	s13 =	sadd.s32 $0x1280, s28;
	s0 =	simm.s32 @p1 $0x3;
	[sflag:s31] =	ssyncadd.s32 $0xFFFFE000  }
0xbd: {  	[spmem:s1] =	stream.indirect.scatter.add.f32 [tilespmem:s8], [sflag:$0x6], $0x80, s13, s26, $0xb8;
	[tilespmem:$0x1E000] =	vst v63  }
0xbe: {  	_ =	swait.ge @p1 [sflag:s0], $0x2000  }
0xbf: {  	[sflag:s0] =	ssyncset.done @p1 $0x0  }
0xc0: {  	[sflag:s0] =	ssyncadd.s32 @p1 $0xFFFFE000;
	s0 =	sshra.s32 @p1 s22, $0x2  }
0xc1: {  	s3 =	simm.s32 @p1 $0x40;
	s13 =	simm.s32 @p1 $0x6000;
	s0 =	sadd.s32 @p1 $0x1300, s0  }
0xc2: {  	[spmem:s1] =	stream.indirect.scatter.add.f32 @p1 [tilespmem:s13], [sflag:$0x7], $0x80, s0, s3, $0xb8;
	[tilespmem:$0x1E000] =	vst v63  }
0xc3: {  	s0 =	simm.s32 @!p1 $0x5  }
0xc4: {  	_ =	swait.ge @!p1 [sflag:s0], $0x400  }
0xc5: {  	[sflag:s0] =	ssyncset.done @!p1 $0x0  }
0xc6: {  	[sflag:s0] =	ssyncadd.s32 @!p1 $0xFFFFFC00;
	s0 =	sshra.s32 @!p1 s22, $0x2  }
0xc7: {  	s16 =	simm.s32 @!p1 $0x2000;
	s13 =	simm.s32 @!p1 $0x40;
	s3 =	sadd.s32 @!p1 $0x400, s0  }
0xc8: {  	[tilespmem:s16], [sflag:$0x1] =	stream.indirect.gather @!p1 [hbm4b:s4+s13], $0x80, s3, s13, $0xb8;
	[tilespmem:$0x1E000] =	vst v63  }
0xc9: {  	s3 =	simm.s32 @!p1 $0x3  }
0xca: {  	_ =	swait.ge @!p1 [sflag:s3], $0x2000  }
0xcb: {  	[sflag:s3] =	ssyncset.done @!p1 $0x0  }
0xcc: {  	s16 =	simm.s32 @!p1 $0x6000;
	[sflag:s3] =	ssyncadd.s32 @!p1 $0xFFFFE000;
	s3 =	sadd.s32 @!p1 $0x1300, s0  }
0xcd: {  	[spmem:s1] =	stream.indirect.scatter.add.f32 @!p1 [tilespmem:s16], [sflag:$0x7], $0x80, s3, s13, $0xb8;
	[tilespmem:$0x1E000] =	vst v63  }
0xce: {  	s3 =	simm.s32 @!p1 $0x6  }
0xcf: {  	_ =	swait.ge @!p1 [sflag:s3], $0x400  }
0xd0: {  	[sflag:s3] =	ssyncset.done @!p1 $0x0  }
0xd1: {  	s0 =	sadd.s32 @!p1 $0x480, s0;
	[sflag:s3] =	ssyncadd.s32 @!p1 $0xFFFFFC00;
	s3 =	simm.s32 @!p1 $0x4000  }
0xd2: {  	[tilespmem:s3], [sflag:$0x2] =	stream.indirect.gather @!p1 [hbm4b:s4+s13], $0x80, s0, s13, $0xb8;
	[tilespmem:$0x1E000] =	vst v63  }
.Ltmp6:
0xd3: {  	_ = 	snop;
	(pc) =	sbr.rel @p1 .LBB2_7-.Ltmp6, $4  }
0xd4: {  	_ =	swait.ge [sflag:s17], $0x2000  }
0xd5: {  	[sflag:s17] =	ssyncset.done $0x0  }
0xd6: {  	s16 =	sadd.s32 $0x1380, s28;
	[sflag:s17] =	ssyncadd.s32 $0xFFFFE000  }
0xd7: {  	[spmem:s1] =	stream.indirect.scatter.add.f32 [tilespmem:s29], [sflag:$0x8], $0x80, s16, s26, $0xb8;
	[tilespmem:$0x1E000] =	vst v63  }
.Ltmp7:
0xd8: {  	(pc) =	sbr.rel .LBB2_5-.Ltmp7, $4  }
0xd9: {  	_ =	swait.ge [sflag:s19], $0x400  }
0xda: {  	[sflag:s19] =	ssyncset.done $0x0  }
0xdb: {  	s0 =	sadd.s32 $0x500, s28;
	s22 =	sadd.s32 $0x800, s22;
	[sflag:s19] =	ssyncadd.s32 $0xFFFFFC00  }
0xdc: {  	[tilespmem:s14], [sflag:$0x3] =	stream.indirect.gather [hbm4b:s4+s26], $0x80, s0, s26, $0xb8;
	[tilespmem:$0x1E000] =	vst v63  }
.LBB2_12:
0xdd: {  	s11 =	sadd.s32 $0x1, s11  }
0xde: {  	p1 =	sne.s32 s11, $0xA  }
.Ltmp8:
0xdf: {  	_ = 	snop;
	(pc) =	sbr.rel @!p1 .LBB2_13-.Ltmp8, $1  }
0xe0: {  	_ =	sdelay $0x3  }
.LBB2_9:
0xe1: {  	s0 =	sshll.u32 s11, $0xC  }
0xe2: {  	s0 =	sadd.s32 s10, s0  }
0xe3: {  	s0 =	sshrl.u32 s0, $0x3  }
0xe4: {  	s3 =	sadd.s32 s6, s0  }
0xe5: {  	[tilespmem:s2], [sflag:$0x9] =	stream.linear.gather [hbm4b:s3+s2], $0x1000, $0x38;
	[tilespmem:$0x1E000] =	vst v63  }
0xe6: {  	_ =	swait.ge [sflag:s24], $0x1000  }
0xe7: {  	[sflag:s24] =	ssyncset.done $0x0  }
0xe8: {  	s0 =	sadd.s32 s7, s0;
	[sflag:s24] =	ssyncadd.s32 $0xFFFFF000  }
0xe9: {  	[tilespmem:s25], [sflag:$0x9] =	stream.linear.gather [hbm4b:s0+s2], $0x1000, $0x38;
	[tilespmem:$0x1E000] =	vst v63  }
0xea: {  	p1 =	seq.s32 s11, $0x0;
	_ =	swait.ge [sflag:s24], $0x1000  }
0xeb: {  	s13 =	simm.s32 @p1 $0x2000;
	[sflag:s24] =	ssyncset.done $0x0  }
0xec: {  	s3 =	simm.s32 @p1 $0x0;
	s0 =	simm.s32 @p1 $0x40;
	[sflag:s24] =	ssyncadd.s32 $0xFFFFF000  }
0xed: {  	[tilespmem:s13], [sflag:$0x1] =	stream.indirect.gather @p1 [hbm4b:s5+s0], $0x80, s3, s0, $0xb8;
	[tilespmem:$0x1E000] =	vst v63  }
0xee: {  	s3 =	simm.s32 @p1 $0x80;
	s13 =	simm.s32 @p1 $0x4000  }
0xef: {  	[tilespmem:s13], [sflag:$0x2] =	stream.indirect.gather @p1 [hbm4b:s5+s0], $0x80, s3, s0, $0xb8;
	[tilespmem:$0x1E000] =	vst v63  }
0xf0: {  	s3 =	simm.s32 @p1 $0x100;
	s13 =	simm.s32 @p1 $0x6000  }
0xf1: {  	[tilespmem:s13], [sflag:$0x3] =	stream.indirect.gather @p1 [hbm4b:s5+s0], $0x80, s3, s0, $0xb8;
	[tilespmem:$0x1E000] =	vst v63  }
0xf2: {  	s0 =	simm.s32 @!p1 $0x5  }
0xf3: {  	_ =	swait.ge @!p1 [sflag:s0], $0x400  }
0xf4: {  	s3 =	simm.s32 @!p1 $0x0;
	[sflag:s0] =	ssyncset.done @!p1 $0x0  }
0xf5: {  	s13 =	simm.s32 @!p1 $0x2000;
	[sflag:s0] =	ssyncadd.s32 @!p1 $0xFFFFFC00;
	s0 =	simm.s32 @!p1 $0x40  }
0xf6: {  	[tilespmem:s13], [sflag:$0x1] =	stream.indirect.gather @!p1 [hbm4b:s5+s0], $0x80, s3, s0, $0xb8;
	[tilespmem:$0x1E000] =	vst v63  }
0xf7: {  	s3 =	simm.s32 @!p1 $0x6  }
0xf8: {  	_ =	swait.ge @!p1 [sflag:s3], $0x400  }
0xf9: {  	[sflag:s3] =	ssyncset.done @!p1 $0x0  }
0xfa: {  	s13 =	simm.s32 @!p1 $0x4000;
	[sflag:s3] =	ssyncadd.s32 @!p1 $0xFFFFFC00;
	s3 =	simm.s32 @!p1 $0x80  }
0xfb: {  	[tilespmem:s13], [sflag:$0x2] =	stream.indirect.gather @!p1 [hbm4b:s5+s0], $0x80, s3, s0, $0xb8;
	[tilespmem:$0x1E000] =	vst v63  }
0xfc: {  	s3 =	simm.s32 @!p1 $0x7  }
0xfd: {  	_ =	swait.ge @!p1 [sflag:s3], $0x400  }
0xfe: {  	[sflag:s3] =	ssyncset.done @!p1 $0x0  }
0xff: {  	s13 =	simm.s32 @!p1 $0x6000;
	[sflag:s3] =	ssyncadd.s32 @!p1 $0xFFFFFC00;
	s3 =	simm.s32 @!p1 $0x100  }
0x100: {  	[tilespmem:s13], [sflag:$0x3] =	stream.indirect.gather @!p1 [hbm4b:s5+s0], $0x80, s3, s0, $0xb8;
	[tilespmem:$0x1E000] =	vst v63  }
0x101: {  	s0 =	simm.s32 @!p1 $0x8  }
0x102: {  	_ =	swait.ge @!p1 [sflag:s0], $0x400  }
0x103: {  	[sflag:s0] =	ssyncset.done @!p1 $0x0  }
0x104: {  	s3 =	simm.s32 $0x180;
	[sflag:s0] =	ssyncadd.s32 @!p1 $0xFFFFFC00  }
0x105: {  	[tilespmem:s29], [sflag:$0x4] =	stream.indirect.gather [hbm4b:s5+s26], $0x80, s3, s26, $0xb8;
	[tilespmem:$0x1E000] =	vst v63  }
0x106: {  	_ =	swait.ge [sflag:s30], $0x2000  }
0x107: {  	[sflag:s30] =	ssyncset.done $0x0  }
0x108: {  	[sflag:s30] =	ssyncadd.s32 $0xFFFFE000  }
0x109: {  	[spmem:s1] =	stream.indirect.scatter.add.f32 [tilespmem:s23], [sflag:$0x5], $0x80, s25, s26, $0xb8;
	[tilespmem:$0x1E000] =	vst v63  }
0x10a: {  	_ =	swait.ge [sflag:s31], $0x2000  }
0x10b: {  	[sflag:s31] =	ssyncset.done $0x0  }
0x10c: {  	s13 =	simm.s32 $0x1080;
	[sflag:s31] =	ssyncadd.s32 $0xFFFFE000  }
0x10d: {  	[spmem:s1] =	stream.indirect.scatter.add.f32 [tilespmem:s8], [sflag:$0x6], $0x80, s13, s26, $0xb8;
	[tilespmem:$0x1E000] =	vst v63  }
0x10e: {  	_ =	swait.ge [sflag:s9], $0x400  }
0x10f: {  	[sflag:s9] =	ssyncset.done $0x0  }
0x110: {  	s16 =	simm.s32 $0x200;
	[sflag:s9] =	ssyncadd.s32 $0xFFFFFC00  }
0x111: {  	[tilespmem:s23], [sflag:$0x1] =	stream.indirect.gather [hbm4b:s5+s26], $0x80, s16, s26, $0xb8;
	[tilespmem:$0x1E000] =	vst v63  }
0x112: {  	_ =	swait.ge [sflag:s12], $0x2000  }
0x113: {  	[sflag:s12] =	ssyncset.done $0x0  }
0x114: {  	s22 =	simm.s32 $0x1100;
	[sflag:s12] =	ssyncadd.s32 $0xFFFFE000  }
0x115: {  	[spmem:s1] =	stream.indirect.scatter.add.f32 [tilespmem:s14], [sflag:$0x7], $0x80, s22, s26, $0xb8;
	[tilespmem:$0x1E000] =	vst v63  }
0x116: {  	_ =	swait.ge [sflag:s15], $0x400  }
0x117: {  	[sflag:s15] =	ssyncset.done $0x0  }
0x118: {  	s28 =	simm.s32 $0x280;
	[sflag:s15] =	ssyncadd.s32 $0xFFFFFC00  }
0x119: {  	[tilespmem:s8], [sflag:$0x2] =	stream.indirect.gather [hbm4b:s5+s26], $0x80, s28, s26, $0xb8;
	[tilespmem:$0x1E000] =	vst v63  }
0x11a: {  	_ =	swait.ge [sflag:s17], $0x2000  }
0x11b: {  	[sflag:s17] =	ssyncset.done $0x0  }
0x11c: {  	[sflag:s17] =	ssyncadd.s32 $0xFFFFE000  }
0x11d: {  	[spmem:s1] =	stream.indirect.scatter.add.f32 [tilespmem:s29], [sflag:$0x8], $0x80, s18, s26, $0xb8;
	[tilespmem:$0x1E000] =	vst v63  }
0x11e: {  	_ =	swait.ge [sflag:s19], $0x400  }
0x11f: {  	[sflag:s19] =	ssyncset.done $0x0  }
0x120: {  	s22 =	simm.s32 $0x0;
	[sflag:s19] =	ssyncadd.s32 $0xFFFFFC00  }
0x121: {  	[tilespmem:s14], [sflag:$0x3] =	stream.indirect.gather [hbm4b:s5+s26], $0x80, s20, s26, $0xb8;
	[tilespmem:$0x1E000] =	vst v63  }
.LBB2_10:
0x122: {  	_ =	swait.ge [sflag:s30], $0x2000  }
0x123: {  	s28 =	sshra.s32 s22, $0x2;
	[sflag:s30] =	ssyncset.done $0x0  }
0x124: {  	s0 =	sadd.s32 $0x1200, s28;
	[sflag:s30] =	ssyncadd.s32 $0xFFFFE000  }
0x125: {  	[spmem:s1] =	stream.indirect.scatter.add.f32 [tilespmem:s23], [sflag:$0x5], $0x80, s0, s26, $0xb8;
	[tilespmem:$0x1E000] =	vst v63  }
0x126: {  	_ =	swait.ge [sflag:s21], $0x400  }
0x127: {  	[sflag:s21] =	ssyncset.done $0x0  }
0x128: {  	s3 =	sadd.s32 $0x380, s28;
	[sflag:s21] =	ssyncadd.s32 $0xFFFFFC00  }
0x129: {  	[tilespmem:s29], [sflag:$0x4] =	stream.indirect.gather [hbm4b:s5+s26], $0x80, s3, s26, $0xb8;
	[tilespmem:$0x1E000] =	vst v63  }
0x12a: {  	_ =	swait.ge [sflag:s31], $0x2000  }
0x12b: {  	p1 =	seq.s32 s22, $0x3000;
	[sflag:s31] =	ssyncset.done $0x0  }
0x12c: {  	s13 =	sadd.s32 $0x1280, s28;
	s0 =	simm.s32 @p1 $0x3;
	[sflag:s31] =	ssyncadd.s32 $0xFFFFE000  }
0x12d: {  	[spmem:s1] =	stream.indirect.scatter.add.f32 [tilespmem:s8], [sflag:$0x6], $0x80, s13, s26, $0xb8;
	[tilespmem:$0x1E000] =	vst v63  }
0x12e: {  	_ =	swait.ge @p1 [sflag:s0], $0x2000  }
0x12f: {  	[sflag:s0] =	ssyncset.done @p1 $0x0  }
0x130: {  	[sflag:s0] =	ssyncadd.s32 @p1 $0xFFFFE000;
	s0 =	sshra.s32 @p1 s22, $0x2  }
0x131: {  	s3 =	simm.s32 @p1 $0x40;
	s13 =	simm.s32 @p1 $0x6000;
	s0 =	sadd.s32 @p1 $0x1300, s0  }
0x132: {  	[spmem:s1] =	stream.indirect.scatter.add.f32 @p1 [tilespmem:s13], [sflag:$0x7], $0x80, s0, s3, $0xb8;
	[tilespmem:$0x1E000] =	vst v63  }
0x133: {  	s0 =	simm.s32 @!p1 $0x5  }
0x134: {  	_ =	swait.ge @!p1 [sflag:s0], $0x400  }
0x135: {  	[sflag:s0] =	ssyncset.done @!p1 $0x0  }
0x136: {  	[sflag:s0] =	ssyncadd.s32 @!p1 $0xFFFFFC00;
	s0 =	sshra.s32 @!p1 s22, $0x2  }
0x137: {  	s16 =	simm.s32 @!p1 $0x2000;
	s13 =	simm.s32 @!p1 $0x40;
	s3 =	sadd.s32 @!p1 $0x400, s0  }
0x138: {  	[tilespmem:s16], [sflag:$0x1] =	stream.indirect.gather @!p1 [hbm4b:s5+s13], $0x80, s3, s13, $0xb8;
	[tilespmem:$0x1E000] =	vst v63  }
0x139: {  	s3 =	simm.s32 @!p1 $0x3  }
0x13a: {  	_ =	swait.ge @!p1 [sflag:s3], $0x2000  }
0x13b: {  	[sflag:s3] =	ssyncset.done @!p1 $0x0  }
0x13c: {  	s16 =	simm.s32 @!p1 $0x6000;
	[sflag:s3] =	ssyncadd.s32 @!p1 $0xFFFFE000;
	s3 =	sadd.s32 @!p1 $0x1300, s0  }
0x13d: {  	[spmem:s1] =	stream.indirect.scatter.add.f32 @!p1 [tilespmem:s16], [sflag:$0x7], $0x80, s3, s13, $0xb8;
	[tilespmem:$0x1E000] =	vst v63  }
0x13e: {  	s3 =	simm.s32 @!p1 $0x6  }
0x13f: {  	_ =	swait.ge @!p1 [sflag:s3], $0x400  }
0x140: {  	[sflag:s3] =	ssyncset.done @!p1 $0x0  }
0x141: {  	s0 =	sadd.s32 @!p1 $0x480, s0;
	[sflag:s3] =	ssyncadd.s32 @!p1 $0xFFFFFC00;
	s3 =	simm.s32 @!p1 $0x4000  }
0x142: {  	[tilespmem:s3], [sflag:$0x2] =	stream.indirect.gather @!p1 [hbm4b:s5+s13], $0x80, s0, s13, $0xb8;
	[tilespmem:$0x1E000] =	vst v63  }
.Ltmp9:
0x143: {  	_ = 	snop;
	(pc) =	sbr.rel @p1 .LBB2_12-.Ltmp9, $4  }
0x144: {  	_ =	swait.ge [sflag:s17], $0x2000  }
0x145: {  	[sflag:s17] =	ssyncset.done $0x0  }
0x146: {  	s16 =	sadd.s32 $0x1380, s28;
	[sflag:s17] =	ssyncadd.s32 $0xFFFFE000  }
0x147: {  	[spmem:s1] =	stream.indirect.scatter.add.f32 [tilespmem:s29], [sflag:$0x8], $0x80, s16, s26, $0xb8;
	[tilespmem:$0x1E000] =	vst v63  }
.Ltmp10:
0x148: {  	(pc) =	sbr.rel .LBB2_10-.Ltmp10, $4  }
0x149: {  	_ =	swait.ge [sflag:s19], $0x400  }
0x14a: {  	[sflag:s19] =	ssyncset.done $0x0  }
0x14b: {  	s0 =	sadd.s32 $0x500, s28;
	s22 =	sadd.s32 $0x800, s22;
	[sflag:s19] =	ssyncadd.s32 $0xFFFFFC00  }
0x14c: {  	[tilespmem:s14], [sflag:$0x3] =	stream.indirect.gather [hbm4b:s5+s26], $0x80, s0, s26, $0xb8;
	[tilespmem:$0x1E000] =	vst v63  }
.LBB2_8:
.Ltmp11:
0x14d: {  	(pc) =	sbr.rel .LBB2_14-.Ltmp11, $3  }
0x14e: {  	_ =	sdelay $0x1  }
0x14f: {  	s11 =	rddreg [dreg:$0x3]  }
0x150: {  	s16 =	rddreg [dreg:$0x11]  }
.LBB2_15:
0x151: {  	_ =	sfence.sel $0x180000  }
0x152: {  	[bflag:$0x0] =	sbarrier.arrive $0xFFFF  }
0x153: {  	_ =	strace $0x9000004A  }
0x154: {  	s0 =	stileid.u32;
	[bflag:$0x2] =	sbarrier.arrive $0xFFFF  }
0x155: {  	p0 =	sne.s32 s0, $0x0;
	s0 =	rddreg [dreg:$0x2]  }
0x156: {  	s0 =	sadd.s32 @!p0 $0x100000, s0  }
0x157: {  	[sflag:s0] =	ssyncadd.tile.s32 @!p0 $0x1;
	_ =	shalt  }
.Lfunc_end2:
_tile_overlayer_lowered:
.L_overlay_start_2:
0x158: {  	(tag) =	ssettag $0x2  }
0x159: {  	s0 =	rddreg [dreg:$0x0];
	s2 =	stileid.u32  }
0x15a: {  	s1 =	rddreg [dreg:$0x1];
	p0 =	sne.s32 s2, $0x0  }
0x15b: {  	s3 =	rddreg [dreg:$0x2];
	[bflag:$0x3] =	sbarrier.arrive $0xFFFF;
	s2 =	simm.s32 @!p0 $0x1C09  }
0x15c: {  	[timem:s3], [sflag:s2] =	dma.local @!p0 [hbm:s0], s1  }
0x15d: {  	s0 =	simm.s32 @!p0 $0x9  }
0x15e: {  	_ =	swait.ge @!p0 [sflag:s0], s1  }
0x15f: {  	s1 =	ssub.s32 @!p0 $0x0, s1;
	[sflag:s0] =	ssyncset.done @!p0 $0x0  }
0x160: {  	[sflag:s0] =	ssyncadd.s32 @!p0 s1  }
0x161: {  	[bflag:$0x3] =	sbarrier.arrive $0xFFFF  }
0x162: {  	_ =	shalt  }

// kernel: kernel.15.cloned.1.call-start
scs
__scs_entry_jumppad:
0x0: {  	(pc) =	sbr.rel $0x88, $3  }
0x1: {  	(tag) =	ssettag $0x0;
	lr =	simm.s32 $0x1  }
0x2: {  	[smem:$0x3F99] =	sst lr;
	_ =	strace $0xD0000000  }
0x3: {  	_ = 	snop  }
0x4: {  	_ = 	snop  }
0x5: {  	_ = 	snop  }
0x6: {  	_ = 	snop  }
0x7: {  	_ = 	snop  }
__scs_overlays_trampoline_lowered:
0x8: {  	[smem:$0x3FA8] =	sst s0  }
0x9: {  	[smem:$0x3FA9] =	sst s1  }
0xa: {  	[smem:$0x3FAA] =	sst s2  }
0xb: {  	[smem:$0x3FAB] =	sst s3  }
0xc: {  	[smem:$0x3FAC] =	sst s4  }
0xd: {  	[smem:$0x3FAD] =	sst s5  }
0xe: {  	[smem:$0x3FAE] =	sst s6  }
0xf: {  	[smem:$0x3FAF] =	sst s7  }
0x10: {  	[smem:$0x3FB0] =	sst s8  }
0x11: {  	[smem:$0x3FB1] =	sst s9;
	s0 =	simm.s32 @!p0 $0x0  }
0x12: {  	s1 =	sld [smem:$0x3F97];
	s0 =	simm.s32 @p0 $0x1  }
0x13: {  	[smem:$0x3FB2] =	sst s0;
	s0 =	simm.s32 @!p1 $0x0  }
0x14: {  	s2 =	sld [smem:$0x3F96];
	s0 =	simm.s32 @p1 $0x1  }
0x15: {  	[smem:$0x3FB3] =	sst s0;
	s0 =	simm.s32 @!p2 $0x0  }
0x16: {  	s3 =	sld [smem:$0x3FDB];
	s0 =	simm.s32 @p2 $0x1  }
0x17: {  	s4 =	simm.s32 $0x1BF5;
	[smem:$0x3FB5] =	sst s0  }
0x18: {  	s0 =	sld [smem:$0x3F98];
	_ =	swait.ge [sflag:s4], $0x0  }
0x19: {  	s7 =	sld [smem:$0x3F99]  }
0x1a: {  	s8 =	sadd.s32 $0xFFFFE003, lr  }
0x1b: {  	s9 =	sadd.s32 $0xFFFFFEF7, lr;
	s5 =	simm.s32 $0xFFFFFFFF;
	p2 =	slt.u32 s8, $0xFFFFF086  }
0x1c: {  	p1 =	slt.u32 s9, $0xF7A;
	s5 =	simm.s32 @!p2 $0x0  }
0x1d: {  	s5 =	simm.s32 @p1 $0x1;
	p0 =	seq.s32 s7, s2  }
0x1e: {  	s7 =	smul.u32 @!p0 $0xF7A, s2;
	p2 =	seq.s32 @!p0 s5, $0x0  }
0x1f: {  	s9 =	smul.u32 $0xF7A, s1;
	s8 =	simm.s32 @!p0 $0x1BF5;
	p2 =	por !p2, p0  }
0x20: {  	[sflag:s8] =	ssyncset.s32 @!p0 $0xFFFFF086;
	s6 =	sadd.s32 @!p0 s3, s7;
	s7 =	simm.s32 @!p0 $0x108  }
0x21: {  	s3 =	sadd.s32 s3, s9;
	s6 =	sadd.s32 @!p0 $0x88, s6;
	s7 =	simm.s32 @p2 $0x1082  }
0x22: {  	[simem:s7], [sflag:s8] =	dma.local @!p0 [hbm:s6], $0xF7A  }
0x23: {  	s9 =	sor.u32 $0xD0000000, s2;
	s6 =	simm.s32 $0x108;
	_ =	swait.ge @!p0 [sflag:s8], $0x0  }
0x24: {  	s3 =	sadd.s32 $0x88, s3;
	s6 =	simm.s32 @!p1 $0x1082;
	[sflag:s4] =	ssyncset.s32 $0xFFFFF086  }
0x25: {  	[simem:s6], [sflag:s4] =	dma.local [hbm:s3], $0xF7A  }
0x26: {  	[smem:$0x3F99] =	sst s1;
	(tag) =	ssettag s2;
	_ =	strace s9  }
0x27: {  	s1 =	sld [smem:$0x3FA9]  }
0x28: {  	s2 =	sld [smem:$0x3FAA]  }
0x29: {  	s4 =	sld [smem:$0x3FAC]  }
0x2a: {  	p0 =	seq.s32 s5, $0x0;
	s5 =	sld [smem:$0x3FAD]  }
0x2b: {  	s6 =	sld [smem:$0x3FAE]  }
0x2c: {  	s7 =	sld [smem:$0x3FAF]  }
0x2d: {  	s3 =	simm.s32 $0x108;
	s8 =	sld [smem:$0x3FB0]  }
0x2e: {  	s3 =	simm.s32 @!p0 $0x1082;
	s9 =	sld [smem:$0x3FB1]  }
0x2f: {  	lr =	sadd.s32 s0, s3;
	s0 =	sld [smem:$0x3FA8]  }
0x30: {  	s3 =	sld [smem:$0x3FAB]  }
0x31: {  	[smem:$0x3FB4] =	sst s10  }
0x32: {  	s10 =	sld [smem:$0x3FB2];
	_ =	sdelay $0x3  }
0x33: {  	p0 =	seq.s32 s10, $0x1;
	s10 =	sld [smem:$0x3FB4];
	_ =	sdelay $0x3  }
0x34: {  	[smem:$0x3FB4] =	sst s10  }
0x35: {  	s10 =	sld [smem:$0x3FB3];
	_ =	sdelay $0x3  }
0x36: {  	p1 =	seq.s32 s10, $0x1;
	s10 =	sld [smem:$0x3FB4];
	_ =	sdelay $0x3  }
0x37: {  	[smem:$0x3FB4] =	sst s10  }
0x38: {  	s10 =	sld [smem:$0x3FB5]  }
0x39: {  	_ = 	snop;
	(pc) =	sbr.ind lr, $3  }
0x3a: {  	_ = 	snop  }
0x3b: {  	_ = 	snop  }
0x3c: {  	p2 =	seq.s32 s10, $0x1;
	s10 =	sld [smem:$0x3FB4]  }
0x3d: {  	_ =	shalt  }
0x3e: {  	_ =	shalt  }
0x3f: {  	_ =	shalt  }
0x40: {  	_ =	shalt  }
0x41: {  	_ =	shalt  }
0x42: {  	_ =	shalt  }
0x43: {  	_ =	shalt  }
0x44: {  	_ =	shalt  }
0x45: {  	_ =	shalt  }
0x46: {  	_ =	shalt  }
0x47: {  	_ =	shalt  }
0x48: {  	_ =	shalt  }
0x49: {  	_ =	shalt  }
0x4a: {  	_ =	shalt  }
0x4b: {  	_ =	shalt  }
0x4c: {  	_ =	shalt  }
0x4d: {  	_ =	shalt  }
0x4e: {  	_ =	shalt  }
0x4f: {  	_ =	shalt  }
0x50: {  	_ =	shalt  }
0x51: {  	_ =	shalt  }
0x52: {  	_ =	shalt  }
0x53: {  	_ =	shalt  }
0x54: {  	_ =	shalt  }
0x55: {  	_ =	shalt  }
0x56: {  	_ =	shalt  }
0x57: {  	_ =	shalt  }
0x58: {  	_ =	shalt  }
0x59: {  	_ =	shalt  }
0x5a: {  	_ =	shalt  }
0x5b: {  	_ =	shalt  }
0x5c: {  	_ =	shalt  }
0x5d: {  	_ =	shalt  }
0x5e: {  	_ =	shalt  }
0x5f: {  	_ =	shalt  }
0x60: {  	_ =	shalt  }
0x61: {  	_ =	shalt  }
0x62: {  	_ =	shalt  }
0x63: {  	_ =	shalt  }
0x64: {  	_ =	shalt  }
0x65: {  	_ =	shalt  }
0x66: {  	_ =	shalt  }
0x67: {  	_ =	shalt  }
0x68: {  	_ =	shalt  }
0x69: {  	_ =	shalt  }
0x6a: {  	_ =	shalt  }
0x6b: {  	_ =	shalt  }
0x6c: {  	_ =	shalt  }
0x6d: {  	_ =	shalt  }
0x6e: {  	_ =	shalt  }
0x6f: {  	_ =	shalt  }
0x70: {  	_ =	shalt  }
0x71: {  	_ =	shalt  }
0x72: {  	_ =	shalt  }
0x73: {  	_ =	shalt  }
0x74: {  	_ =	shalt  }
0x75: {  	_ =	shalt  }
0x76: {  	_ =	shalt  }
0x77: {  	_ =	shalt  }
0x78: {  	_ =	shalt  }
0x79: {  	_ =	shalt  }
0x7a: {  	_ =	shalt  }
0x7b: {  	_ =	shalt  }
0x7c: {  	_ =	shalt  }
0x7d: {  	_ =	shalt  }
0x7e: {  	_ =	shalt  }
0x7f: {  	_ =	shalt  }
0x80: {  	_ =	shalt  }
0x81: {  	_ =	shalt  }
0x82: {  	_ =	shalt  }
0x83: {  	_ =	shalt  }
0x84: {  	_ =	shalt  }
0x85: {  	_ =	shalt  }
0x86: {  	_ =	shalt  }
0x87: {  	_ =	shalt  }
.Lfunc_end0:
.L_simem_size_0:
called_computation.2_lowered:
.L_overlay_start_0:
0x88: {  	s2 =	sld [smem:$0x3FD9]  }
0x89: {  	s3 =	sld [smem:$0x3FFE];
	_ =	sdelay $0x1  }
0x8a: {  	s1 =	srdreg.scid  }
0x8b: {  	s0 =	sand.u32 $0x1, s1  }
0x8c: {  	s16 =	sshll.u32 s0, $0xA;
	s2 =	sadd.s32 s3, s2  }
0x8d: {  	s2 =	sadd.s32 s2, s16  }
0x8e: {  	[smem:$0x3FC0] =	sst s2  }
0x8f: {  	_ = 	snop  }
0x90: {  	(tm) =	ssettm $0x1  }
0x91: {  	s17 =	sld [smem:$0x3FFB];
	_ =	sdelay $0x3  }
0x92: {  	_ =	strace s17  }
0x93: {  	s2 =	sld [smem:$0x3FFC];
	_ =	sdelay $0x3  }
0x94: {  	_ =	strace s2  }
0x95: {  	s2 =	sld [smem:$0x3FFD];
	_ =	sdelay $0x3  }
0x96: {  	_ =	strace s2  }
0x97: {  	_ =	strace $0x8FFFFFFF  }
0x98: {  	s18 =	sld [smem:$0x3FDB];
	_ =	sdelay $0x1  }
0x99: {  	s19 =	simm.s32 $_scs_section_size  }
0x9a: {  	s4 =	simm.s32 $_size__tile_overlayer_lowered;
	s5 =	simm.s32 $_tile_overlayer_lowered  }
0x9b: {  	s22 =	simm.s32 $0x1BFF;
	s21 =	sshll.u32 s5, $0x1;
	s2 =	sadd.s32 s19, s18  }
0x9c: {  	s6 =	simm.s32 $0x0;
	s20 =	sshll.u32 s4, $0x1;
	s4 =	sadd.s32 s21, s2  }
0x9d: {  	[timem:s6], [sflag:s22] =	dma.local [hbm:s4], s20  }
0x9e: {  	_ =	swait.ge [sflag:s22], s20  }
0x9f: {  	s3 =	ssub.s32 $0x0, s20;
	[sflag:s22] =	ssyncset.done $0x0  }
0xa0: {  	[sflag:s22] =	ssyncadd.s32 s3;
	_ =	sdelay $0x1  }
0xa1: {  	s23 =	simm.s32 $0x1B8B  }
0xa2: {  	_ =	swait.ge [sflag:s23], $0x1  }
0xa3: {  	[sflag:s23] =	ssyncset.done $0x0  }
0xa4: {  	s25 =	simm.s32 $0x1B8E;
	s24 =	sld [smem:$0x3FFE];
	[sflag:s23] =	ssyncadd.s32 $0xFFFFFFFF  }
0xa5: {  	s26 =	simm.s32 $execute0_lowered;
	[smem:$0x3FD2] =	sst s25  }
0xa6: {  	s4 =	sshll.u32 s26, $0x1;
	_ =	strace $0x8000004C;
	[dreg:$0x1] =	wrdreg $0xFFFFFFFF  }
0xa7: {  	s28 =	simm.s32 $_size_execute0_lowered;
	s2 =	sadd.s32 s2, s4;
	[dreg:$0x0] =	wrdreg $0x0  }
0xa8: {  	s4 =	sshll.u32 s28, $0x1;
	[dreg:$0x2] =	wrdreg s2  }
0xa9: {  	[dreg:$0x3] =	wrdreg s4  }
0xaa: {  	[dreg:$0x4] =	wrdreg $0xC0  }
0xab: {  	_ =	task [dreg:s6], $0x5FFFF  }
0xac: {  	[dreg:$0x1] =	wrdreg $0xFFFFFFFF  }
0xad: {  	[dreg:$0x0] =	wrdreg $0x60  }
0xae: {  	[dreg:$0x2] =	wrdreg s24  }
0xaf: {  	[dreg:$0x3] =	wrdreg $0xA0000  }
0xb0: {  	[dreg:$0x4] =	wrdreg $0x9  }
0xb1: {  	_ =	task.clear_ibuf [dreg:s6], $0x5FFFF;
	_ =	strace $0x9000004C  }
0xb2: {  	s29 =	simm.s32 $0x9;
	_ =	strace $0x8000004E  }
0xb3: {  	_ =	swait.ge [sflag:s29], $0x1  }
0xb4: {  	[sflag:s29] =	ssyncadd.s32 $0xFFFFFFFF  }
0xb5: {  	_ =	strace $0x9000004E  }
0xb6: {  	_ =	sfence  }
0xb7: {  	s30 =	sld [smem:$0x0];
	_ =	sdelay $0x2  }
0xb8: {  	s31 =	sshll.u32 s1, $0xD;
	s1 =	sshrl.u32 s1, $0x2  }
0xb9: {  	s3 =	sand.u32 $0x4000, s31;
	s1 =	sadd.s32 s1, s30  }
0xba: {  	s0 =	sor.u32 s3, s0;
	s1 =	sshll.u32 s1, $0x11  }
0xbb: {  	s0 =	sor.u32 s1, s0  }
0xbc: {  	s0 =	sadd.s32 $0x8F2B, s0  }
0xbd: {  	[sflag:s0] =	ssyncadd.remote.s32 $0x1  }
0xbe: {  	_ =	sfence.sel $0xFFFF  }
0xbf: {  	[dreg:$0x0] =	wrdreg $0xFFFFFFFF;
	(pc) =	sbr.abs _section_cstart, $3  }
0xc0: {  	[dreg:$0x1] =	wrdreg $0xFFFFFFFF  }
0xc1: {  	_ =	task.clear_ibuf [dreg:s6], $0x2FFFF;
	_ =	strace $0x9FFFFFFF  }
0xc2: {  	(tm) =	ssettm $0x7FFFFFFF  }
0xc3: {  	_ =	shalt  }
tec
execute0_lowered:
.L_overlay_start_1:
0x0: {  	(tag) =	ssettag $0x1  }
0x1: {  	s0 =	rddreg [dreg:$0x0]  }
0x2: {  	s1 =	rddreg [dreg:$0x1];
	s2 =	simm.s32 $0x0;
	s5 =	srdreg.scid  }
0x3: {  	s11 =	stileid.u32;
	[smem:$0x7FF] =	sst s2;
	s3 =	sadd.s32 $0x54200, s0  }
0x4: {  	s4 =	sadd.s32 $0x7C200, s0;
	s6 =	sadd.s32 $0x130200, s0;
	s10 =	smul.u32 $0x50000, s11  }
0x5: {  	s7 =	sadd.s32 $0x11C200, s0;
	s5 =	sand.u32 $0x1, s5;
	s17 =	smul.u32 $0x2800, s11  }
0x6: {  	s8 =	sadd.s32 $0xA4200, s0;
	s0 =	sadd.s32 $0xCC200, s0;
	s18 =	smul.u32 $0x5000, s11  }
0x7: {  	_ =	strace $0x8000004D;
	[dreg:$0x3] =	wrdreg s8;
	s14 =	sshll.u32 s5, $0x4  }
0x8: {  	s9 =	ssub.s32 $0x2, s5;
	[dreg:$0x4] =	wrdreg s0;
	s8 =	sor.u32 s11, s14  }
0x9: {  	s15 =	sshrl.u32 s9, $0x1;
	s16 =	sshrl.u32 s10, $0x2;
	[dreg:$0x6] =	wrdreg s17  }
0xa: {  	[dreg:$0x8] =	wrdreg s18;
	s8 =	smul.u32 $0x5000, s8;
	s13 =	sadd.s32 s16, s1  }
0xb: {  	s0 =	ssub.s32 s9, s15;
	[dreg:$0x7] =	wrdreg s13  }
0xc: {  	s28 =	simm.s32 $0x40;
	s0 =	smax.u32 s0, $0x1;
	[dreg:$0x5] =	wrdreg s8  }
0xd: {  	s30 =	simm.s32 $0x8000;
	s19 =	sadd.s32 $0x2000, s13;
	[dreg:$0x9] =	wrdreg s0  }
0xe: {  	s31 =	simm.s32 $0x1;
	s20 =	sadd.s32 $0x4000, s13;
	[dreg:$0xa] =	wrdreg s19  }
0xf: {  	s12 =	simm.s32 $0x0;
	s21 =	sadd.s32 $0x6000, s13;
	[dreg:$0xb] =	wrdreg s20  }
0x10: {  	p0 =	sne.s32 s5, $0x0;
	s22 =	sadd.s32 $0x8000, s13;
	[dreg:$0xc] =	wrdreg s21  }
0x11: {  	s5 =	simm.s32 $0x5;
	s23 =	sadd.s32 $0xA000, s13;
	[dreg:$0xd] =	wrdreg s22  }
0x12: {  	s14 =	simm.s32 $0x3;
	s24 =	sadd.s32 $0xC000, s13;
	[dreg:$0xe] =	wrdreg s23  }
0x13: {  	s17 =	simm.s32 $0x6;
	s25 =	sadd.s32 $0xE000, s13;
	[dreg:$0xf] =	wrdreg s24  }
0x14: {  	s18 =	simm.s32 $0x280;
	s26 =	sadd.s32 $0x10000, s13;
	[dreg:$0x10] =	wrdreg s25  }
.Ltmp0:
0x15: {  	s29 =	sadd.s32 $0x12000, s13;
	[dreg:$0x11] =	wrdreg s26;
	(pc) =	sbr.rel .LBB2_1-.Ltmp0, $4  }
0x16: {  	s9 =	simm.s32 $0x4000;
	s16 =	simm.s32 $0x6000;
	[dreg:$0x12] =	wrdreg s29  }
0x17: {  	s24 =	simm.s32 $0x2000;
	s25 =	simm.s32 $0x9;
	s26 =	simm.s32 $0x1000  }
0x18: {  	s0 =	simm.s32 $0x2;
	s19 =	simm.s32 $0x4;
	s20 =	simm.s32 $0x1180  }
0x19: {  	v0 =	vimm.f32 $0.0e+00;
	s21 =	simm.s32 $0x7;
	s22 =	simm.s32 $0x300;
	s23 =	simm.s32 $0x8  }
.LBB2_13:
0x1a: {  	s10 =	rddreg [dreg:$0x4]  }
0x1b: {  	s12 =	rddreg [dreg:$0x13]  }
.LBB2_14:
0x1c: {  	_ =	swait.ge [sflag:s5], $0x400  }
0x1d: {  	[sflag:s5] =	ssyncset.done $0x0  }
0x1e: {  	[sflag:s5] =	ssyncadd.s32 $0xFFFFFC00  }
0x1f: {  	_ =	swait.ge [sflag:s17], $0x400  }
0x20: {  	[sflag:s17] =	ssyncset.done $0x0  }
0x21: {  	[sflag:s17] =	ssyncadd.s32 $0xFFFFFC00  }
0x22: {  	_ =	swait.ge [sflag:s21], $0x400  }
0x23: {  	[sflag:s21] =	ssyncset.done $0x0  }
0x24: {  	[sflag:s21] =	ssyncadd.s32 $0xFFFFFC00  }
0x25: {  	_ =	swait.ge [sflag:s23], $0x400  }
0x26: {  	[sflag:s23] =	ssyncset.done $0x0  }
0x27: {  	[sflag:s23] =	ssyncadd.s32 $0xFFFFFC00  }
0x28: {  	s15 =	stileid.u32;
	s8 =	rddreg [dreg:$0x6];
	[bflag:$0x0] =	sbarrier.arrive $0xFFFF  }
0x29: {  	s8 =	sadd.s32 s10, s8;
	s10 =	sshll.u32 s15, $0x6;
	s13 =	rddreg [dreg:$0x7]  }
0x2a: {  	s10 =	sor.u32 $0x1C09, s10;
	s11 =	sshrl.u32 s13, $0x3  }
0x2b: {  	[hbm:s8], [sflag:s10] =	dma.local [spmem:s11], $0x2800  }
0x2c: {  	_ =	swait.ge [sflag:s25], $0x2800  }
0x2d: {  	s12 =	sadd.s32 $0x1, s12;
	s29 =	rddreg [dreg:$0x9]  }
0x2e: {  	p1 =	sne.s32 s12, s29  }
.Ltmp1:
0x2f: {  	_ = 	snop;
	(pc) =	sbr.rel @!p1 .LBB2_15-.Ltmp1, $3  }
0x30: {  	_ =	sdelay $0x1  }
0x31: {  	[sflag:s25] =	ssyncset.done $0x0  }
0x32: {  	[sflag:s25] =	ssyncadd.s32 $0xFFFFD800  }
.LBB2_1:
0x33: {  	[dreg:$0x13] =	wrdreg s12;
	s10 =	simm.s32 $0x0;
	s12 =	simm.s32 $0x200  }
.LBB2_2:
0x34: {  	p1 =	sne.s32 s12, $0x7E00;
	[tilespmem:s10+$0x2070] =	vst v0  }
0x35: {  	[tilespmem:s10+$0x2000] =	vst v0  }
0x36: {  	[tilespmem:s10+$0x2010] =	vst v0  }
.Ltmp2:
0x37: {  	[tilespmem:s10+$0x2020] =	vst v0;
	(pc) =	sbr.rel @p1 .LBB2_2-.Ltmp2, $4  }
0x38: {  	[tilespmem:s10+$0x2030] =	vst v0  }
0x39: {  	[tilespmem:s10+$0x2040] =	vst v0  }
0x3a: {  	[tilespmem:s10+$0x2050] =	vst v0  }
0x3b: {  	[tilespmem:s10+$0x2060] =	vst v0;
	s10 =	sshra.s32 s12, $0x2;
	s12 =	sadd.s32 $0x200, s12  }
0x3c: {  	[tilespmem:s10+$0x2070] =	vst v0  }
0x3d: {  	[tilespmem:s10+$0x2000] =	vst v0  }
0x3e: {  	[tilespmem:s10+$0x2010] =	vst v0  }
0x3f: {  	[tilespmem:s10+$0x2020] =	vst v0  }
0x40: {  	[tilespmem:s10+$0x2030] =	vst v0  }
0x41: {  	[tilespmem:s10+$0x2040] =	vst v0  }
0x42: {  	[tilespmem:s10+$0x2050] =	vst v0  }
0x43: {  	[tilespmem:s10+$0x2060] =	vst v0  }
0x44: {  	[spmem:s13] =	stream.linear.scatter [tilespmem:s24], [sflag:$0x9], $0x2000, $0x38;
	[tilespmem:$0x1E000] =	vst v63  }
0x45: {  	_ =	swait.ge [sflag:s25], $0x2000  }
0x46: {  	[sflag:s25] =	ssyncset.done $0x0  }
0x47: {  	s8 =	rddreg [dreg:$0xa];
	[sflag:s25] =	ssyncadd.s32 $0xFFFFE000  }
0x48: {  	[spmem:s8] =	stream.linear.scatter [tilespmem:s24], [sflag:$0x9], $0x2000, $0x38;
	[tilespmem:$0x1E000] =	vst v63  }
0x49: {  	_ =	swait.ge [sflag:s25], $0x2000  }
0x4a: {  	[sflag:s25] =	ssyncset.done $0x0  }
0x4b: {  	s15 =	rddreg [dreg:$0xb];
	[sflag:s25] =	ssyncadd.s32 $0xFFFFE000  }
0x4c: {  	[spmem:s15] =	stream.linear.scatter [tilespmem:s24], [sflag:$0x9], $0x2000, $0x38;
	[tilespmem:$0x1E000] =	vst v63  }
0x4d: {  	_ =	swait.ge [sflag:s25], $0x2000  }
0x4e: {  	[sflag:s25] =	ssyncset.done $0x0  }
0x4f: {  	s29 =	rddreg [dreg:$0xc];
	[sflag:s25] =	ssyncadd.s32 $0xFFFFE000  }
0x50: {  	[spmem:s29] =	stream.linear.scatter [tilespmem:s24], [sflag:$0x9], $0x2000, $0x38;
	[tilespmem:$0x1E000] =	vst v63  }
0x51: {  	_ =	swait.ge [sflag:s25], $0x2000  }
0x52: {  	[sflag:s25] =	ssyncset.done $0x0  }
0x53: {  	s10 =	rddreg [dreg:$0xd];
	[sflag:s25] =	ssyncadd.s32 $0xFFFFE000  }
0x54: {  	[spmem:s10] =	stream.linear.scatter [tilespmem:s24], [sflag:$0x9], $0x2000, $0x38;
	[tilespmem:$0x1E000] =	vst v63  }
0x55: {  	_ =	swait.ge [sflag:s25], $0x2000  }
0x56: {  	[sflag:s25] =	ssyncset.done $0x0  }
0x57: {  	s11 =	rddreg [dreg:$0xe];
	[sflag:s25] =	ssyncadd.s32 $0xFFFFE000  }
0x58: {  	[spmem:s11] =	stream.linear.scatter [tilespmem:s24], [sflag:$0x9], $0x2000, $0x38;
	[tilespmem:$0x1E000] =	vst v63  }
0x59: {  	_ =	swait.ge [sflag:s25], $0x2000  }
0x5a: {  	[sflag:s25] =	ssyncset.done $0x0  }
0x5b: {  	s12 =	rddreg [dreg:$0xf];
	[sflag:s25] =	ssyncadd.s32 $0xFFFFE000  }
0x5c: {  	[spmem:s12] =	stream.linear.scatter [tilespmem:s24], [sflag:$0x9], $0x2000, $0x38;
	[tilespmem:$0x1E000] =	vst v63  }
0x5d: {  	_ =	swait.ge [sflag:s25], $0x2000  }
0x5e: {  	[sflag:s25] =	ssyncset.done $0x0  }
0x5f: {  	s13 =	rddreg [dreg:$0x10];
	[sflag:s25] =	ssyncadd.s32 $0xFFFFE000  }
0x60: {  	[spmem:s13] =	stream.linear.scatter [tilespmem:s24], [sflag:$0x9], $0x2000, $0x38;
	[tilespmem:$0x1E000] =	vst v63  }
0x61: {  	_ =	swait.ge [sflag:s25], $0x2000  }
0x62: {  	[sflag:s25] =	ssyncset.done $0x0  }
0x63: {  	s15 =	rddreg [dreg:$0x11];
	[sflag:s25] =	ssyncadd.s32 $0xFFFFE000  }
0x64: {  	[spmem:s15] =	stream.linear.scatter [tilespmem:s24], [sflag:$0x9], $0x2000, $0x38;
	[tilespmem:$0x1E000] =	vst v63  }
0x65: {  	_ =	swait.ge [sflag:s25], $0x2000  }
0x66: {  	[sflag:s25] =	ssyncset.done $0x0  }
0x67: {  	s29 =	rddreg [dreg:$0x12];
	[sflag:s25] =	ssyncadd.s32 $0xFFFFE000  }
0x68: {  	[spmem:s29] =	stream.linear.scatter [tilespmem:s24], [sflag:$0x9], $0x2000, $0x38;
	[tilespmem:$0x1E000] =	vst v63  }
.Ltmp3:
0x69: {  	_ =	swait.ge [sflag:s25], $0x2000;
	(pc) =	sbr.rel @p0 .LBB2_9-.Ltmp3, $4  }
.Ltmp4:
0x6a: {  	[sflag:s25] =	ssyncset.done $0x0;
	(pc) =	sbr.rel @!p0 .LBB2_4-.Ltmp4, $4  }
0x6b: {  	[sflag:s25] =	ssyncadd.s32 $0xFFFFE000  }
0x6c: {  	[bflag:$0x0] =	sbarrier.arrive $0xFFFF  }
0x6d: {  	s12 =	simm.s32 $0x0  }
0x6e: {  	_ = 	snop  }
.LBB2_7:
0x6f: {  	s12 =	sadd.s32 $0x1, s12  }
0x70: {  	p1 =	seq.s32 s12, $0x5  }
.Ltmp5:
0x71: {  	_ = 	snop;
	(pc) =	sbr.rel @p1 .LBB2_8-.Ltmp5, $1  }
0x72: {  	_ =	sdelay $0x3  }
.LBB2_4:
0x73: {  	s10 =	sshll.u32 s12, $0xC;
	s8 =	rddreg [dreg:$0x8]  }
0x74: {  	s10 =	sadd.s32 s8, s10  }
0x75: {  	s10 =	sshrl.u32 s10, $0x3  }
0x76: {  	s13 =	sadd.s32 s6, s10  }
0x77: {  	[tilespmem:s2], [sflag:$0x9] =	stream.linear.gather [hbm4b:s13+s2], $0x1000, $0x38;
	[tilespmem:$0x1E000] =	vst v63  }
0x78: {  	_ =	swait.ge [sflag:s25], $0x1000  }
0x79: {  	[sflag:s25] =	ssyncset.done $0x0  }
0x7a: {  	s10 =	sadd.s32 s7, s10;
	[sflag:s25] =	ssyncadd.s32 $0xFFFFF000  }
0x7b: {  	[tilespmem:s26], [sflag:$0x9] =	stream.linear.gather [hbm4b:s10+s2], $0x1000, $0x38;
	[tilespmem:$0x1E000] =	vst v63  }
0x7c: {  	p1 =	seq.s32 s12, $0x0;
	_ =	swait.ge [sflag:s25], $0x1000  }
0x7d: {  	s29 =	simm.s32 @p1 $0x2000;
	[sflag:s25] =	ssyncset.done $0x0  }
0x7e: {  	s13 =	simm.s32 @p1 $0x0;
	s10 =	simm.s32 @p1 $0x40;
	[sflag:s25] =	ssyncadd.s32 $0xFFFFF000  }
0x7f: {  	[tilespmem:s29], [sflag:$0x1] =	stream.indirect.gather @p1 [hbm4b:s3+s10], $0x80, s13, s10, $0xb8;
	[tilespmem:$0x1E000] =	vst v63  }
0x80: {  	s13 =	simm.s32 @p1 $0x80;
	s29 =	simm.s32 @p1 $0x4000  }
0x81: {  	[tilespmem:s29], [sflag:$0x2] =	stream.indirect.gather @p1 [hbm4b:s3+s10], $0x80, s13, s10, $0xb8;
	[tilespmem:$0x1E000] =	vst v63  }
0x82: {  	s13 =	simm.s32 @p1 $0x100;
	s29 =	simm.s32 @p1 $0x6000  }
0x83: {  	[tilespmem:s29], [sflag:$0x3] =	stream.indirect.gather @p1 [hbm4b:s3+s10], $0x80, s13, s10, $0xb8;
	[tilespmem:$0x1E000] =	vst v63  }
0x84: {  	s10 =	simm.s32 @!p1 $0x5  }
0x85: {  	_ =	swait.ge @!p1 [sflag:s10], $0x400  }
0x86: {  	s13 =	simm.s32 @!p1 $0x0;
	[sflag:s10] =	ssyncset.done @!p1 $0x0  }
0x87: {  	s29 =	simm.s32 @!p1 $0x2000;
	[sflag:s10] =	ssyncadd.s32 @!p1 $0xFFFFFC00;
	s10 =	simm.s32 @!p1 $0x40  }
0x88: {  	[tilespmem:s29], [sflag:$0x1] =	stream.indirect.gather @!p1 [hbm4b:s3+s10], $0x80, s13, s10, $0xb8;
	[tilespmem:$0x1E000] =	vst v63  }
0x89: {  	s13 =	simm.s32 @!p1 $0x6  }
0x8a: {  	_ =	swait.ge @!p1 [sflag:s13], $0x400  }
0x8b: {  	[sflag:s13] =	ssyncset.done @!p1 $0x0  }
0x8c: {  	s29 =	simm.s32 @!p1 $0x4000;
	[sflag:s13] =	ssyncadd.s32 @!p1 $0xFFFFFC00;
	s13 =	simm.s32 @!p1 $0x80  }
0x8d: {  	[tilespmem:s29], [sflag:$0x2] =	stream.indirect.gather @!p1 [hbm4b:s3+s10], $0x80, s13, s10, $0xb8;
	[tilespmem:$0x1E000] =	vst v63  }
0x8e: {  	s13 =	simm.s32 @!p1 $0x7  }
0x8f: {  	_ =	swait.ge @!p1 [sflag:s13], $0x400  }
0x90: {  	[sflag:s13] =	ssyncset.done @!p1 $0x0  }
0x91: {  	s29 =	simm.s32 @!p1 $0x6000;
	[sflag:s13] =	ssyncadd.s32 @!p1 $0xFFFFFC00;
	s13 =	simm.s32 @!p1 $0x100  }
0x92: {  	[tilespmem:s29], [sflag:$0x3] =	stream.indirect.gather @!p1 [hbm4b:s3+s10], $0x80, s13, s10, $0xb8;
	[tilespmem:$0x1E000] =	vst v63  }
0x93: {  	s10 =	simm.s32 @!p1 $0x8  }
0x94: {  	_ =	swait.ge @!p1 [sflag:s10], $0x400  }
0x95: {  	[sflag:s10] =	ssyncset.done @!p1 $0x0  }
0x96: {  	s11 =	simm.s32 $0x180;
	[sflag:s10] =	ssyncadd.s32 @!p1 $0xFFFFFC00  }
0x97: {  	[tilespmem:s30], [sflag:$0x4] =	stream.indirect.gather [hbm4b:s3+s28], $0x80, s11, s28, $0xb8;
	[tilespmem:$0x1E000] =	vst v63  }
0x98: {  	_ =	swait.ge [sflag:s31], $0x2000  }
0x99: {  	[sflag:s31] =	ssyncset.done $0x0  }
0x9a: {  	[sflag:s31] =	ssyncadd.s32 $0xFFFFE000  }
0x9b: {  	[spmem:s1] =	stream.indirect.scatter.add.f32 [tilespmem:s24], [sflag:$0x5], $0x80, s26, s28, $0xb8;
	[tilespmem:$0x1E000] =	vst v63  }
0x9c: {  	_ =	swait.ge [sflag:s0], $0x2000  }
0x9d: {  	[sflag:s0] =	ssyncset.done $0x0  }
0x9e: {  	s13 =	simm.s32 $0x1080;
	[sflag:s0] =	ssyncadd.s32 $0xFFFFE000  }
0x9f: {  	[spmem:s1] =	stream.indirect.scatter.add.f32 [tilespmem:s9], [sflag:$0x6], $0x80, s13, s28, $0xb8;
	[tilespmem:$0x1E000] =	vst v63  }
0xa0: {  	_ =	swait.ge [sflag:s5], $0x400  }
0xa1: {  	[sflag:s5] =	ssyncset.done $0x0  }
0xa2: {  	s15 =	simm.s32 $0x200;
	[sflag:s5] =	ssyncadd.s32 $0xFFFFFC00  }
0xa3: {  	[tilespmem:s24], [sflag:$0x1] =	stream.indirect.gather [hbm4b:s3+s28], $0x80, s15, s28, $0xb8;
	[tilespmem:$0x1E000] =	vst v63  }
0xa4: {  	_ =	swait.ge [sflag:s14], $0x2000  }
0xa5: {  	[sflag:s14] =	ssyncset.done $0x0  }
0xa6: {  	s29 =	simm.s32 $0x1100;
	[sflag:s14] =	ssyncadd.s32 $0xFFFFE000  }
0xa7: {  	[spmem:s1] =	stream.indirect.scatter.add.f32 [tilespmem:s16], [sflag:$0x7], $0x80, s29, s28, $0xb8;
	[tilespmem:$0x1E000] =	vst v63  }
0xa8: {  	_ =	swait.ge [sflag:s17], $0x400  }
0xa9: {  	[sflag:s17] =	ssyncset.done $0x0  }
0xaa: {  	[sflag:s17] =	ssyncadd.s32 $0xFFFFFC00  }
0xab: {  	[tilespmem:s9], [sflag:$0x2] =	stream.indirect.gather [hbm4b:s3+s28], $0x80, s18, s28, $0xb8;
	[tilespmem:$0x1E000] =	vst v63  }
0xac: {  	_ =	swait.ge [sflag:s19], $0x2000  }
0xad: {  	[sflag:s19] =	ssyncset.done $0x0  }
0xae: {  	[sflag:s19] =	ssyncadd.s32 $0xFFFFE000  }
0xaf: {  	[spmem:s1] =	stream.indirect.scatter.add.f32 [tilespmem:s30], [sflag:$0x8], $0x80, s20, s28, $0xb8;
	[tilespmem:$0x1E000] =	vst v63  }
0xb0: {  	_ =	swait.ge [sflag:s21], $0x400  }
0xb1: {  	[sflag:s21] =	ssyncset.done $0x0  }
0xb2: {  	s10 =	simm.s32 $0x0;
	[sflag:s21] =	ssyncadd.s32 $0xFFFFFC00  }
0xb3: {  	[tilespmem:s16], [sflag:$0x3] =	stream.indirect.gather [hbm4b:s3+s28], $0x80, s22, s28, $0xb8;
	[tilespmem:$0x1E000] =	vst v63  }
.LBB2_5:
0xb4: {  	_ =	swait.ge [sflag:s31], $0x2000  }
0xb5: {  	s13 =	sshra.s32 s10, $0x2;
	[sflag:s31] =	ssyncset.done $0x0  }
0xb6: {  	s29 =	sadd.s32 $0x1200, s13;
	[sflag:s31] =	ssyncadd.s32 $0xFFFFE000  }
0xb7: {  	[spmem:s1] =	stream.indirect.scatter.add.f32 [tilespmem:s24], [sflag:$0x5], $0x80, s29, s28, $0xb8;
	[tilespmem:$0x1E000] =	vst v63  }
0xb8: {  	_ =	swait.ge [sflag:s23], $0x400  }
0xb9: {  	[sflag:s23] =	ssyncset.done $0x0  }
0xba: {  	s11 =	sadd.s32 $0x380, s13;
	[sflag:s23] =	ssyncadd.s32 $0xFFFFFC00  }
0xbb: {  	[tilespmem:s30], [sflag:$0x4] =	stream.indirect.gather [hbm4b:s3+s28], $0x80, s11, s28, $0xb8;
	[tilespmem:$0x1E000] =	vst v63  }
0xbc: {  	_ =	swait.ge [sflag:s0], $0x2000  }
0xbd: {  	p1 =	seq.s32 s10, $0x3000;
	[sflag:s0] =	ssyncset.done $0x0  }
0xbe: {  	s15 =	sadd.s32 $0x1280, s13;
	s29 =	simm.s32 @p1 $0x3;
	[sflag:s0] =	ssyncadd.s32 $0xFFFFE000  }
0xbf: {  	[spmem:s1] =	stream.indirect.scatter.add.f32 [tilespmem:s9], [sflag:$0x6], $0x80, s15, s28, $0xb8;
	[tilespmem:$0x1E000] =	vst v63  }
0xc0: {  	_ =	swait.ge @p1 [sflag:s29], $0x2000  }
0xc1: {  	[sflag:s29] =	ssyncset.done @p1 $0x0  }
0xc2: {  	[sflag:s29] =	ssyncadd.s32 @p1 $0xFFFFE000;
	s29 =	sshra.s32 @p1 s10, $0x2  }
0xc3: {  	s8 =	simm.s32 @p1 $0x40;
	s11 =	simm.s32 @p1 $0x6000;
	s29 =	sadd.s32 @p1 $0x1300, s29  }
0xc4: {  	[spmem:s1] =	stream.indirect.scatter.add.f32 @p1 [tilespmem:s11], [sflag:$0x7], $0x80, s29, s8, $0xb8;
	[tilespmem:$0x1E000] =	vst v63  }
0xc5: {  	s8 =	simm.s32 @!p1 $0x5  }
0xc6: {  	_ =	swait.ge @!p1 [sflag:s8], $0x400  }
0xc7: {  	[sflag:s8] =	ssyncset.done @!p1 $0x0  }
0xc8: {  	[sflag:s8] =	ssyncadd.s32 @!p1 $0xFFFFFC00;
	s8 =	sshra.s32 @!p1 s10, $0x2  }
0xc9: {  	s15 =	simm.s32 @!p1 $0x2000;
	s29 =	simm.s32 @!p1 $0x40;
	s11 =	sadd.s32 @!p1 $0x400, s8  }
0xca: {  	[tilespmem:s15], [sflag:$0x1] =	stream.indirect.gather @!p1 [hbm4b:s3+s29], $0x80, s11, s29, $0xb8;
	[tilespmem:$0x1E000] =	vst v63  }
0xcb: {  	s11 =	simm.s32 @!p1 $0x3  }
0xcc: {  	_ =	swait.ge @!p1 [sflag:s11], $0x2000  }
0xcd: {  	[sflag:s11] =	ssyncset.done @!p1 $0x0  }
0xce: {  	s15 =	simm.s32 @!p1 $0x6000;
	[sflag:s11] =	ssyncadd.s32 @!p1 $0xFFFFE000;
	s11 =	sadd.s32 @!p1 $0x1300, s8  }
0xcf: {  	[spmem:s1] =	stream.indirect.scatter.add.f32 @!p1 [tilespmem:s15], [sflag:$0x7], $0x80, s11, s29, $0xb8;
	[tilespmem:$0x1E000] =	vst v63  }
0xd0: {  	s11 =	simm.s32 @!p1 $0x6  }
0xd1: {  	_ =	swait.ge @!p1 [sflag:s11], $0x400  }
0xd2: {  	[sflag:s11] =	ssyncset.done @!p1 $0x0  }
0xd3: {  	s8 =	sadd.s32 @!p1 $0x480, s8;
	[sflag:s11] =	ssyncadd.s32 @!p1 $0xFFFFFC00;
	s11 =	simm.s32 @!p1 $0x4000  }
0xd4: {  	[tilespmem:s11], [sflag:$0x2] =	stream.indirect.gather @!p1 [hbm4b:s3+s29], $0x80, s8, s29, $0xb8;
	[tilespmem:$0x1E000] =	vst v63  }
.Ltmp6:
0xd5: {  	_ = 	snop;
	(pc) =	sbr.rel @p1 .LBB2_7-.Ltmp6, $4  }
0xd6: {  	_ =	swait.ge [sflag:s19], $0x2000  }
0xd7: {  	[sflag:s19] =	ssyncset.done $0x0  }
0xd8: {  	s29 =	sadd.s32 $0x1380, s13;
	[sflag:s19] =	ssyncadd.s32 $0xFFFFE000  }
0xd9: {  	[spmem:s1] =	stream.indirect.scatter.add.f32 [tilespmem:s30], [sflag:$0x8], $0x80, s29, s28, $0xb8;
	[tilespmem:$0x1E000] =	vst v63  }
.Ltmp7:
0xda: {  	(pc) =	sbr.rel .LBB2_5-.Ltmp7, $4  }
0xdb: {  	_ =	swait.ge [sflag:s21], $0x400  }
0xdc: {  	[sflag:s21] =	ssyncset.done $0x0  }
0xdd: {  	s8 =	sadd.s32 $0x500, s13;
	s10 =	sadd.s32 $0x800, s10;
	[sflag:s21] =	ssyncadd.s32 $0xFFFFFC00  }
0xde: {  	[tilespmem:s16], [sflag:$0x3] =	stream.indirect.gather [hbm4b:s3+s28], $0x80, s8, s28, $0xb8;
	[tilespmem:$0x1E000] =	vst v63  }
.LBB2_12:
0xdf: {  	s12 =	sadd.s32 $0x1, s12  }
0xe0: {  	p1 =	sne.s32 s12, $0x5  }
.Ltmp8:
0xe1: {  	_ = 	snop;
	(pc) =	sbr.rel @!p1 .LBB2_13-.Ltmp8, $1  }
0xe2: {  	_ =	sdelay $0x3  }
.LBB2_9:
0xe3: {  	s8 =	sshll.u32 s12, $0xC;
	s10 =	rddreg [dreg:$0x5]  }
0xe4: {  	s8 =	sadd.s32 s10, s8  }
0xe5: {  	s8 =	sshrl.u32 s8, $0x3  }
0xe6: {  	s29 =	sadd.s32 s6, s8  }
0xe7: {  	[tilespmem:s2], [sflag:$0x9] =	stream.linear.gather [hbm4b:s29+s2], $0x1000, $0x38;
	[tilespmem:$0x1E000] =	vst v63  }
0xe8: {  	_ =	swait.ge [sflag:s25], $0x1000  }
0xe9: {  	[sflag:s25] =	ssyncset.done $0x0  }
0xea: {  	s8 =	sadd.s32 s7, s8;
	[sflag:s25] =	ssyncadd.s32 $0xFFFFF000  }
0xeb: {  	[tilespmem:s26], [sflag:$0x9] =	stream.linear.gather [hbm4b:s8+s2], $0x1000, $0x38;
	[tilespmem:$0x1E000] =	vst v63  }
0xec: {  	p1 =	seq.s32 s12, $0x0;
	_ =	swait.ge [sflag:s25], $0x1000  }
0xed: {  	s10 =	simm.s32 @p1 $0x0;
	[sflag:s25] =	ssyncset.done $0x0  }
0xee: {  	s11 =	simm.s32 @p1 $0x2000;
	s8 =	simm.s32 @p1 $0x40;
	[sflag:s25] =	ssyncadd.s32 $0xFFFFF000  }
0xef: {  	[tilespmem:s11], [sflag:$0x1] =	stream.indirect.gather @p1 [hbm4b:s4+s8], $0x80, s10, s8, $0xb8;
	[tilespmem:$0x1E000] =	vst v63  }
0xf0: {  	s10 =	simm.s32 @p1 $0x80;
	s11 =	simm.s32 @p1 $0x4000  }
0xf1: {  	[tilespmem:s11], [sflag:$0x2] =	stream.indirect.gather @p1 [hbm4b:s4+s8], $0x80, s10, s8, $0xb8;
	[tilespmem:$0x1E000] =	vst v63  }
0xf2: {  	s10 =	simm.s32 @p1 $0x100;
	s11 =	simm.s32 @p1 $0x6000  }
0xf3: {  	[tilespmem:s11], [sflag:$0x3] =	stream.indirect.gather @p1 [hbm4b:s4+s8], $0x80, s10, s8, $0xb8;
	[tilespmem:$0x1E000] =	vst v63  }
0xf4: {  	s8 =	simm.s32 @!p1 $0x5  }
0xf5: {  	_ =	swait.ge @!p1 [sflag:s8], $0x400  }
0xf6: {  	s10 =	simm.s32 @!p1 $0x0;
	[sflag:s8] =	ssyncset.done @!p1 $0x0  }
0xf7: {  	s11 =	simm.s32 @!p1 $0x2000;
	[sflag:s8] =	ssyncadd.s32 @!p1 $0xFFFFFC00;
	s8 =	simm.s32 @!p1 $0x40  }
0xf8: {  	[tilespmem:s11], [sflag:$0x1] =	stream.indirect.gather @!p1 [hbm4b:s4+s8], $0x80, s10, s8, $0xb8;
	[tilespmem:$0x1E000] =	vst v63  }
0xf9: {  	s10 =	simm.s32 @!p1 $0x6  }
0xfa: {  	_ =	swait.ge @!p1 [sflag:s10], $0x400  }
0xfb: {  	[sflag:s10] =	ssyncset.done @!p1 $0x0  }
0xfc: {  	s11 =	simm.s32 @!p1 $0x4000;
	[sflag:s10] =	ssyncadd.s32 @!p1 $0xFFFFFC00;
	s10 =	simm.s32 @!p1 $0x80  }
0xfd: {  	[tilespmem:s11], [sflag:$0x2] =	stream.indirect.gather @!p1 [hbm4b:s4+s8], $0x80, s10, s8, $0xb8;
	[tilespmem:$0x1E000] =	vst v63  }
0xfe: {  	s10 =	simm.s32 @!p1 $0x7  }
0xff: {  	_ =	swait.ge @!p1 [sflag:s10], $0x400  }
0x100: {  	[sflag:s10] =	ssyncset.done @!p1 $0x0  }
0x101: {  	s11 =	simm.s32 @!p1 $0x6000;
	[sflag:s10] =	ssyncadd.s32 @!p1 $0xFFFFFC00;
	s10 =	simm.s32 @!p1 $0x100  }
0x102: {  	[tilespmem:s11], [sflag:$0x3] =	stream.indirect.gather @!p1 [hbm4b:s4+s8], $0x80, s10, s8, $0xb8;
	[tilespmem:$0x1E000] =	vst v63  }
0x103: {  	s8 =	simm.s32 @!p1 $0x8  }
0x104: {  	_ =	swait.ge @!p1 [sflag:s8], $0x400  }
0x105: {  	[sflag:s8] =	ssyncset.done @!p1 $0x0  }
0x106: {  	s11 =	simm.s32 $0x180;
	[sflag:s8] =	ssyncadd.s32 @!p1 $0xFFFFFC00  }
0x107: {  	[tilespmem:s30], [sflag:$0x4] =	stream.indirect.gather [hbm4b:s4+s28], $0x80, s11, s28, $0xb8;
	[tilespmem:$0x1E000] =	vst v63  }
0x108: {  	_ =	swait.ge [sflag:s31], $0x2000  }
0x109: {  	[sflag:s31] =	ssyncset.done $0x0  }
0x10a: {  	[sflag:s31] =	ssyncadd.s32 $0xFFFFE000  }
0x10b: {  	[spmem:s1] =	stream.indirect.scatter.add.f32 [tilespmem:s24], [sflag:$0x5], $0x80, s26, s28, $0xb8;
	[tilespmem:$0x1E000] =	vst v63  }
0x10c: {  	_ =	swait.ge [sflag:s0], $0x2000  }
0x10d: {  	[sflag:s0] =	ssyncset.done $0x0  }
0x10e: {  	s13 =	simm.s32 $0x1080;
	[sflag:s0] =	ssyncadd.s32 $0xFFFFE000  }
0x10f: {  	[spmem:s1] =	stream.indirect.scatter.add.f32 [tilespmem:s9], [sflag:$0x6], $0x80, s13, s28, $0xb8;
	[tilespmem:$0x1E000] =	vst v63  }
0x110: {  	_ =	swait.ge [sflag:s5], $0x400  }
0x111: {  	[sflag:s5] =	ssyncset.done $0x0  }
0x112: {  	s15 =	simm.s32 $0x200;
	[sflag:s5] =	ssyncadd.s32 $0xFFFFFC00  }
0x113: {  	[tilespmem:s24], [sflag:$0x1] =	stream.indirect.gather [hbm4b:s4+s28], $0x80, s15, s28, $0xb8;
	[tilespmem:$0x1E000] =	vst v63  }
0x114: {  	_ =	swait.ge [sflag:s14], $0x2000  }
0x115: {  	[sflag:s14] =	ssyncset.done $0x0  }
0x116: {  	s29 =	simm.s32 $0x1100;
	[sflag:s14] =	ssyncadd.s32 $0xFFFFE000  }
0x117: {  	[spmem:s1] =	stream.indirect.scatter.add.f32 [tilespmem:s16], [sflag:$0x7], $0x80, s29, s28, $0xb8;
	[tilespmem:$0x1E000] =	vst v63  }
0x118: {  	_ =	swait.ge [sflag:s17], $0x400  }
0x119: {  	[sflag:s17] =	ssyncset.done $0x0  }
0x11a: {  	[sflag:s17] =	ssyncadd.s32 $0xFFFFFC00  }
0x11b: {  	[tilespmem:s9], [sflag:$0x2] =	stream.indirect.gather [hbm4b:s4+s28], $0x80, s18, s28, $0xb8;
	[tilespmem:$0x1E000] =	vst v63  }
0x11c: {  	_ =	swait.ge [sflag:s19], $0x2000  }
0x11d: {  	[sflag:s19] =	ssyncset.done $0x0  }
0x11e: {  	[sflag:s19] =	ssyncadd.s32 $0xFFFFE000  }
0x11f: {  	[spmem:s1] =	stream.indirect.scatter.add.f32 [tilespmem:s30], [sflag:$0x8], $0x80, s20, s28, $0xb8;
	[tilespmem:$0x1E000] =	vst v63  }
0x120: {  	_ =	swait.ge [sflag:s21], $0x400  }
0x121: {  	[sflag:s21] =	ssyncset.done $0x0  }
0x122: {  	s10 =	simm.s32 $0x0;
	[sflag:s21] =	ssyncadd.s32 $0xFFFFFC00  }
0x123: {  	[tilespmem:s16], [sflag:$0x3] =	stream.indirect.gather [hbm4b:s4+s28], $0x80, s22, s28, $0xb8;
	[tilespmem:$0x1E000] =	vst v63  }
.LBB2_10:
0x124: {  	_ =	swait.ge [sflag:s31], $0x2000  }
0x125: {  	s13 =	sshra.s32 s10, $0x2;
	[sflag:s31] =	ssyncset.done $0x0  }
0x126: {  	s8 =	sadd.s32 $0x1200, s13;
	[sflag:s31] =	ssyncadd.s32 $0xFFFFE000  }
0x127: {  	[spmem:s1] =	stream.indirect.scatter.add.f32 [tilespmem:s24], [sflag:$0x5], $0x80, s8, s28, $0xb8;
	[tilespmem:$0x1E000] =	vst v63  }
0x128: {  	_ =	swait.ge [sflag:s23], $0x400  }
0x129: {  	[sflag:s23] =	ssyncset.done $0x0  }
0x12a: {  	s11 =	sadd.s32 $0x380, s13;
	[sflag:s23] =	ssyncadd.s32 $0xFFFFFC00  }
0x12b: {  	[tilespmem:s30], [sflag:$0x4] =	stream.indirect.gather [hbm4b:s4+s28], $0x80, s11, s28, $0xb8;
	[tilespmem:$0x1E000] =	vst v63  }
0x12c: {  	_ =	swait.ge [sflag:s0], $0x2000  }
0x12d: {  	p1 =	seq.s32 s10, $0x3000;
	[sflag:s0] =	ssyncset.done $0x0  }
0x12e: {  	s15 =	sadd.s32 $0x1280, s13;
	s8 =	simm.s32 @p1 $0x3;
	[sflag:s0] =	ssyncadd.s32 $0xFFFFE000  }
0x12f: {  	[spmem:s1] =	stream.indirect.scatter.add.f32 [tilespmem:s9], [sflag:$0x6], $0x80, s15, s28, $0xb8;
	[tilespmem:$0x1E000] =	vst v63  }
0x130: {  	_ =	swait.ge @p1 [sflag:s8], $0x2000  }
0x131: {  	[sflag:s8] =	ssyncset.done @p1 $0x0  }
0x132: {  	[sflag:s8] =	ssyncadd.s32 @p1 $0xFFFFE000;
	s8 =	sshra.s32 @p1 s10, $0x2  }
0x133: {  	s11 =	simm.s32 @p1 $0x40;
	s15 =	simm.s32 @p1 $0x6000;
	s8 =	sadd.s32 @p1 $0x1300, s8  }
0x134: {  	[spmem:s1] =	stream.indirect.scatter.add.f32 @p1 [tilespmem:s15], [sflag:$0x7], $0x80, s8, s11, $0xb8;
	[tilespmem:$0x1E000] =	vst v63  }
0x135: {  	s8 =	simm.s32 @!p1 $0x5  }
0x136: {  	_ =	swait.ge @!p1 [sflag:s8], $0x400  }
0x137: {  	[sflag:s8] =	ssyncset.done @!p1 $0x0  }
0x138: {  	[sflag:s8] =	ssyncadd.s32 @!p1 $0xFFFFFC00;
	s8 =	sshra.s32 @!p1 s10, $0x2  }
0x139: {  	s29 =	simm.s32 @!p1 $0x2000;
	s15 =	simm.s32 @!p1 $0x40;
	s11 =	sadd.s32 @!p1 $0x400, s8  }
0x13a: {  	[tilespmem:s29], [sflag:$0x1] =	stream.indirect.gather @!p1 [hbm4b:s4+s15], $0x80, s11, s15, $0xb8;
	[tilespmem:$0x1E000] =	vst v63  }
0x13b: {  	s11 =	simm.s32 @!p1 $0x3  }
0x13c: {  	_ =	swait.ge @!p1 [sflag:s11], $0x2000  }
0x13d: {  	[sflag:s11] =	ssyncset.done @!p1 $0x0  }
0x13e: {  	s29 =	simm.s32 @!p1 $0x6000;
	[sflag:s11] =	ssyncadd.s32 @!p1 $0xFFFFE000;
	s11 =	sadd.s32 @!p1 $0x1300, s8  }
0x13f: {  	[spmem:s1] =	stream.indirect.scatter.add.f32 @!p1 [tilespmem:s29], [sflag:$0x7], $0x80, s11, s15, $0xb8;
	[tilespmem:$0x1E000] =	vst v63  }
0x140: {  	s11 =	simm.s32 @!p1 $0x6  }
0x141: {  	_ =	swait.ge @!p1 [sflag:s11], $0x400  }
0x142: {  	[sflag:s11] =	ssyncset.done @!p1 $0x0  }
0x143: {  	s8 =	sadd.s32 @!p1 $0x480, s8;
	[sflag:s11] =	ssyncadd.s32 @!p1 $0xFFFFFC00;
	s11 =	simm.s32 @!p1 $0x4000  }
0x144: {  	[tilespmem:s11], [sflag:$0x2] =	stream.indirect.gather @!p1 [hbm4b:s4+s15], $0x80, s8, s15, $0xb8;
	[tilespmem:$0x1E000] =	vst v63  }
.Ltmp9:
0x145: {  	_ = 	snop;
	(pc) =	sbr.rel @p1 .LBB2_12-.Ltmp9, $4  }
0x146: {  	_ =	swait.ge [sflag:s19], $0x2000  }
0x147: {  	[sflag:s19] =	ssyncset.done $0x0  }
0x148: {  	s29 =	sadd.s32 $0x1380, s13;
	[sflag:s19] =	ssyncadd.s32 $0xFFFFE000  }
0x149: {  	[spmem:s1] =	stream.indirect.scatter.add.f32 [tilespmem:s30], [sflag:$0x8], $0x80, s29, s28, $0xb8;
	[tilespmem:$0x1E000] =	vst v63  }
.Ltmp10:
0x14a: {  	(pc) =	sbr.rel .LBB2_10-.Ltmp10, $4  }
0x14b: {  	_ =	swait.ge [sflag:s21], $0x400  }
0x14c: {  	[sflag:s21] =	ssyncset.done $0x0  }
0x14d: {  	s8 =	sadd.s32 $0x500, s13;
	s10 =	sadd.s32 $0x800, s10;
	[sflag:s21] =	ssyncadd.s32 $0xFFFFFC00  }
0x14e: {  	[tilespmem:s16], [sflag:$0x3] =	stream.indirect.gather [hbm4b:s4+s28], $0x80, s8, s28, $0xb8;
	[tilespmem:$0x1E000] =	vst v63  }
.LBB2_8:
.Ltmp11:
0x14f: {  	(pc) =	sbr.rel .LBB2_14-.Ltmp11, $3  }
0x150: {  	_ =	sdelay $0x1  }
0x151: {  	s10 =	rddreg [dreg:$0x3]  }
0x152: {  	s12 =	rddreg [dreg:$0x13]  }
.LBB2_15:
0x153: {  	_ =	sfence.sel $0x180000  }
0x154: {  	[bflag:$0x0] =	sbarrier.arrive $0xFFFF  }
0x155: {  	_ =	strace $0x9000004D  }
0x156: {  	s0 =	stileid.u32;
	[bflag:$0x2] =	sbarrier.arrive $0xFFFF  }
0x157: {  	p0 =	sne.s32 s0, $0x0;
	s0 =	rddreg [dreg:$0x2]  }
0x158: {  	s0 =	sadd.s32 @!p0 $0x100000, s0  }
0x159: {  	[sflag:s0] =	ssyncadd.tile.s32 @!p0 $0x1;
	_ =	shalt  }
.Lfunc_end2:
_tile_overlayer_lowered:
.L_overlay_start_2:
0x15a: {  	(tag) =	ssettag $0x2  }
0x15b: {  	s0 =	rddreg [dreg:$0x0];
	s2 =	stileid.u32  }
0x15c: {  	s1 =	rddreg [dreg:$0x1];
	p0 =	sne.s32 s2, $0x0  }
0x15d: {  	s3 =	rddreg [dreg:$0x2];
	[bflag:$0x3] =	sbarrier.arrive $0xFFFF;
	s2 =	simm.s32 @!p0 $0x1C09  }
0x15e: {  	[timem:s3], [sflag:s2] =	dma.local @!p0 [hbm:s0], s1  }
0x15f: {  	s0 =	simm.s32 @!p0 $0x9  }
0x160: {  	_ =	swait.ge @!p0 [sflag:s0], s1  }
0x161: {  	s1 =	ssub.s32 @!p0 $0x0, s1;
	[sflag:s0] =	ssyncset.done @!p0 $0x0  }
0x162: {  	[sflag:s0] =	ssyncadd.s32 @!p0 s1  }
0x163: {  	[bflag:$0x3] =	sbarrier.arrive $0xFFFF  }
0x164: {  	_ =	shalt  }

// kernel: kernel.9.cloned.1.call-start
scs
__scs_entry_jumppad:
0x0: {  	(pc) =	sbr.rel $0x88, $3  }
0x1: {  	(tag) =	ssettag $0x0;
	lr =	simm.s32 $0x1  }
0x2: {  	[smem:$0x3F99] =	sst lr;
	_ =	strace $0xD0000000  }
0x3: {  	_ = 	snop  }
0x4: {  	_ = 	snop  }
0x5: {  	_ = 	snop  }
0x6: {  	_ = 	snop  }
0x7: {  	_ = 	snop  }
__scs_overlays_trampoline_lowered:
0x8: {  	[smem:$0x3FA8] =	sst s0  }
0x9: {  	[smem:$0x3FA9] =	sst s1  }
0xa: {  	[smem:$0x3FAA] =	sst s2  }
0xb: {  	[smem:$0x3FAB] =	sst s3  }
0xc: {  	[smem:$0x3FAC] =	sst s4  }
0xd: {  	[smem:$0x3FAD] =	sst s5  }
0xe: {  	[smem:$0x3FAE] =	sst s6  }
0xf: {  	[smem:$0x3FAF] =	sst s7  }
0x10: {  	[smem:$0x3FB0] =	sst s8  }
0x11: {  	[smem:$0x3FB1] =	sst s9;
	s0 =	simm.s32 @!p0 $0x0  }
0x12: {  	s1 =	sld [smem:$0x3F97];
	s0 =	simm.s32 @p0 $0x1  }
0x13: {  	[smem:$0x3FB2] =	sst s0;
	s0 =	simm.s32 @!p1 $0x0  }
0x14: {  	s2 =	sld [smem:$0x3F96];
	s0 =	simm.s32 @p1 $0x1  }
0x15: {  	[smem:$0x3FB3] =	sst s0;
	s0 =	simm.s32 @!p2 $0x0  }
0x16: {  	s3 =	sld [smem:$0x3FDB];
	s0 =	simm.s32 @p2 $0x1  }
0x17: {  	s4 =	simm.s32 $0x1BF5;
	[smem:$0x3FB5] =	sst s0  }
0x18: {  	s0 =	sld [smem:$0x3F98];
	_ =	swait.ge [sflag:s4], $0x0  }
0x19: {  	s7 =	sld [smem:$0x3F99]  }
0x1a: {  	s8 =	sadd.s32 $0xFFFFE003, lr  }
0x1b: {  	s9 =	sadd.s32 $0xFFFFFEF7, lr;
	s5 =	simm.s32 $0xFFFFFFFF;
	p2 =	slt.u32 s8, $0xFFFFF086  }
0x1c: {  	p1 =	slt.u32 s9, $0xF7A;
	s5 =	simm.s32 @!p2 $0x0  }
0x1d: {  	s5 =	simm.s32 @p1 $0x1;
	p0 =	seq.s32 s7, s2  }
0x1e: {  	s7 =	smul.u32 @!p0 $0xF7A, s2;
	p2 =	seq.s32 @!p0 s5, $0x0  }
0x1f: {  	s9 =	smul.u32 $0xF7A, s1;
	s8 =	simm.s32 @!p0 $0x1BF5;
	p2 =	por !p2, p0  }
0x20: {  	[sflag:s8] =	ssyncset.s32 @!p0 $0xFFFFF086;
	s6 =	sadd.s32 @!p0 s3, s7;
	s7 =	simm.s32 @!p0 $0x108  }
0x21: {  	s3 =	sadd.s32 s3, s9;
	s6 =	sadd.s32 @!p0 $0x88, s6;
	s7 =	simm.s32 @p2 $0x1082  }
0x22: {  	[simem:s7], [sflag:s8] =	dma.local @!p0 [hbm:s6], $0xF7A  }
0x23: {  	s9 =	sor.u32 $0xD0000000, s2;
	s6 =	simm.s32 $0x108;
	_ =	swait.ge @!p0 [sflag:s8], $0x0  }
0x24: {  	s3 =	sadd.s32 $0x88, s3;
	s6 =	simm.s32 @!p1 $0x1082;
	[sflag:s4] =	ssyncset.s32 $0xFFFFF086  }
0x25: {  	[simem:s6], [sflag:s4] =	dma.local [hbm:s3], $0xF7A  }
0x26: {  	[smem:$0x3F99] =	sst s1;
	(tag) =	ssettag s2;
	_ =	strace s9  }
0x27: {  	s1 =	sld [smem:$0x3FA9]  }
0x28: {  	s2 =	sld [smem:$0x3FAA]  }
0x29: {  	s4 =	sld [smem:$0x3FAC]  }
0x2a: {  	p0 =	seq.s32 s5, $0x0;
	s5 =	sld [smem:$0x3FAD]  }
0x2b: {  	s6 =	sld [smem:$0x3FAE]  }
0x2c: {  	s7 =	sld [smem:$0x3FAF]  }
0x2d: {  	s3 =	simm.s32 $0x108;
	s8 =	sld [smem:$0x3FB0]  }
0x2e: {  	s3 =	simm.s32 @!p0 $0x1082;
	s9 =	sld [smem:$0x3FB1]  }
0x2f: {  	lr =	sadd.s32 s0, s3;
	s0 =	sld [smem:$0x3FA8]  }
0x30: {  	s3 =	sld [smem:$0x3FAB]  }
0x31: {  	[smem:$0x3FB4] =	sst s10  }
0x32: {  	s10 =	sld [smem:$0x3FB2];
	_ =	sdelay $0x3  }
0x33: {  	p0 =	seq.s32 s10, $0x1;
	s10 =	sld [smem:$0x3FB4];
	_ =	sdelay $0x3  }
0x34: {  	[smem:$0x3FB4] =	sst s10  }
0x35: {  	s10 =	sld [smem:$0x3FB3];
	_ =	sdelay $0x3  }
0x36: {  	p1 =	seq.s32 s10, $0x1;
	s10 =	sld [smem:$0x3FB4];
	_ =	sdelay $0x3  }
0x37: {  	[smem:$0x3FB4] =	sst s10  }
0x38: {  	s10 =	sld [smem:$0x3FB5]  }
0x39: {  	_ = 	snop;
	(pc) =	sbr.ind lr, $3  }
0x3a: {  	_ = 	snop  }
0x3b: {  	_ = 	snop  }
0x3c: {  	p2 =	seq.s32 s10, $0x1;
	s10 =	sld [smem:$0x3FB4]  }
0x3d: {  	_ =	shalt  }
0x3e: {  	_ =	shalt  }
0x3f: {  	_ =	shalt  }
0x40: {  	_ =	shalt  }
0x41: {  	_ =	shalt  }
0x42: {  	_ =	shalt  }
0x43: {  	_ =	shalt  }
0x44: {  	_ =	shalt  }
0x45: {  	_ =	shalt  }
0x46: {  	_ =	shalt  }
0x47: {  	_ =	shalt  }
0x48: {  	_ =	shalt  }
0x49: {  	_ =	shalt  }
0x4a: {  	_ =	shalt  }
0x4b: {  	_ =	shalt  }
0x4c: {  	_ =	shalt  }
0x4d: {  	_ =	shalt  }
0x4e: {  	_ =	shalt  }
0x4f: {  	_ =	shalt  }
0x50: {  	_ =	shalt  }
0x51: {  	_ =	shalt  }
0x52: {  	_ =	shalt  }
0x53: {  	_ =	shalt  }
0x54: {  	_ =	shalt  }
0x55: {  	_ =	shalt  }
0x56: {  	_ =	shalt  }
0x57: {  	_ =	shalt  }
0x58: {  	_ =	shalt  }
0x59: {  	_ =	shalt  }
0x5a: {  	_ =	shalt  }
0x5b: {  	_ =	shalt  }
0x5c: {  	_ =	shalt  }
0x5d: {  	_ =	shalt  }
0x5e: {  	_ =	shalt  }
0x5f: {  	_ =	shalt  }
0x60: {  	_ =	shalt  }
0x61: {  	_ =	shalt  }
0x62: {  	_ =	shalt  }
0x63: {  	_ =	shalt  }
0x64: {  	_ =	shalt  }
0x65: {  	_ =	shalt  }
0x66: {  	_ =	shalt  }
0x67: {  	_ =	shalt  }
0x68: {  	_ =	shalt  }
0x69: {  	_ =	shalt  }
0x6a: {  	_ =	shalt  }
0x6b: {  	_ =	shalt  }
0x6c: {  	_ =	shalt  }
0x6d: {  	_ =	shalt  }
0x6e: {  	_ =	shalt  }
0x6f: {  	_ =	shalt  }
0x70: {  	_ =	shalt  }
0x71: {  	_ =	shalt  }
0x72: {  	_ =	shalt  }
0x73: {  	_ =	shalt  }
0x74: {  	_ =	shalt  }
0x75: {  	_ =	shalt  }
0x76: {  	_ =	shalt  }
0x77: {  	_ =	shalt  }
0x78: {  	_ =	shalt  }
0x79: {  	_ =	shalt  }
0x7a: {  	_ =	shalt  }
0x7b: {  	_ =	shalt  }
0x7c: {  	_ =	shalt  }
0x7d: {  	_ =	shalt  }
0x7e: {  	_ =	shalt  }
0x7f: {  	_ =	shalt  }
0x80: {  	_ =	shalt  }
0x81: {  	_ =	shalt  }
0x82: {  	_ =	shalt  }
0x83: {  	_ =	shalt  }
0x84: {  	_ =	shalt  }
0x85: {  	_ =	shalt  }
0x86: {  	_ =	shalt  }
0x87: {  	_ =	shalt  }
.Lfunc_end0:
.L_simem_size_0:
called_computation_lowered:
.L_overlay_start_0:
0x88: {  	s2 =	sld [smem:$0x3FD9]  }
0x89: {  	s3 =	sld [smem:$0x3FFE];
	_ =	sdelay $0x1  }
0x8a: {  	s1 =	srdreg.scid  }
0x8b: {  	s0 =	sand.u32 $0x1, s1  }
0x8c: {  	s17 =	sshll.u32 s0, $0xA;
	s2 =	sadd.s32 s3, s2  }
0x8d: {  	s2 =	sadd.s32 s2, s17  }
0x8e: {  	[smem:$0x3FC0] =	sst s2  }
0x8f: {  	_ = 	snop  }
0x90: {  	s2 =	sld [smem:$0x3FD0];
	(tm) =	ssettm $0x1  }
0x91: {  	s18 =	sld [smem:$0x3FFB];
	_ =	sdelay $0x3  }
0x92: {  	_ =	strace s18  }
0x93: {  	s3 =	sld [smem:$0x3FFC];
	_ =	sdelay $0x3  }
0x94: {  	_ =	strace s3  }
0x95: {  	s3 =	sld [smem:$0x3FFD];
	_ =	sdelay $0x3  }
0x96: {  	_ =	strace s3  }
0x97: {  	_ =	strace $0x8FFFFFFF  }
0x98: {  	s19 =	sld [smem:$0x3FDB];
	_ =	sdelay $0x1  }
0x99: {  	s4 =	simm.s32 $_scs_section_size  }
0x9a: {  	s5 =	simm.s32 $_size__tile_overlayer_lowered;
	s6 =	simm.s32 $_tile_overlayer_lowered  }
0x9b: {  	s22 =	simm.s32 $0x1BFF;
	s21 =	sshll.u32 s6, $0x1;
	s3 =	sadd.s32 s4, s19  }
0x9c: {  	s7 =	simm.s32 $0x0;
	s20 =	sshll.u32 s5, $0x1;
	s5 =	sadd.s32 s21, s3  }
0x9d: {  	[timem:s7], [sflag:s22] =	dma.local [hbm:s5], s20  }
0x9e: {  	_ =	swait.ge [sflag:s22], s20  }
0x9f: {  	s4 =	ssub.s32 $0x0, s20;
	[sflag:s22] =	ssyncset.done $0x0  }
0xa0: {  	[sflag:s22] =	ssyncadd.s32 s4;
	_ =	sdelay $0x1  }
0xa1: {  	s23 =	simm.s32 $0x1B8B  }
0xa2: {  	_ =	swait.ge [sflag:s23], $0x1  }
0xa3: {  	[sflag:s23] =	ssyncset.done $0x0  }
0xa4: {  	s25 =	simm.s32 $0x1B8E;
	s24 =	sld [smem:$0x3FFE];
	[sflag:s23] =	ssyncadd.s32 $0xFFFFFFFF  }
0xa5: {  	s26 =	simm.s32 $execute0_lowered;
	[smem:$0x3FD2] =	sst s25  }
0xa6: {  	s5 =	sshll.u32 s26, $0x1;
	_ =	strace $0x80000046;
	[dreg:$0x1] =	wrdreg $0xFFFFFFFF  }
0xa7: {  	s28 =	simm.s32 $_size_execute0_lowered;
	s3 =	sadd.s32 s3, s5;
	[dreg:$0x0] =	wrdreg $0x0  }
0xa8: {  	s5 =	sshll.u32 s28, $0x1;
	[dreg:$0x2] =	wrdreg s3  }
0xa9: {  	[dreg:$0x3] =	wrdreg s5  }
0xaa: {  	[dreg:$0x4] =	wrdreg $0xC0  }
0xab: {  	_ =	task [dreg:s7], $0x5FFFF  }
0xac: {  	[dreg:$0x1] =	wrdreg $0xFFFFFFFF  }
0xad: {  	[dreg:$0x0] =	wrdreg $0x60  }
0xae: {  	[dreg:$0x2] =	wrdreg s2  }
0xaf: {  	[dreg:$0x3] =	wrdreg s24  }
0xb0: {  	[dreg:$0x4] =	wrdreg $0x68000  }
0xb1: {  	[dreg:$0x5] =	wrdreg $0x9  }
0xb2: {  	_ =	task.clear_ibuf [dreg:s7], $0x6FFFF;
	_ =	strace $0x90000046  }
0xb3: {  	s29 =	simm.s32 $0x9;
	_ =	strace $0x80000048  }
0xb4: {  	_ =	swait.ge [sflag:s29], $0x1  }
0xb5: {  	[sflag:s29] =	ssyncadd.s32 $0xFFFFFFFF  }
0xb6: {  	_ =	strace $0x90000048  }
0xb7: {  	_ =	sfence  }
0xb8: {  	s30 =	sld [smem:$0x0];
	_ =	sdelay $0x2  }
0xb9: {  	s31 =	sshll.u32 s1, $0xD;
	s1 =	sshrl.u32 s1, $0x2  }
0xba: {  	s3 =	sand.u32 $0x4000, s31;
	s1 =	sadd.s32 s1, s30  }
0xbb: {  	s0 =	sor.u32 s3, s0;
	s1 =	sshll.u32 s1, $0x11  }
0xbc: {  	s0 =	sor.u32 s1, s0  }
0xbd: {  	s0 =	sadd.s32 $0x8F2B, s0  }
0xbe: {  	[sflag:s0] =	ssyncadd.remote.s32 $0x1  }
0xbf: {  	_ =	sfence.sel $0xFFFF  }
0xc0: {  	[dreg:$0x0] =	wrdreg $0xFFFFFFFF;
	(pc) =	sbr.abs _section_cstart, $3  }
0xc1: {  	[dreg:$0x1] =	wrdreg $0xFFFFFFFF  }
0xc2: {  	_ =	task.clear_ibuf [dreg:s7], $0x2FFFF;
	_ =	strace $0x9FFFFFFF  }
0xc3: {  	(tm) =	ssettm $0x7FFFFFFF  }
tec
execute0_lowered:
.L_overlay_start_1:
0x0: {  	(tag) =	ssettag $0x1  }
0x1: {  	s5 =	rddreg [dreg:$0x0]  }
0x2: {  	s9 =	rddreg [dreg:$0x1]  }
0x3: {  	s2 =	rddreg [dreg:$0x2];
	s3 =	srdreg.scid  }
0x4: {  	s0 =	rddreg [dreg:$0x3];
	s1 =	stileid.u32;
	s13 =	simm.s32 $0x1  }
0x5: {  	s14 =	simm.s32 $0x80;
	s6 =	sand.u32 $0x1, s3;
	s7 =	smul.u32 $0x50000, s1  }
0x6: {  	s3 =	simm.s32 $0x0;
	s31 =	smul.u32 $0x2800, s1;
	s15 =	sshll.u32 s1, $0x6  }
0x7: {  	s4 =	sshll.u32 s6, $0x4;
	[smem:$0x7FF] =	sst s3;
	s8 =	ssub.s32 $0x2, s6  }
0x8: {  	p0 =	seq.s32 s6, $0x1;
	s15 =	sor.u32 $0x1C01, s15;
	s4 =	sor.u32 s1, s4  }
0x9: {  	s10 =	sshrl.u32 s8, $0x1;
	s7 =	sshrl.u32 s7, $0x2;
	_ =	strace $0x80000047  }
0xa: {  	s11 =	smul.u32 $0x500, s4;
	s8 =	ssub.s32 s8, s10;
	s10 =	simm.s32 $0x2C200  }
0xb: {  	s4 =	sadd.s32 s7, s2;
	s6 =	smax.u32 s8, $0x1;
	s10 =	simm.s32 @!p0 $0x4200  }
0xc: {  	s7 =	sadd.s32 $0x4000, s4;
	s8 =	sadd.s32 $0x8000, s4;
	s16 =	sshrl.u32 s4, $0x3  }
0xd: {  	s5 =	sadd.s32 s5, s11;
	s12 =	sadd.s32 s10, s9;
	s9 =	sadd.s32 $0xC000, s4  }
0xe: {  	v0 =	vimm.f32 $0.0e+00;
	v1 =	vimm.f32 $1.000000000e+00;
	s10 =	sadd.s32 $0x10000, s4;
	s11 =	sadd.s32 s12, s31;
	s12 =	simm.s32 $0x2800  }
.LBB2_1:
0xf: {  	s17 =	simm.s32 $0x200;
	s18 =	simm.s32 $0x0  }
.LBB2_2:
0x10: {  	p0 =	sne.s32 s17, $0xFE00;
	[tilespmem:s18+$0x2800] =	vst v0;
	s18 =	smov.u32 s17;
	s17 =	sadd.s32 $0x200, s17  }
.Ltmp0:
0x11: {  	(pc) =	sbr.rel @p0 .LBB2_2-.Ltmp0, $2  }
0x12: {  	_ =	sdelay $0x2  }
0x13: {  	s18 =	sshra.s32 s18, $0x2  }
0x14: {  	[tilespmem:s18+$0x2800] =	vst v0  }
0x15: {  	[spmem:s4] =	stream.linear.scatter [tilespmem:s12], [sflag:$0x1], $0x4000, $0x38;
	[tilespmem:$0x9000] =	vst v63  }
0x16: {  	_ =	swait.ge [sflag:s13], $0x4000  }
0x17: {  	[sflag:s13] =	ssyncset.done $0x0  }
0x18: {  	[sflag:s13] =	ssyncadd.s32 $0xFFFFC000  }
0x19: {  	[spmem:s7] =	stream.linear.scatter [tilespmem:s12], [sflag:$0x1], $0x4000, $0x38;
	[tilespmem:$0x9000] =	vst v63  }
0x1a: {  	_ =	swait.ge [sflag:s13], $0x4000  }
0x1b: {  	[sflag:s13] =	ssyncset.done $0x0  }
0x1c: {  	[sflag:s13] =	ssyncadd.s32 $0xFFFFC000  }
0x1d: {  	[spmem:s8] =	stream.linear.scatter [tilespmem:s12], [sflag:$0x1], $0x4000, $0x38;
	[tilespmem:$0x9000] =	vst v63  }
0x1e: {  	_ =	swait.ge [sflag:s13], $0x4000  }
0x1f: {  	[sflag:s13] =	ssyncset.done $0x0  }
0x20: {  	[sflag:s13] =	ssyncadd.s32 $0xFFFFC000  }
0x21: {  	[spmem:s9] =	stream.linear.scatter [tilespmem:s12], [sflag:$0x1], $0x4000, $0x38;
	[tilespmem:$0x9000] =	vst v63  }
0x22: {  	_ =	swait.ge [sflag:s13], $0x4000  }
0x23: {  	[sflag:s13] =	ssyncset.done $0x0  }
0x24: {  	[sflag:s13] =	ssyncadd.s32 $0xFFFFC000  }
0x25: {  	[spmem:s10] =	stream.linear.scatter [tilespmem:s12], [sflag:$0x1], $0x4000, $0x38;
	[tilespmem:$0x9000] =	vst v63  }
0x26: {  	_ =	swait.ge [sflag:s13], $0x4000  }
0x27: {  	[sflag:s13] =	ssyncset.done $0x0  }
0x28: {  	s17 =	simm.s32 $0x0;
	[sflag:s13] =	ssyncadd.s32 $0xFFFFC000  }
0x29: {  	[tilespmem:s17], [sflag:$0x1] =	stream.linear.gather [hbm4b:s5+s17], $0x2800, $0x38;
	[tilespmem:$0x9000] =	vst v63  }
0x2a: {  	_ =	swait.ge [sflag:s13], $0x2800  }
0x2b: {  	[sflag:s13] =	ssyncset.done $0x0  }
0x2c: {  	s18 =	simm.s32 $0x0;
	s17 =	simm.s32 $0x200;
	[sflag:s13] =	ssyncadd.s32 $0xFFFFD800  }
.LBB2_4:
0x2d: {  	p0 =	sne.s32 s17, $0xFE00;
	[tilespmem:s18+$0x2800] =	vst v1;
	s18 =	smov.u32 s17;
	s17 =	sadd.s32 $0x200, s17  }
.Ltmp1:
0x2e: {  	(pc) =	sbr.rel @p0 .LBB2_4-.Ltmp1, $2  }
0x2f: {  	_ =	sdelay $0x2  }
0x30: {  	s18 =	sshra.s32 s18, $0x2  }
0x31: {  	[tilespmem:s18+$0x2800] =	vst v1  }
0x32: {  	s17 =	simm.s32 $0x0;
	[bflag:$0x0] =	sbarrier.arrive $0xFFFF  }
0x33: {  	[spmem:s2] =	stream.indirect.scatter.add.f32 [tilespmem:s12], [sflag:$0x1], $0x10, s17, s14, $0xb8;
	[tilespmem:$0x9000] =	vst v63  }
0x34: {  	_ =	swait.ge [sflag:s13], $0x800  }
0x35: {  	s17 =	simm.s32 $0x200;
	[sflag:s13] =	ssyncset.done $0x0  }
.LBB2_6:
0x36: {  	s18 =	sshra.s32 s17, $0x2;
	[sflag:s13] =	ssyncadd.s32 $0xFFFFF800;
	p0 =	sne.s32 s17, $0x9E00  }
0x37: {  	[spmem:s2] =	stream.indirect.scatter.add.f32 [tilespmem:s12], [sflag:$0x1], $0x10, s18, s14, $0xb8;
	[tilespmem:$0x9000] =	vst v63  }
.Ltmp2:
0x38: {  	_ = 	snop;
	(pc) =	sbr.rel @p0 .LBB2_6-.Ltmp2, $4  }
0x39: {  	_ = 	snop  }
0x3a: {  	s17 =	sadd.s32 $0x200, s17  }
0x3b: {  	_ =	swait.ge [sflag:s13], $0x800  }
0x3c: {  	[sflag:s13] =	ssyncset.done $0x0  }
0x3d: {  	s3 =	sadd.s32 $0x1, s3  }
0x3e: {  	[sflag:s13] =	ssyncadd.s32 $0xFFFFF800;
	p0 =	sne.s32 s3, s6  }
.Ltmp3:
0x3f: {  	[bflag:$0x0] =	sbarrier.arrive $0xFFFF;
	(pc) =	sbr.rel @p0 .LBB2_1-.Ltmp3, $4  }
0x40: {  	[hbm:s11], [sflag:s15] =	dma.local [spmem:s16], $0x2800  }
0x41: {  	_ =	swait.ge [sflag:s13], $0x2800  }
0x42: {  	[sflag:s13] =	ssyncset.done $0x0  }
0x43: {  	[sflag:s13] =	ssyncadd.s32 $0xFFFFD800  }
0x44: {  	_ =	sfence.sel $0x180000  }
0x45: {  	[bflag:$0x0] =	sbarrier.arrive $0xFFFF  }
0x46: {  	p0 =	sne.s32 s1, $0x0;
	_ =	strace $0x90000047  }
0x47: {  	s0 =	sadd.s32 @!p0 $0x100000, s0;
	[bflag:$0x2] =	sbarrier.arrive $0xFFFF  }
0x48: {  	[sflag:s0] =	ssyncadd.tile.s32 @!p0 $0x1;
	_ =	shalt  }
.Lfunc_end2:
_tile_overlayer_lowered:
.L_overlay_start_2:
0x49: {  	(tag) =	ssettag $0x2  }
0x4a: {  	s0 =	rddreg [dreg:$0x0];
	s2 =	stileid.u32  }
0x4b: {  	s1 =	rddreg [dreg:$0x1];
	p0 =	sne.s32 s2, $0x0  }
0x4c: {  	s3 =	rddreg [dreg:$0x2];
	[bflag:$0x3] =	sbarrier.arrive $0xFFFF;
	s2 =	simm.s32 @!p0 $0x1C01  }
0x4d: {  	[timem:s3], [sflag:s2] =	dma.local @!p0 [hbm:s0], s1  }
0x4e: {  	s0 =	simm.s32 @!p0 $0x1  }
0x4f: {  	_ =	swait.ge @!p0 [sflag:s0], s1  }
0x50: {  	s1 =	ssub.s32 @!p0 $0x0, s1;
	[sflag:s0] =	ssyncset.done @!p0 $0x0  }
0x51: {  	[sflag:s0] =	ssyncadd.s32 @!p0 s1  }
0x52: {  	[bflag:$0x3] =	sbarrier.arrive $0xFFFF  }
0x53: {  	_ =	shalt  }

</sc_bundles>
